<compile_context>
chip_gen: v7x
topology: tpu7x:2x2x1
jax: 0.10.2.dev20260603
libtpu: 0.0.44.dev20260713+nightly
codegen_flags: <defaults>
</compile_context>

<pallas_src>
import functools

import jax
import jax.numpy as jnp
import numpy as np
from jax import lax
from jax.experimental import pallas as pl
from jax.experimental.pallas import tpu as pltpu
from jax.experimental.pallas import tpu_sc as plsc

N = 10000
E = 320000
D = 128
H = D // 2
NC = 4
NP = 10240
NPD = 10240
K = 112
CH = 180
KD = 80
CHD = 126
EP = 16 * CH * K
SEG = NP // 16
SEGD = NPD // 16
ZR = 128
R = 1280
EPS = 1e-5

_mesh = plsc.VectorSubcoreMesh(core_axis_name="c", subcore_axis_name="s")
_sc_params = pltpu.CompilerParams(use_tc_tiling_on_sc=False)



@functools.partial(
    pl.kernel,
    out_type=jax.ShapeDtypeStruct((2, NPD), jnp.float32),
    mesh=_mesh,
    scratch_types=[
        pltpu.VMEM((CHD, KD), jnp.int32),
        pltpu.VMEM((CHD, KD), jnp.float32),
        pltpu.VMEM((SEGD,), jnp.float32),
        pltpu.VMEM_SHARED((NPD,), jnp.float32),
    ],
    compiler_params=_sc_params,
)
def _sc_deg(cols, ws, out, col_v, w_v, zv, dacc):
    cid = lax.axis_index("c")
    sid = lax.axis_index("s")
    wid = sid * 2 + cid
    pltpu.sync_copy(cols.at[wid], col_v)
    pltpu.sync_copy(ws.at[wid], w_v)

    z16 = jnp.zeros((16,), jnp.float32)

    @pl.loop(0, SEGD // 16)
    def _(r):
        zv[pl.ds(r * 16, 16)] = z16

    pltpu.sync_copy(zv, dacc.at[pl.ds(sid * SEGD, SEGD)])
    plsc.subcore_barrier()

    @pl.loop(0, CHD)
    def _(g):
        pltpu.sync_copy(w_v.at[g], dacc.at[col_v.at[g]], add=True)

    plsc.subcore_barrier()
    pltpu.sync_copy(dacc.at[pl.ds(sid * SEGD, SEGD)],
                    out.at[cid, pl.ds(sid * SEGD, SEGD)])


@functools.partial(
    pl.kernel,
    out_type=jax.ShapeDtypeStruct((2, NP, H), jnp.float32),
    mesh=_mesh,
    scratch_types=[
        pltpu.VMEM((CH, K), jnp.int32),
        pltpu.VMEM((CH, K), jnp.int32),
        pltpu.VMEM((CH, K), jnp.float32),
        pltpu.VMEM((2, K, H), jnp.float32),
        pltpu.VMEM((ZR, H), jnp.float32),
        pltpu.VMEM_SHARED((NP, H), jnp.float32),
        pltpu.SemaphoreType.DMA,
        pltpu.SemaphoreType.DMA,
    ],
    compiler_params=_sc_params,
)
def _sc_layer(hw2v, rows2, cols, ws, out, row_v, col_v, w_v, msg, zbuf,
              acc, sm0, sm1):
    cid = lax.axis_index("c")
    sid = lax.axis_index("s")
    pltpu.sync_copy(rows2.at[cid, sid], row_v)
    pltpu.sync_copy(cols.at[sid], col_v)
    pltpu.sync_copy(ws.at[sid], w_v)

    z16 = jnp.zeros((16,), jnp.float32)

    @pl.loop(0, ZR)
    def _(r):
        for d in range(H // 16):
            zbuf[r, pl.ds(d * 16, 16)] = z16

    for j in range(SEG // ZR):
        pltpu.sync_copy(zbuf, acc.at[pl.ds(sid * SEG + j * ZR, ZR)])
    plsc.subcore_barrier()

    gsems = (sm0, sm1)
    for b in range(2):
        pltpu.async_copy(hw2v.at[row_v.at[b]], msg.at[b], gsems[b])

    @pl.loop(0, CH, step=2)
    def _(ho):
        for b in range(2):
            h = ho + b
            pltpu.make_async_copy(hw2v.at[row_v.at[h]], msg.at[b],
                                  gsems[b]).wait()

            pass

            pltpu.sync_copy(msg.at[b], acc.at[col_v.at[h]], add=True)

            @pl.when(h + 2 < CH)
            def _():
                pltpu.async_copy(hw2v.at[row_v.at[h + 2]], msg.at[b],
                                 gsems[b])

    plsc.subcore_barrier()
    pltpu.sync_copy(acc.at[pl.ds(sid * SEG, SEG)],
                    out.at[cid, pl.ds(sid * SEG, SEG)])



def _ln(h, g, b):
    mu = jnp.mean(h, axis=-1, keepdims=True)
    d = h - mu
    var = jnp.mean(d * d, axis=-1, keepdims=True)
    return d / jnp.sqrt(var + EPS) * g + b


def _gelu(x):
    return 0.5 * x * (1.0 + lax.erf(x * np.float32(1.0 / np.sqrt(2.0))))


def _tc_pre_body(x_ref, degp_ref, resW_ref, resB_ref, resG_ref, resBe_ref,
                 W0_ref, id_ref, hw2_ref, dis_ref):
    x = x_ref[...]
    deg = degp_ref[0] + degp_ref[1]
    dis = jnp.where(deg > 0, lax.rsqrt(jnp.where(deg > 0, deg, 1.0)), 0.0)
    dis_ref[...] = dis
    t = jnp.dot(x, resW_ref[...], preferred_element_type=jnp.float32)
    t = _ln(t + resB_ref[...], resG_ref[...], resBe_ref[...])
    id_ref[...] = _gelu(t)
    hw2_ref[...] = dis * jnp.dot(x, W0_ref[...],
                                 preferred_element_type=jnp.float32)


def _tc_mid_body(part_ref, dis_ref, b_ref, g_ref, be_ref, Wn_ref, hw2_ref):
    dis = dis_ref[...]
    s = jnp.concatenate([part_ref[0], part_ref[1]], axis=-1)
    s = s * dis + b_ref[...]
    h = _gelu(_ln(s, g_ref[...], be_ref[...]))
    hw2_ref[...] = dis * jnp.dot(h, Wn_ref[...],
                                 preferred_element_type=jnp.float32)


def _tc_fin_body(part_ref, dis_ref, b_ref, g_ref, be_ref, id_ref, out_ref):
    s = jnp.concatenate([part_ref[0], part_ref[1]], axis=-1)
    s = s * dis_ref[...] + b_ref[...]
    h = _gelu(_ln(s, g_ref[...], be_ref[...])) + id_ref[...]
    nrm = jnp.sqrt(jnp.sum(h * h, axis=-1, keepdims=True))
    out_ref[...] = h / jnp.maximum(nrm, 1e-8)


_G = NP // R
_spec_nd = pl.BlockSpec((R, D), lambda i: (i, 0))
_spec_n1 = pl.BlockSpec((R, 1), lambda i: (i, 0))
_spec_2n1 = pl.BlockSpec((2, R, 1), lambda i: (0, i, 0))
_spec_2nh = pl.BlockSpec((2, R, H), lambda i: (0, i, 0))
_spec_dd = pl.BlockSpec((D, D), lambda i: (0, 0))
_spec_d = pl.BlockSpec((D,), lambda i: (0,))

_f32 = jnp.float32

_tc_pre = pl.pallas_call(
    _tc_pre_body,
    grid=(_G,),
    in_specs=[_spec_nd, _spec_2n1, _spec_dd, _spec_d, _spec_d, _spec_d,
              _spec_dd],
    out_specs=[_spec_nd, _spec_nd, _spec_n1],
    out_shape=[jax.ShapeDtypeStruct((NP, D), _f32),
               jax.ShapeDtypeStruct((NP, D), _f32),
               jax.ShapeDtypeStruct((NP, 1), _f32)],
)

_tc_mid = pl.pallas_call(
    _tc_mid_body,
    grid=(_G,),
    in_specs=[_spec_2nh, _spec_n1, _spec_d, _spec_d, _spec_d, _spec_dd],
    out_specs=_spec_nd,
    out_shape=jax.ShapeDtypeStruct((NP, D), _f32),
)

_tc_fin = pl.pallas_call(
    _tc_fin_body,
    grid=(_G,),
    in_specs=[_spec_2nh, _spec_n1, _spec_d, _spec_d, _spec_d, _spec_nd],
    out_specs=_spec_nd,
    out_shape=jax.ShapeDtypeStruct((NP, D), _f32),
)


def kernel(x, edge_index, edge_weight, convW, convB, lnG, lnB, resW, resB,
           resLnG, resLnB):
    x_p = jnp.pad(x, ((0, NP - N), (0, 0)))
    row_f = jnp.pad(edge_index[0], (0, EP - E))
    col_f = jnp.pad(edge_index[1], (0, EP - E))
    w_f = jnp.pad(edge_weight, (0, EP - E))
    rows2_r = jnp.stack([row_f * 2, row_f * 2 + 1]).reshape(2, 16, CH, K)
    cols_r = col_f.reshape(16, CH, K)
    w_r = w_f.reshape(16, CH, K)
    cols_rd = col_f.reshape(32, CHD, KD)
    w_rd = w_f.reshape(32, CHD, KD)

    degp = _sc_deg(cols_rd, w_rd)[:, :NP, None]
    identity, hw2, dis = _tc_pre(x_p, degp, resW, resB, resLnG, resLnB,
                                 convW[0])
    for i in range(NC):
        hw2v = hw2.reshape(2 * NP, H)
        part = _sc_layer(hw2v, rows2_r, cols_r, w_r)
        if i < NC - 1:
            hw2 = _tc_mid(part, dis, convB[i], lnG[i], lnB[i], convW[i + 1])
        else:
            out = _tc_fin(part, dis, convB[i], lnG[i], lnB[i], identity)
    return out[:N]

# --- scband reference (transcript-rebuilt; emitter-appended) ---
"""Pipeline reference for scband-encoder-block-87737591922976 (READ-ONLY COPY).

The authoritative reference and input builder live on the scoring server;
editing this copy changes nothing except your own understanding.
"""

import jax, jax.numpy as jnp
import numpy as np

N = 10000
E = 320000
D = 128
NC = 4


def layer_norm(h, g, b, eps=1e-5):
    mu = jnp.mean(h, axis=-1, keepdims=True)
    var = jnp.mean((h - mu) ** 2, axis=-1, keepdims=True)
    return (h - mu) / jnp.sqrt(var + eps) * g + b


def gcn_conv(h, edge_index, edge_weight, W, b):
    # GCNConv with add_self_loops=False, normalize=True (PyG gcn_norm)
    row, col = edge_index[0], edge_index[1]
    deg = jnp.zeros((h.shape[0],), dtype=h.dtype).at[col].add(edge_weight)
    deg_safe = jnp.where(deg > 0, deg, 1.0)
    deg_inv_sqrt = jnp.where(deg > 0, deg_safe ** -0.5, 0.0)
    norm = deg_inv_sqrt[row] * edge_weight * deg_inv_sqrt[col]
    hw = h @ W
    msg = hw[row] * norm[:, None]
    out = jnp.zeros_like(hw).at[col].add(msg)
    return out + b


def setup_inputs(seed: int = 0) -> dict:
    key = jax.random.key(seed)
    ks = jax.random.split(key, 8)
    x = jax.random.normal(ks[0], (N, D), dtype=jnp.float32)
    edge_index = jax.random.randint(ks[1], (2, E), 0, N, dtype=jnp.int32)
    edge_weight = jax.random.uniform(ks[2], (E,), dtype=jnp.float32)
    scale = 1.0 / np.sqrt(D)
    convW = jax.random.normal(ks[3], (NC, D, D), dtype=jnp.float32) * scale
    convB = jnp.zeros((NC, D), dtype=jnp.float32)
    lnG = jnp.ones((NC, D), dtype=jnp.float32)
    lnB = jnp.zeros((NC, D), dtype=jnp.float32)
    resW = jax.random.normal(ks[4], (D, D), dtype=jnp.float32) * scale
    resB = jnp.zeros((D,), dtype=jnp.float32)
    resLnG = jnp.ones((D,), dtype=jnp.float32)
    resLnB = jnp.zeros((D,), dtype=jnp.float32)
    return {
        "x": x, "edge_index": edge_index, "edge_weight": edge_weight,
        "convW": convW, "convB": convB, "lnG": lnG, "lnB": lnB,
        "resW": resW, "resB": resB, "resLnG": resLnG, "resLnB": resLnB,
    }


def reference(x, edge_index, edge_weight, convW, convB, lnG, lnB, resW, resB, resLnG, resLnB):
    # residual branch: Linear -> LayerNorm -> GELU
    identity = jax.nn.gelu(layer_norm(x @ resW + resB, resLnG, resLnB), approximate=False)
    out = x
    for i in range(NC):
        out = gcn_conv(out, edge_index, edge_weight, convW[i], convB[i])
        out = layer_norm(out, lnG[i], lnB[i])
        out = jax.nn.gelu(out, approximate=False)
    out = out + identity
    nrm = jnp.linalg.norm(out, ord=2, axis=-1, keepdims=True)
    return out / jnp.maximum(nrm, 1e-8)

if __name__ == "__main__":
    import jax
    _d = setup_inputs()
    print(jax.jit(kernel)(*tuple(_d.values())))

</pallas_src>

<mosaic_0001>
#map = affine_map<(d0, d1) -> (0, 0, 0)>
#map1 = affine_map<(d0, d1) -> (0, 0)>
module attributes {stable_mosaic.version = 14 : i64} {
  func.func @_sc_deg(%arg0: i32, %arg1: i32, %arg2: memref<32x126x80xi32, #tpu.memory_space<hbm>>, %arg3: memref<32x126x80xf32, #tpu.memory_space<hbm>>, %arg4: memref<2x10240xf32, #tpu.memory_space<hbm>>, %arg5: memref<126x80xi32, #tpu.memory_space<vmem>>, %arg6: memref<126x80xf32, #tpu.memory_space<vmem>>, %arg7: memref<640xf32, #tpu.memory_space<vmem>>, %arg8: memref<10240xf32, #tpu.memory_space<vmem_shared>>) attributes {dimension_semantics = [#tpu.dimension_semantics<core_parallel>, #tpu.dimension_semantics<subcore_parallel>], iteration_bounds = array<i64: 2, 16>, scalar_prefetch = 0 : i64, scratch_operands = 4 : i64, tpu.core_type = #tpu.core_type<sc_vector_subcore>, window_params = [{transform_indices = #map}, {transform_indices = #map}, {transform_indices = #map1}]} {
    %mul3A = arith.constant 2 : i32
    %mul3A_0 = arith.muli %arg1, %mul3A : i32
    %add3A = arith.addi %mul3A_0, %arg0 : i32
    "tpu.region"() ({
      %run_scoped3A = tpu.sem_alloc : memref<!tpu.dma_semaphore, #tpu.memory_space<semaphore_mem>>
      %dma_start3A = arith.constant 0 : i32
      %dma_start3A_18 = arith.constant 0 : i32
      %dma_start3A_19 = tpu.memref_slice %arg2[%add3A, %dma_start3A, %dma_start3A_18] : memref<32x126x80xi32, #tpu.memory_space<hbm>> -> memref<1x126x80xi32, #tpu.memory_space<hbm>>
      %dma_start3A_20 = tpu.memref_squeeze %dma_start3A_19 : memref<1x126x80xi32, #tpu.memory_space<hbm>> -> memref<126x80xi32, #tpu.memory_space<hbm>>
      %dma_start3A_21 = arith.constant 0 : i32
      %dma_start3A_22 = arith.constant 0 : i32
      %dma_start3A_23 = tpu.memref_slice %arg2[%add3A, %dma_start3A_21, %dma_start3A_22] : memref<32x126x80xi32, #tpu.memory_space<hbm>> -> memref<1x126x80xi32, #tpu.memory_space<hbm>>
      %dma_start3A_24 = tpu.memref_squeeze %dma_start3A_23 : memref<1x126x80xi32, #tpu.memory_space<hbm>> -> memref<126x80xi32, #tpu.memory_space<hbm>>
      tpu.enqueue_dma source(%dma_start3A_24 : memref<126x80xi32, #tpu.memory_space<hbm>>) target(%arg5 : memref<126x80xi32, #tpu.memory_space<vmem>>) target_semaphore(%run_scoped3A : memref<!tpu.dma_semaphore, #tpu.memory_space<semaphore_mem>>)
      %dma_wait3A = arith.constant 0 : i32
      %dma_wait3A_25 = arith.constant 0 : i32
      %dma_wait3A_26 = tpu.memref_slice %arg2[%add3A, %dma_wait3A, %dma_wait3A_25] : memref<32x126x80xi32, #tpu.memory_space<hbm>> -> memref<1x126x80xi32, #tpu.memory_space<hbm>>
      %dma_wait3A_27 = tpu.memref_squeeze %dma_wait3A_26 : memref<1x126x80xi32, #tpu.memory_space<hbm>> -> memref<126x80xi32, #tpu.memory_space<hbm>>
      %dma_wait3A_28 = arith.constant 0 : i32
      %dma_wait3A_29 = arith.constant 0 : i32
      %dma_wait3A_30 = tpu.memref_slice %arg2[%add3A, %dma_wait3A_28, %dma_wait3A_29] : memref<32x126x80xi32, #tpu.memory_space<hbm>> -> memref<1x126x80xi32, #tpu.memory_space<hbm>>
      %dma_wait3A_31 = tpu.memref_squeeze %dma_wait3A_30 : memref<1x126x80xi32, #tpu.memory_space<hbm>> -> memref<126x80xi32, #tpu.memory_space<hbm>>
      tpu.wait_dma2 semaphore(%run_scoped3A : memref<!tpu.dma_semaphore, #tpu.memory_space<semaphore_mem>>) src(%dma_wait3A_31 : memref<126x80xi32, #tpu.memory_space<hbm>>) dst(%arg5 : memref<126x80xi32, #tpu.memory_space<vmem>>)
      tpu.yield
    }) : () -> ()
    "tpu.region"() ({
      %run_scoped3A = tpu.sem_alloc : memref<!tpu.dma_semaphore, #tpu.memory_space<semaphore_mem>>
      %dma_start3A = arith.constant 0 : i32
      %dma_start3A_18 = arith.constant 0 : i32
      %dma_start3A_19 = tpu.memref_slice %arg3[%add3A, %dma_start3A, %dma_start3A_18] : memref<32x126x80xf32, #tpu.memory_space<hbm>> -> memref<1x126x80xf32, #tpu.memory_space<hbm>>
      %dma_start3A_20 = tpu.memref_squeeze %dma_start3A_19 : memref<1x126x80xf32, #tpu.memory_space<hbm>> -> memref<126x80xf32, #tpu.memory_space<hbm>>
      %dma_start3A_21 = arith.constant 0 : i32
      %dma_start3A_22 = arith.constant 0 : i32
      %dma_start3A_23 = tpu.memref_slice %arg3[%add3A, %dma_start3A_21, %dma_start3A_22] : memref<32x126x80xf32, #tpu.memory_space<hbm>> -> memref<1x126x80xf32, #tpu.memory_space<hbm>>
      %dma_start3A_24 = tpu.memref_squeeze %dma_start3A_23 : memref<1x126x80xf32, #tpu.memory_space<hbm>> -> memref<126x80xf32, #tpu.memory_space<hbm>>
      tpu.enqueue_dma source(%dma_start3A_24 : memref<126x80xf32, #tpu.memory_space<hbm>>) target(%arg6 : memref<126x80xf32, #tpu.memory_space<vmem>>) target_semaphore(%run_scoped3A : memref<!tpu.dma_semaphore, #tpu.memory_space<semaphore_mem>>)
      %dma_wait3A = arith.constant 0 : i32
      %dma_wait3A_25 = arith.constant 0 : i32
      %dma_wait3A_26 = tpu.memref_slice %arg3[%add3A, %dma_wait3A, %dma_wait3A_25] : memref<32x126x80xf32, #tpu.memory_space<hbm>> -> memref<1x126x80xf32, #tpu.memory_space<hbm>>
      %dma_wait3A_27 = tpu.memref_squeeze %dma_wait3A_26 : memref<1x126x80xf32, #tpu.memory_space<hbm>> -> memref<126x80xf32, #tpu.memory_space<hbm>>
      %dma_wait3A_28 = arith.constant 0 : i32
      %dma_wait3A_29 = arith.constant 0 : i32
      %dma_wait3A_30 = tpu.memref_slice %arg3[%add3A, %dma_wait3A_28, %dma_wait3A_29] : memref<32x126x80xf32, #tpu.memory_space<hbm>> -> memref<1x126x80xf32, #tpu.memory_space<hbm>>
      %dma_wait3A_31 = tpu.memref_squeeze %dma_wait3A_30 : memref<1x126x80xf32, #tpu.memory_space<hbm>> -> memref<126x80xf32, #tpu.memory_space<hbm>>
      tpu.wait_dma2 semaphore(%run_scoped3A : memref<!tpu.dma_semaphore, #tpu.memory_space<semaphore_mem>>) src(%dma_wait3A_31 : memref<126x80xf32, #tpu.memory_space<hbm>>) dst(%arg6 : memref<126x80xf32, #tpu.memory_space<vmem>>)
      tpu.yield
    }) : () -> ()
    %broadcast_in_dim3A = arith.constant 0.000000e+00 : f32
    %broadcast_in_dim3A_1 = vector.broadcast %broadcast_in_dim3A : f32 to vector<16xf32>
    %scan3A = arith.constant 0 : i32
    %scan3A_2 = arith.constant 40 : i32
    %scan3A_3 = arith.addi %scan3A, %scan3A_2 : i32
    %scan3A_4 = arith.constant 1 : i32
    scf.for %scan3A_18 = %scan3A to %scan3A_3 step %scan3A_4  : i32 {
      %mul3A_19 = arith.constant 1 : i32
      %mul3A_20 = arith.muli %scan3A_18, %mul3A_19 : i32
      %add3A_21 = arith.constant 0 : i32
      %add3A_22 = arith.addi %add3A_21, %mul3A_20 : i32
      %mul3A_23 = arith.constant 16 : i32
      %mul3A_24 = arith.muli %add3A_22, %mul3A_23 : i32
      %swap3A = arith.index_cast %mul3A_24 : i32 to index
      %swap3A_25 = tpu.vector_load %arg7[%swap3A] {strides = array<i32>} : memref<640xf32, #tpu.memory_space<vmem>>, vector<16xf32>,
      %swap3A_26 = vector.shape_cast %swap3A_25 : vector<16xf32> to vector<16xf32>
      %swap3A_27 = vector.shape_cast %broadcast_in_dim3A_1 : vector<16xf32> to vector<16xf32>
      tpu.vector_store %arg7[%swap3A], %swap3A_27 {strides = array<i32>} : memref<640xf32, #tpu.memory_space<vmem>>, vector<16xf32>,
    }
    %scan3A_5 = arith.constant 40 : i32
    %mul3A_6 = arith.constant 640 : i32
    %mul3A_7 = arith.muli %arg1, %mul3A_6 : i32
    "tpu.region"() ({
      %run_scoped3A = tpu.sem_alloc : memref<!tpu.dma_semaphore, #tpu.memory_space<semaphore_mem>>
      %dma_start3A = tpu.memref_slice %arg8[%mul3A_7] : memref<10240xf32, #tpu.memory_space<vmem_shared>> -> memref<640xf32, #tpu.memory_space<vmem_shared>>
      %dma_start3A_18 = tpu.memref_slice %arg8[%mul3A_7] : memref<10240xf32, #tpu.memory_space<vmem_shared>> -> memref<640xf32, #tpu.memory_space<vmem_shared>>
      tpu.enqueue_dma source(%arg7 : memref<640xf32, #tpu.memory_space<vmem>>) target(%dma_start3A_18 : memref<640xf32, #tpu.memory_space<vmem_shared>>) target_semaphore(%run_scoped3A : memref<!tpu.dma_semaphore, #tpu.memory_space<semaphore_mem>>)
      %dma_wait3A = tpu.memref_slice %arg8[%mul3A_7] : memref<10240xf32, #tpu.memory_space<vmem_shared>> -> memref<640xf32, #tpu.memory_space<vmem_shared>>
      %dma_wait3A_19 = tpu.memref_slice %arg8[%mul3A_7] : memref<10240xf32, #tpu.memory_space<vmem_shared>> -> memref<640xf32, #tpu.memory_space<vmem_shared>>
      tpu.wait_dma2 semaphore(%run_scoped3A : memref<!tpu.dma_semaphore, #tpu.memory_space<semaphore_mem>>) src(%arg7 : memref<640xf32, #tpu.memory_space<vmem>>) dst(%dma_wait3A_19 : memref<640xf32, #tpu.memory_space<vmem_shared>>)
      tpu.yield
    }) : () -> ()
    %barrier3A = arith.constant 0 : index
    tpu.barrier barrier_id(%barrier3A)
    %scan3A_8 = arith.constant 0 : i32
    %scan3A_9 = arith.constant 126 : i32
    %scan3A_10 = arith.addi %scan3A_8, %scan3A_9 : i32
    %scan3A_11 = arith.constant 1 : i32
    scf.for %scan3A_18 = %scan3A_8 to %scan3A_10 step %scan3A_11  : i32 {
      %mul3A_19 = arith.constant 1 : i32
      %mul3A_20 = arith.muli %scan3A_18, %mul3A_19 : i32
      %add3A_21 = arith.constant 0 : i32
      %add3A_22 = arith.addi %add3A_21, %mul3A_20 : i32
      "tpu.region"() ({
        %run_scoped3A = tpu.sem_alloc : memref<!tpu.dma_semaphore, #tpu.memory_space<semaphore_mem>>
        %dma_start3A = arith.constant 0 : i32
        %dma_start3A_23 = tpu.memref_slice %arg6[%add3A_22, %dma_start3A] : memref<126x80xf32, #tpu.memory_space<vmem>> -> memref<1x80xf32, #tpu.memory_space<vmem>>
        %dma_start3A_24 = tpu.memref_squeeze %dma_start3A_23 : memref<1x80xf32, #tpu.memory_space<vmem>> -> memref<80xf32, #tpu.memory_space<vmem>>
        %dma_start3A_25 = arith.constant 0 : i32
        %dma_start3A_26 = tpu.memref_slice %arg5[%add3A_22, %dma_start3A_25] : memref<126x80xi32, #tpu.memory_space<vmem>> -> memref<1x80xi32, #tpu.memory_space<vmem>>
        %dma_start3A_27 = tpu.memref_squeeze %dma_start3A_26 : memref<1x80xi32, #tpu.memory_space<vmem>> -> memref<80xi32, #tpu.memory_space<vmem>>
        %dma_start3A_28 = arith.constant 0 : i32
        %dma_start3A_29 = tpu.memref_slice %arg8[%dma_start3A_28] : memref<10240xf32, #tpu.memory_space<vmem_shared>> -> memref<10240xf32, #tpu.memory_space<vmem_shared>>
        tpu.enqueue_indirect_dma source(%dma_start3A_24 : memref<80xf32, #tpu.memory_space<vmem>>) target(%dma_start3A_29 : memref<10240xf32, #tpu.memory_space<vmem_shared>>) offsets(%dma_start3A_27 : memref<80xi32, #tpu.memory_space<vmem>>) semaphore(%run_scoped3A : memref<!tpu.dma_semaphore, #tpu.memory_space<semaphore_mem>>) {add = true}
        %dma_wait3A = arith.constant 0 : i32
        %dma_wait3A_30 = tpu.memref_slice %arg6[%add3A_22, %dma_wait3A] : memref<126x80xf32, #tpu.memory_space<vmem>> -> memref<1x80xf32, #tpu.memory_space<vmem>>
        %dma_wait3A_31 = tpu.memref_squeeze %dma_wait3A_30 : memref<1x80xf32, #tpu.memory_space<vmem>> -> memref<80xf32, #tpu.memory_space<vmem>>
        %dma_wait3A_32 = arith.constant 0 : i32
        %dma_wait3A_33 = tpu.memref_slice %arg5[%add3A_22, %dma_wait3A_32] : memref<126x80xi32, #tpu.memory_space<vmem>> -> memref<1x80xi32, #tpu.memory_space<vmem>>
        %dma_wait3A_34 = tpu.memref_squeeze %dma_wait3A_33 : memref<1x80xi32, #tpu.memory_space<vmem>> -> memref<80xi32, #tpu.memory_space<vmem>>
        %dma_wait3A_35 = arith.constant 0 : i32
        %dma_wait3A_36 = tpu.memref_slice %arg8[%dma_wait3A_35] : memref<10240xf32, #tpu.memory_space<vmem_shared>> -> memref<10240xf32, #tpu.memory_space<vmem_shared>>
        tpu.wait_indirect_dma semaphore(%run_scoped3A : memref<!tpu.dma_semaphore, #tpu.memory_space<semaphore_mem>>) src(%dma_wait3A_31 : memref<80xf32, #tpu.memory_space<vmem>>) dst(%dma_wait3A_36 : memref<10240xf32, #tpu.memory_space<vmem_shared>>)
        tpu.yield
      }) : () -> ()
    }
    %scan3A_12 = arith.constant 126 : i32
    %barrier3A_13 = arith.constant 0 : index
    tpu.barrier barrier_id(%barrier3A_13)
    %mul3A_14 = arith.constant 640 : i32
    %mul3A_15 = arith.muli %arg1, %mul3A_14 : i32
    %mul3A_16 = arith.constant 640 : i32
    %mul3A_17 = arith.muli %arg1, %mul3A_16 : i32
    "tpu.region"() ({
      %run_scoped3A = tpu.sem_alloc : memref<!tpu.dma_semaphore, #tpu.memory_space<semaphore_mem>>
      %dma_start3A = tpu.memref_slice %arg4[%arg0, %mul3A_17] : memref<2x10240xf32, #tpu.memory_space<hbm>> -> memref<1x640xf32, #tpu.memory_space<hbm>>
      %dma_start3A_18 = tpu.memref_squeeze %dma_start3A : memref<1x640xf32, #tpu.memory_space<hbm>> -> memref<640xf32, #tpu.memory_space<hbm>>
      %dma_start3A_19 = tpu.memref_slice %arg8[%mul3A_15] : memref<10240xf32, #tpu.memory_space<vmem_shared>> -> memref<640xf32, #tpu.memory_space<vmem_shared>>
      tpu.enqueue_dma source(%dma_start3A_19 : memref<640xf32, #tpu.memory_space<vmem_shared>>) target(%dma_start3A_18 : memref<640xf32, #tpu.memory_space<hbm>>) target_semaphore(%run_scoped3A : memref<!tpu.dma_semaphore, #tpu.memory_space<semaphore_mem>>)
      %dma_wait3A = tpu.memref_slice %arg4[%arg0, %mul3A_17] : memref<2x10240xf32, #tpu.memory_space<hbm>> -> memref<1x640xf32, #tpu.memory_space<hbm>>
      %dma_wait3A_20 = tpu.memref_squeeze %dma_wait3A : memref<1x640xf32, #tpu.memory_space<hbm>> -> memref<640xf32, #tpu.memory_space<hbm>>
      %dma_wait3A_21 = tpu.memref_slice %arg8[%mul3A_15] : memref<10240xf32, #tpu.memory_space<vmem_shared>> -> memref<640xf32, #tpu.memory_space<vmem_shared>>
      tpu.wait_dma2 semaphore(%run_scoped3A : memref<!tpu.dma_semaphore, #tpu.memory_space<semaphore_mem>>) src(%dma_wait3A_21 : memref<640xf32, #tpu.memory_space<vmem_shared>>) dst(%dma_wait3A_20 : memref<640xf32, #tpu.memory_space<hbm>>)
      tpu.yield
    }) : () -> ()
    return
  }
}

#map = affine_map<(d0, d1) -> (0, 0)>
#map1 = affine_map<(d0, d1) -> (0, 0, 0, 0)>
#map2 = affine_map<(d0, d1) -> (0, 0, 0)>
module attributes {stable_mosaic.version = 14 : i64} {
  func.func @_sc_layer(%arg0: i32, %arg1: i32, %arg2: memref<20480x64xf32, #tpu.memory_space<hbm>>, %arg3: memref<2x16x180x112xi32, #tpu.memory_space<hbm>>, %arg4: memref<16x180x112xi32, #tpu.memory_space<hbm>>, %arg5: memref<16x180x112xf32, #tpu.memory_space<hbm>>, %arg6: memref<2x10240x64xf32, #tpu.memory_space<hbm>>, %arg7: memref<180x112xi32, #tpu.memory_space<vmem>>, %arg8: memref<180x112xi32, #tpu.memory_space<vmem>>, %arg9: memref<180x112xf32, #tpu.memory_space<vmem>>, %arg10: memref<2x112x64xf32, #tpu.memory_space<vmem>>, %arg11: memref<128x64xf32, #tpu.memory_space<vmem>>, %arg12: memref<10240x64xf32, #tpu.memory_space<vmem_shared>>, %arg13: memref<!tpu.dma_semaphore, #tpu.memory_space<semaphore_mem>>, %arg14: memref<!tpu.dma_semaphore, #tpu.memory_space<semaphore_mem>>) attributes {dimension_semantics = [#tpu.dimension_semantics<core_parallel>, #tpu.dimension_semantics<subcore_parallel>], iteration_bounds = array<i64: 2, 16>, scalar_prefetch = 0 : i64, scratch_operands = 8 : i64, tpu.core_type = #tpu.core_type<sc_vector_subcore>, window_params = [{transform_indices = #map}, {transform_indices = #map1}, {transform_indices = #map2}, {transform_indices = #map2}, {transform_indices = #map2}]} {
    "tpu.region"() ({
      %run_scoped3A = tpu.sem_alloc : memref<!tpu.dma_semaphore, #tpu.memory_space<semaphore_mem>>
      %dma_start3A_56 = arith.constant 0 : i32
      %dma_start3A_57 = arith.constant 0 : i32
      %dma_start3A_58 = tpu.memref_slice %arg3[%arg0, %arg1, %dma_start3A_56, %dma_start3A_57] : memref<2x16x180x112xi32, #tpu.memory_space<hbm>> -> memref<1x1x180x112xi32, #tpu.memory_space<hbm>>
      %dma_start3A_59 = tpu.memref_squeeze %dma_start3A_58 : memref<1x1x180x112xi32, #tpu.memory_space<hbm>> -> memref<180x112xi32, #tpu.memory_space<hbm>>
      %dma_start3A_60 = arith.constant 0 : i32
      %dma_start3A_61 = arith.constant 0 : i32
      %dma_start3A_62 = tpu.memref_slice %arg3[%arg0, %arg1, %dma_start3A_60, %dma_start3A_61] : memref<2x16x180x112xi32, #tpu.memory_space<hbm>> -> memref<1x1x180x112xi32, #tpu.memory_space<hbm>>
      %dma_start3A_63 = tpu.memref_squeeze %dma_start3A_62 : memref<1x1x180x112xi32, #tpu.memory_space<hbm>> -> memref<180x112xi32, #tpu.memory_space<hbm>>
      tpu.enqueue_dma source(%dma_start3A_63 : memref<180x112xi32, #tpu.memory_space<hbm>>) target(%arg7 : memref<180x112xi32, #tpu.memory_space<vmem>>) target_semaphore(%run_scoped3A : memref<!tpu.dma_semaphore, #tpu.memory_space<semaphore_mem>>)
      %dma_wait3A = arith.constant 0 : i32
      %dma_wait3A_64 = arith.constant 0 : i32
      %dma_wait3A_65 = tpu.memref_slice %arg3[%arg0, %arg1, %dma_wait3A, %dma_wait3A_64] : memref<2x16x180x112xi32, #tpu.memory_space<hbm>> -> memref<1x1x180x112xi32, #tpu.memory_space<hbm>>
      %dma_wait3A_66 = tpu.memref_squeeze %dma_wait3A_65 : memref<1x1x180x112xi32, #tpu.memory_space<hbm>> -> memref<180x112xi32, #tpu.memory_space<hbm>>
      %dma_wait3A_67 = arith.constant 0 : i32
      %dma_wait3A_68 = arith.constant 0 : i32
      %dma_wait3A_69 = tpu.memref_slice %arg3[%arg0, %arg1, %dma_wait3A_67, %dma_wait3A_68] : memref<2x16x180x112xi32, #tpu.memory_space<hbm>> -> memref<1x1x180x112xi32, #tpu.memory_space<hbm>>
      %dma_wait3A_70 = tpu.memref_squeeze %dma_wait3A_69 : memref<1x1x180x112xi32, #tpu.memory_space<hbm>> -> memref<180x112xi32, #tpu.memory_space<hbm>>
      tpu.wait_dma2 semaphore(%run_scoped3A : memref<!tpu.dma_semaphore, #tpu.memory_space<semaphore_mem>>) src(%dma_wait3A_70 : memref<180x112xi32, #tpu.memory_space<hbm>>) dst(%arg7 : memref<180x112xi32, #tpu.memory_space<vmem>>)
      tpu.yield
    }) : () -> ()
    "tpu.region"() ({
      %run_scoped3A = tpu.sem_alloc : memref<!tpu.dma_semaphore, #tpu.memory_space<semaphore_mem>>
      %dma_start3A_56 = arith.constant 0 : i32
      %dma_start3A_57 = arith.constant 0 : i32
      %dma_start3A_58 = tpu.memref_slice %arg4[%arg1, %dma_start3A_56, %dma_start3A_57] : memref<16x180x112xi32, #tpu.memory_space<hbm>> -> memref<1x180x112xi32, #tpu.memory_space<hbm>>
      %dma_start3A_59 = tpu.memref_squeeze %dma_start3A_58 : memref<1x180x112xi32, #tpu.memory_space<hbm>> -> memref<180x112xi32, #tpu.memory_space<hbm>>
      %dma_start3A_60 = arith.constant 0 : i32
      %dma_start3A_61 = arith.constant 0 : i32
      %dma_start3A_62 = tpu.memref_slice %arg4[%arg1, %dma_start3A_60, %dma_start3A_61] : memref<16x180x112xi32, #tpu.memory_space<hbm>> -> memref<1x180x112xi32, #tpu.memory_space<hbm>>
      %dma_start3A_63 = tpu.memref_squeeze %dma_start3A_62 : memref<1x180x112xi32, #tpu.memory_space<hbm>> -> memref<180x112xi32, #tpu.memory_space<hbm>>
      tpu.enqueue_dma source(%dma_start3A_63 : memref<180x112xi32, #tpu.memory_space<hbm>>) target(%arg8 : memref<180x112xi32, #tpu.memory_space<vmem>>) target_semaphore(%run_scoped3A : memref<!tpu.dma_semaphore, #tpu.memory_space<semaphore_mem>>)
      %dma_wait3A = arith.constant 0 : i32
      %dma_wait3A_64 = arith.constant 0 : i32
      %dma_wait3A_65 = tpu.memref_slice %arg4[%arg1, %dma_wait3A, %dma_wait3A_64] : memref<16x180x112xi32, #tpu.memory_space<hbm>> -> memref<1x180x112xi32, #tpu.memory_space<hbm>>
      %dma_wait3A_66 = tpu.memref_squeeze %dma_wait3A_65 : memref<1x180x112xi32, #tpu.memory_space<hbm>> -> memref<180x112xi32, #tpu.memory_space<hbm>>
      %dma_wait3A_67 = arith.constant 0 : i32
      %dma_wait3A_68 = arith.constant 0 : i32
      %dma_wait3A_69 = tpu.memref_slice %arg4[%arg1, %dma_wait3A_67, %dma_wait3A_68] : memref<16x180x112xi32, #tpu.memory_space<hbm>> -> memref<1x180x112xi32, #tpu.memory_space<hbm>>
      %dma_wait3A_70 = tpu.memref_squeeze %dma_wait3A_69 : memref<1x180x112xi32, #tpu.memory_space<hbm>> -> memref<180x112xi32, #tpu.memory_space<hbm>>
      tpu.wait_dma2 semaphore(%run_scoped3A : memref<!tpu.dma_semaphore, #tpu.memory_space<semaphore_mem>>) src(%dma_wait3A_70 : memref<180x112xi32, #tpu.memory_space<hbm>>) dst(%arg8 : memref<180x112xi32, #tpu.memory_space<vmem>>)
      tpu.yield
    }) : () -> ()
    "tpu.region"() ({
      %run_scoped3A = tpu.sem_alloc : memref<!tpu.dma_semaphore, #tpu.memory_space<semaphore_mem>>
      %dma_start3A_56 = arith.constant 0 : i32
      %dma_start3A_57 = arith.constant 0 : i32
      %dma_start3A_58 = tpu.memref_slice %arg5[%arg1, %dma_start3A_56, %dma_start3A_57] : memref<16x180x112xf32, #tpu.memory_space<hbm>> -> memref<1x180x112xf32, #tpu.memory_space<hbm>>
      %dma_start3A_59 = tpu.memref_squeeze %dma_start3A_58 : memref<1x180x112xf32, #tpu.memory_space<hbm>> -> memref<180x112xf32, #tpu.memory_space<hbm>>
      %dma_start3A_60 = arith.constant 0 : i32
      %dma_start3A_61 = arith.constant 0 : i32
      %dma_start3A_62 = tpu.memref_slice %arg5[%arg1, %dma_start3A_60, %dma_start3A_61] : memref<16x180x112xf32, #tpu.memory_space<hbm>> -> memref<1x180x112xf32, #tpu.memory_space<hbm>>
      %dma_start3A_63 = tpu.memref_squeeze %dma_start3A_62 : memref<1x180x112xf32, #tpu.memory_space<hbm>> -> memref<180x112xf32, #tpu.memory_space<hbm>>
      tpu.enqueue_dma source(%dma_start3A_63 : memref<180x112xf32, #tpu.memory_space<hbm>>) target(%arg9 : memref<180x112xf32, #tpu.memory_space<vmem>>) target_semaphore(%run_scoped3A : memref<!tpu.dma_semaphore, #tpu.memory_space<semaphore_mem>>)
      %dma_wait3A = arith.constant 0 : i32
      %dma_wait3A_64 = arith.constant 0 : i32
      %dma_wait3A_65 = tpu.memref_slice %arg5[%arg1, %dma_wait3A, %dma_wait3A_64] : memref<16x180x112xf32, #tpu.memory_space<hbm>> -> memref<1x180x112xf32, #tpu.memory_space<hbm>>
      %dma_wait3A_66 = tpu.memref_squeeze %dma_wait3A_65 : memref<1x180x112xf32, #tpu.memory_space<hbm>> -> memref<180x112xf32, #tpu.memory_space<hbm>>
      %dma_wait3A_67 = arith.constant 0 : i32
      %dma_wait3A_68 = arith.constant 0 : i32
      %dma_wait3A_69 = tpu.memref_slice %arg5[%arg1, %dma_wait3A_67, %dma_wait3A_68] : memref<16x180x112xf32, #tpu.memory_space<hbm>> -> memref<1x180x112xf32, #tpu.memory_space<hbm>>
      %dma_wait3A_70 = tpu.memref_squeeze %dma_wait3A_69 : memref<1x180x112xf32, #tpu.memory_space<hbm>> -> memref<180x112xf32, #tpu.memory_space<hbm>>
      tpu.wait_dma2 semaphore(%run_scoped3A : memref<!tpu.dma_semaphore, #tpu.memory_space<semaphore_mem>>) src(%dma_wait3A_70 : memref<180x112xf32, #tpu.memory_space<hbm>>) dst(%arg9 : memref<180x112xf32, #tpu.memory_space<vmem>>)
      tpu.yield
    }) : () -> ()
    %broadcast_in_dim3A = arith.constant 0.000000e+00 : f32
    %broadcast_in_dim3A_0 = vector.broadcast %broadcast_in_dim3A : f32 to vector<16xf32>
    %scan3A = arith.constant 0 : i32
    %scan3A_1 = arith.constant 128 : i32
    %scan3A_2 = arith.addi %scan3A, %scan3A_1 : i32
    %scan3A_3 = arith.constant 1 : i32
    scf.for %scan3A_56 = %scan3A to %scan3A_2 step %scan3A_3  : i32 {
      %mul3A_57 = arith.constant 1 : i32
      %mul3A_58 = arith.muli %scan3A_56, %mul3A_57 : i32
      %add3A_59 = arith.constant 0 : i32
      %add3A_60 = arith.addi %add3A_59, %mul3A_58 : i32
      %swap3A = arith.index_cast %add3A_60 : i32 to index
      %swap3A_61 = arith.constant 0 : index
      %swap3A_62 = tpu.vector_load %arg11[%swap3A, %swap3A_61] {strides = array<i32>} : memref<128x64xf32, #tpu.memory_space<vmem>>, vector<1x16xf32>,
      %swap3A_63 = vector.shape_cast %swap3A_62 : vector<1x16xf32> to vector<16xf32>
      %swap3A_64 = vector.shape_cast %broadcast_in_dim3A_0 : vector<16xf32> to vector<1x16xf32>
      tpu.vector_store %arg11[%swap3A, %swap3A_61], %swap3A_64 {strides = array<i32>} : memref<128x64xf32, #tpu.memory_space<vmem>>, vector<1x16xf32>,
      %swap3A_65 = arith.index_cast %add3A_60 : i32 to index
      %swap3A_66 = arith.constant 16 : index
      %swap3A_67 = tpu.vector_load %arg11[%swap3A_65, %swap3A_66] {strides = array<i32>} : memref<128x64xf32, #tpu.memory_space<vmem>>, vector<1x16xf32>,
      %swap3A_68 = vector.shape_cast %swap3A_67 : vector<1x16xf32> to vector<16xf32>
      %swap3A_69 = vector.shape_cast %broadcast_in_dim3A_0 : vector<16xf32> to vector<1x16xf32>
      tpu.vector_store %arg11[%swap3A_65, %swap3A_66], %swap3A_69 {strides = array<i32>} : memref<128x64xf32, #tpu.memory_space<vmem>>, vector<1x16xf32>,
      %swap3A_70 = arith.index_cast %add3A_60 : i32 to index
      %swap3A_71 = arith.constant 32 : index
      %swap3A_72 = tpu.vector_load %arg11[%swap3A_70, %swap3A_71] {strides = array<i32>} : memref<128x64xf32, #tpu.memory_space<vmem>>, vector<1x16xf32>,
      %swap3A_73 = vector.shape_cast %swap3A_72 : vector<1x16xf32> to vector<16xf32>
      %swap3A_74 = vector.shape_cast %broadcast_in_dim3A_0 : vector<16xf32> to vector<1x16xf32>
      tpu.vector_store %arg11[%swap3A_70, %swap3A_71], %swap3A_74 {strides = array<i32>} : memref<128x64xf32, #tpu.memory_space<vmem>>, vector<1x16xf32>,
      %swap3A_75 = arith.index_cast %add3A_60 : i32 to index
      %swap3A_76 = arith.constant 48 : index
      %swap3A_77 = tpu.vector_load %arg11[%swap3A_75, %swap3A_76] {strides = array<i32>} : memref<128x64xf32, #tpu.memory_space<vmem>>, vector<1x16xf32>,
      %swap3A_78 = vector.shape_cast %swap3A_77 : vector<1x16xf32> to vector<16xf32>
      %swap3A_79 = vector.shape_cast %broadcast_in_dim3A_0 : vector<16xf32> to vector<1x16xf32>
      tpu.vector_store %arg11[%swap3A_75, %swap3A_76], %swap3A_79 {strides = array<i32>} : memref<128x64xf32, #tpu.memory_space<vmem>>, vector<1x16xf32>,
    }
    %scan3A_4 = arith.constant 128 : i32
    %mul3A = arith.constant 640 : i32
    %mul3A_5 = arith.muli %arg1, %mul3A : i32
    %add3A = arith.constant 0 : i32
    %add3A_6 = arith.addi %mul3A_5, %add3A : i32
    "tpu.region"() ({
      %run_scoped3A = tpu.sem_alloc : memref<!tpu.dma_semaphore, #tpu.memory_space<semaphore_mem>>
      %dma_start3A_56 = arith.constant 0 : i32
      %dma_start3A_57 = tpu.memref_slice %arg12[%add3A_6, %dma_start3A_56] : memref<10240x64xf32, #tpu.memory_space<vmem_shared>> -> memref<128x64xf32, #tpu.memory_space<vmem_shared>>
      %dma_start3A_58 = arith.constant 0 : i32
      %dma_start3A_59 = tpu.memref_slice %arg12[%add3A_6, %dma_start3A_58] : memref<10240x64xf32, #tpu.memory_space<vmem_shared>> -> memref<128x64xf32, #tpu.memory_space<vmem_shared>>
      tpu.enqueue_dma source(%arg11 : memref<128x64xf32, #tpu.memory_space<vmem>>) target(%dma_start3A_59 : memref<128x64xf32, #tpu.memory_space<vmem_shared>>) target_semaphore(%run_scoped3A : memref<!tpu.dma_semaphore, #tpu.memory_space<semaphore_mem>>)
      %dma_wait3A = arith.constant 0 : i32
      %dma_wait3A_60 = tpu.memref_slice %arg12[%add3A_6, %dma_wait3A] : memref<10240x64xf32, #tpu.memory_space<vmem_shared>> -> memref<128x64xf32, #tpu.memory_space<vmem_shared>>
      %dma_wait3A_61 = arith.constant 0 : i32
      %dma_wait3A_62 = tpu.memref_slice %arg12[%add3A_6, %dma_wait3A_61] : memref<10240x64xf32, #tpu.memory_space<vmem_shared>> -> memref<128x64xf32, #tpu.memory_space<vmem_shared>>
      tpu.wait_dma2 semaphore(%run_scoped3A : memref<!tpu.dma_semaphore, #tpu.memory_space<semaphore_mem>>) src(%arg11 : memref<128x64xf32, #tpu.memory_space<vmem>>) dst(%dma_wait3A_62 : memref<128x64xf32, #tpu.memory_space<vmem_shared>>)
      tpu.yield
    }) : () -> ()
    %mul3A_7 = arith.constant 640 : i32
    %mul3A_8 = arith.muli %arg1, %mul3A_7 : i32
    %add3A_9 = arith.constant 128 : i32
    %add3A_10 = arith.addi %mul3A_8, %add3A_9 : i32
    "tpu.region"() ({
      %run_scoped3A = tpu.sem_alloc : memref<!tpu.dma_semaphore, #tpu.memory_space<semaphore_mem>>
      %dma_start3A_56 = arith.constant 0 : i32
      %dma_start3A_57 = tpu.memref_slice %arg12[%add3A_10, %dma_start3A_56] : memref<10240x64xf32, #tpu.memory_space<vmem_shared>> -> memref<128x64xf32, #tpu.memory_space<vmem_shared>>
      %dma_start3A_58 = arith.constant 0 : i32
      %dma_start3A_59 = tpu.memref_slice %arg12[%add3A_10, %dma_start3A_58] : memref<10240x64xf32, #tpu.memory_space<vmem_shared>> -> memref<128x64xf32, #tpu.memory_space<vmem_shared>>
      tpu.enqueue_dma source(%arg11 : memref<128x64xf32, #tpu.memory_space<vmem>>) target(%dma_start3A_59 : memref<128x64xf32, #tpu.memory_space<vmem_shared>>) target_semaphore(%run_scoped3A : memref<!tpu.dma_semaphore, #tpu.memory_space<semaphore_mem>>)
      %dma_wait3A = arith.constant 0 : i32
      %dma_wait3A_60 = tpu.memref_slice %arg12[%add3A_10, %dma_wait3A] : memref<10240x64xf32, #tpu.memory_space<vmem_shared>> -> memref<128x64xf32, #tpu.memory_space<vmem_shared>>
      %dma_wait3A_61 = arith.constant 0 : i32
      %dma_wait3A_62 = tpu.memref_slice %arg12[%add3A_10, %dma_wait3A_61] : memref<10240x64xf32, #tpu.memory_space<vmem_shared>> -> memref<128x64xf32, #tpu.memory_space<vmem_shared>>
      tpu.wait_dma2 semaphore(%run_scoped3A : memref<!tpu.dma_semaphore, #tpu.memory_space<semaphore_mem>>) src(%arg11 : memref<128x64xf32, #tpu.memory_space<vmem>>) dst(%dma_wait3A_62 : memref<128x64xf32, #tpu.memory_space<vmem_shared>>)
      tpu.yield
    }) : () -> ()
    %mul3A_11 = arith.constant 640 : i32
    %mul3A_12 = arith.muli %arg1, %mul3A_11 : i32
    %add3A_13 = arith.constant 256 : i32
    %add3A_14 = arith.addi %mul3A_12, %add3A_13 : i32
    "tpu.region"() ({
      %run_scoped3A = tpu.sem_alloc : memref<!tpu.dma_semaphore, #tpu.memory_space<semaphore_mem>>
      %dma_start3A_56 = arith.constant 0 : i32
      %dma_start3A_57 = tpu.memref_slice %arg12[%add3A_14, %dma_start3A_56] : memref<10240x64xf32, #tpu.memory_space<vmem_shared>> -> memref<128x64xf32, #tpu.memory_space<vmem_shared>>
      %dma_start3A_58 = arith.constant 0 : i32
      %dma_start3A_59 = tpu.memref_slice %arg12[%add3A_14, %dma_start3A_58] : memref<10240x64xf32, #tpu.memory_space<vmem_shared>> -> memref<128x64xf32, #tpu.memory_space<vmem_shared>>
      tpu.enqueue_dma source(%arg11 : memref<128x64xf32, #tpu.memory_space<vmem>>) target(%dma_start3A_59 : memref<128x64xf32, #tpu.memory_space<vmem_shared>>) target_semaphore(%run_scoped3A : memref<!tpu.dma_semaphore, #tpu.memory_space<semaphore_mem>>)
      %dma_wait3A = arith.constant 0 : i32
      %dma_wait3A_60 = tpu.memref_slice %arg12[%add3A_14, %dma_wait3A] : memref<10240x64xf32, #tpu.memory_space<vmem_shared>> -> memref<128x64xf32, #tpu.memory_space<vmem_shared>>
      %dma_wait3A_61 = arith.constant 0 : i32
      %dma_wait3A_62 = tpu.memref_slice %arg12[%add3A_14, %dma_wait3A_61] : memref<10240x64xf32, #tpu.memory_space<vmem_shared>> -> memref<128x64xf32, #tpu.memory_space<vmem_shared>>
      tpu.wait_dma2 semaphore(%run_scoped3A : memref<!tpu.dma_semaphore, #tpu.memory_space<semaphore_mem>>) src(%arg11 : memref<128x64xf32, #tpu.memory_space<vmem>>) dst(%dma_wait3A_62 : memref<128x64xf32, #tpu.memory_space<vmem_shared>>)
      tpu.yield
    }) : () -> ()
    %mul3A_15 = arith.constant 640 : i32
    %mul3A_16 = arith.muli %arg1, %mul3A_15 : i32
    %add3A_17 = arith.constant 384 : i32
    %add3A_18 = arith.addi %mul3A_16, %add3A_17 : i32
    "tpu.region"() ({
      %run_scoped3A = tpu.sem_alloc : memref<!tpu.dma_semaphore, #tpu.memory_space<semaphore_mem>>
      %dma_start3A_56 = arith.constant 0 : i32
      %dma_start3A_57 = tpu.memref_slice %arg12[%add3A_18, %dma_start3A_56] : memref<10240x64xf32, #tpu.memory_space<vmem_shared>> -> memref<128x64xf32, #tpu.memory_space<vmem_shared>>
      %dma_start3A_58 = arith.constant 0 : i32
      %dma_start3A_59 = tpu.memref_slice %arg12[%add3A_18, %dma_start3A_58] : memref<10240x64xf32, #tpu.memory_space<vmem_shared>> -> memref<128x64xf32, #tpu.memory_space<vmem_shared>>
      tpu.enqueue_dma source(%arg11 : memref<128x64xf32, #tpu.memory_space<vmem>>) target(%dma_start3A_59 : memref<128x64xf32, #tpu.memory_space<vmem_shared>>) target_semaphore(%run_scoped3A : memref<!tpu.dma_semaphore, #tpu.memory_space<semaphore_mem>>)
      %dma_wait3A = arith.constant 0 : i32
      %dma_wait3A_60 = tpu.memref_slice %arg12[%add3A_18, %dma_wait3A] : memref<10240x64xf32, #tpu.memory_space<vmem_shared>> -> memref<128x64xf32, #tpu.memory_space<vmem_shared>>
      %dma_wait3A_61 = arith.constant 0 : i32
      %dma_wait3A_62 = tpu.memref_slice %arg12[%add3A_18, %dma_wait3A_61] : memref<10240x64xf32, #tpu.memory_space<vmem_shared>> -> memref<128x64xf32, #tpu.memory_space<vmem_shared>>
      tpu.wait_dma2 semaphore(%run_scoped3A : memref<!tpu.dma_semaphore, #tpu.memory_space<semaphore_mem>>) src(%arg11 : memref<128x64xf32, #tpu.memory_space<vmem>>) dst(%dma_wait3A_62 : memref<128x64xf32, #tpu.memory_space<vmem_shared>>)
      tpu.yield
    }) : () -> ()
    %mul3A_19 = arith.constant 640 : i32
    %mul3A_20 = arith.muli %arg1, %mul3A_19 : i32
    %add3A_21 = arith.constant 512 : i32
    %add3A_22 = arith.addi %mul3A_20, %add3A_21 : i32
    "tpu.region"() ({
      %run_scoped3A = tpu.sem_alloc : memref<!tpu.dma_semaphore, #tpu.memory_space<semaphore_mem>>
      %dma_start3A_56 = arith.constant 0 : i32
      %dma_start3A_57 = tpu.memref_slice %arg12[%add3A_22, %dma_start3A_56] : memref<10240x64xf32, #tpu.memory_space<vmem_shared>> -> memref<128x64xf32, #tpu.memory_space<vmem_shared>>
      %dma_start3A_58 = arith.constant 0 : i32
      %dma_start3A_59 = tpu.memref_slice %arg12[%add3A_22, %dma_start3A_58] : memref<10240x64xf32, #tpu.memory_space<vmem_shared>> -> memref<128x64xf32, #tpu.memory_space<vmem_shared>>
      tpu.enqueue_dma source(%arg11 : memref<128x64xf32, #tpu.memory_space<vmem>>) target(%dma_start3A_59 : memref<128x64xf32, #tpu.memory_space<vmem_shared>>) target_semaphore(%run_scoped3A : memref<!tpu.dma_semaphore, #tpu.memory_space<semaphore_mem>>)
      %dma_wait3A = arith.constant 0 : i32
      %dma_wait3A_60 = tpu.memref_slice %arg12[%add3A_22, %dma_wait3A] : memref<10240x64xf32, #tpu.memory_space<vmem_shared>> -> memref<128x64xf32, #tpu.memory_space<vmem_shared>>
      %dma_wait3A_61 = arith.constant 0 : i32
      %dma_wait3A_62 = tpu.memref_slice %arg12[%add3A_22, %dma_wait3A_61] : memref<10240x64xf32, #tpu.memory_space<vmem_shared>> -> memref<128x64xf32, #tpu.memory_space<vmem_shared>>
      tpu.wait_dma2 semaphore(%run_scoped3A : memref<!tpu.dma_semaphore, #tpu.memory_space<semaphore_mem>>) src(%arg11 : memref<128x64xf32, #tpu.memory_space<vmem>>) dst(%dma_wait3A_62 : memref<128x64xf32, #tpu.memory_space<vmem_shared>>)
      tpu.yield
    }) : () -> ()
    %barrier3A = arith.constant 0 : index
    tpu.barrier barrier_id(%barrier3A)
    %dma_start3A = arith.constant 0 : i32
    %dma_start3A_23 = arith.constant 0 : i32
    %dma_start3A_24 = arith.constant 0 : i32
    %dma_start3A_25 = arith.constant 0 : i32
    %dma_start3A_26 = tpu.memref_slice %arg10[%dma_start3A_23, %dma_start3A_24, %dma_start3A_25] : memref<2x112x64xf32, #tpu.memory_space<vmem>> -> memref<1x112x64xf32, #tpu.memory_space<vmem>>
    %dma_start3A_27 = tpu.memref_squeeze %dma_start3A_26 : memref<1x112x64xf32, #tpu.memory_space<vmem>> -> memref<112x64xf32, #tpu.memory_space<vmem>>
    %dma_start3A_28 = arith.constant 0 : i32
    %dma_start3A_29 = tpu.memref_slice %arg7[%dma_start3A, %dma_start3A_28] : memref<180x112xi32, #tpu.memory_space<vmem>> -> memref<1x112xi32, #tpu.memory_space<vmem>>
    %dma_start3A_30 = tpu.memref_squeeze %dma_start3A_29 : memref<1x112xi32, #tpu.memory_space<vmem>> -> memref<112xi32, #tpu.memory_space<vmem>>
    %dma_start3A_31 = arith.constant 0 : i32
    %dma_start3A_32 = arith.constant 0 : i32
    %dma_start3A_33 = tpu.memref_slice %arg2[%dma_start3A_31, %dma_start3A_32] : memref<20480x64xf32, #tpu.memory_space<hbm>> -> memref<20480x64xf32, #tpu.memory_space<hbm>>
    tpu.enqueue_indirect_dma source(%dma_start3A_33 : memref<20480x64xf32, #tpu.memory_space<hbm>>) target(%dma_start3A_27 : memref<112x64xf32, #tpu.memory_space<vmem>>) offsets(%dma_start3A_30 : memref<112xi32, #tpu.memory_space<vmem>>) semaphore(%arg13 : memref<!tpu.dma_semaphore, #tpu.memory_space<semaphore_mem>>)
    %dma_start3A_34 = arith.constant 1 : i32
    %dma_start3A_35 = arith.constant 1 : i32
    %dma_start3A_36 = arith.constant 0 : i32
    %dma_start3A_37 = arith.constant 0 : i32
    %dma_start3A_38 = tpu.memref_slice %arg10[%dma_start3A_35, %dma_start3A_36, %dma_start3A_37] : memref<2x112x64xf32, #tpu.memory_space<vmem>> -> memref<1x112x64xf32, #tpu.memory_space<vmem>>
    %dma_start3A_39 = tpu.memref_squeeze %dma_start3A_38 : memref<1x112x64xf32, #tpu.memory_space<vmem>> -> memref<112x64xf32, #tpu.memory_space<vmem>>
    %dma_start3A_40 = arith.constant 0 : i32
    %dma_start3A_41 = tpu.memref_slice %arg7[%dma_start3A_34, %dma_start3A_40] : memref<180x112xi32, #tpu.memory_space<vmem>> -> memref<1x112xi32, #tpu.memory_space<vmem>>
    %dma_start3A_42 = tpu.memref_squeeze %dma_start3A_41 : memref<1x112xi32, #tpu.memory_space<vmem>> -> memref<112xi32, #tpu.memory_space<vmem>>
    %dma_start3A_43 = arith.constant 0 : i32
    %dma_start3A_44 = arith.constant 0 : i32
    %dma_start3A_45 = tpu.memref_slice %arg2[%dma_start3A_43, %dma_start3A_44] : memref<20480x64xf32, #tpu.memory_space<hbm>> -> memref<20480x64xf32, #tpu.memory_space<hbm>>
    tpu.enqueue_indirect_dma source(%dma_start3A_45 : memref<20480x64xf32, #tpu.memory_space<hbm>>) target(%dma_start3A_39 : memref<112x64xf32, #tpu.memory_space<vmem>>) offsets(%dma_start3A_42 : memref<112xi32, #tpu.memory_space<vmem>>) semaphore(%arg14 : memref<!tpu.dma_semaphore, #tpu.memory_space<semaphore_mem>>)
    %scan3A_46 = arith.constant 0 : i32
    %scan3A_47 = arith.constant 90 : i32
    %scan3A_48 = arith.addi %scan3A_46, %scan3A_47 : i32
    %scan3A_49 = arith.constant 1 : i32
    scf.for %scan3A_56 = %scan3A_46 to %scan3A_48 step %scan3A_49  : i32 {
      %mul3A_57 = arith.constant 2 : i32
      %mul3A_58 = arith.muli %scan3A_56, %mul3A_57 : i32
      %add3A_59 = arith.constant 0 : i32
      %add3A_60 = arith.addi %add3A_59, %mul3A_58 : i32
      %add3A_61 = arith.constant 0 : i32
      %add3A_62 = arith.addi %add3A_60, %add3A_61 : i32
      %dma_wait3A = arith.constant 0 : i32
      %dma_wait3A_63 = arith.constant 0 : i32
      %dma_wait3A_64 = arith.constant 0 : i32
      %dma_wait3A_65 = tpu.memref_slice %arg10[%dma_wait3A, %dma_wait3A_63, %dma_wait3A_64] : memref<2x112x64xf32, #tpu.memory_space<vmem>> -> memref<1x112x64xf32, #tpu.memory_space<vmem>>
      %dma_wait3A_66 = tpu.memref_squeeze %dma_wait3A_65 : memref<1x112x64xf32, #tpu.memory_space<vmem>> -> memref<112x64xf32, #tpu.memory_space<vmem>>
      %dma_wait3A_67 = arith.constant 0 : i32
      %dma_wait3A_68 = tpu.memref_slice %arg7[%add3A_62, %dma_wait3A_67] : memref<180x112xi32, #tpu.memory_space<vmem>> -> memref<1x112xi32, #tpu.memory_space<vmem>>
      %dma_wait3A_69 = tpu.memref_squeeze %dma_wait3A_68 : memref<1x112xi32, #tpu.memory_space<vmem>> -> memref<112xi32, #tpu.memory_space<vmem>>
      %dma_wait3A_70 = arith.constant 0 : i32
      %dma_wait3A_71 = arith.constant 0 : i32
      %dma_wait3A_72 = tpu.memref_slice %arg2[%dma_wait3A_70, %dma_wait3A_71] : memref<20480x64xf32, #tpu.memory_space<hbm>> -> memref<20480x64xf32, #tpu.memory_space<hbm>>
      tpu.wait_indirect_dma semaphore(%arg13 : memref<!tpu.dma_semaphore, #tpu.memory_space<semaphore_mem>>) src(%dma_wait3A_72 : memref<20480x64xf32, #tpu.memory_space<hbm>>) dst(%dma_wait3A_66 : memref<112x64xf32, #tpu.memory_space<vmem>>)
      %run_scoped3A = arith.constant 0 : i32
      "tpu.region"() ({
        %run_scoped3A_98 = tpu.sem_alloc : memref<!tpu.dma_semaphore, #tpu.memory_space<semaphore_mem>>
        %dma_start3A_99 = arith.constant 0 : i32
        %dma_start3A_100 = arith.constant 0 : i32
        %dma_start3A_101 = tpu.memref_slice %arg10[%run_scoped3A, %dma_start3A_99, %dma_start3A_100] : memref<2x112x64xf32, #tpu.memory_space<vmem>> -> memref<1x112x64xf32, #tpu.memory_space<vmem>>
        %dma_start3A_102 = tpu.memref_squeeze %dma_start3A_101 : memref<1x112x64xf32, #tpu.memory_space<vmem>> -> memref<112x64xf32, #tpu.memory_space<vmem>>
        %dma_start3A_103 = arith.constant 0 : i32
        %dma_start3A_104 = tpu.memref_slice %arg8[%add3A_62, %dma_start3A_103] : memref<180x112xi32, #tpu.memory_space<vmem>> -> memref<1x112xi32, #tpu.memory_space<vmem>>
        %dma_start3A_105 = tpu.memref_squeeze %dma_start3A_104 : memref<1x112xi32, #tpu.memory_space<vmem>> -> memref<112xi32, #tpu.memory_space<vmem>>
        %dma_start3A_106 = arith.constant 0 : i32
        %dma_start3A_107 = arith.constant 0 : i32
        %dma_start3A_108 = tpu.memref_slice %arg12[%dma_start3A_106, %dma_start3A_107] : memref<10240x64xf32, #tpu.memory_space<vmem_shared>> -> memref<10240x64xf32, #tpu.memory_space<vmem_shared>>
        tpu.enqueue_indirect_dma source(%dma_start3A_102 : memref<112x64xf32, #tpu.memory_space<vmem>>) target(%dma_start3A_108 : memref<10240x64xf32, #tpu.memory_space<vmem_shared>>) offsets(%dma_start3A_105 : memref<112xi32, #tpu.memory_space<vmem>>) semaphore(%run_scoped3A_98 : memref<!tpu.dma_semaphore, #tpu.memory_space<semaphore_mem>>) {add = true}
        %dma_wait3A_109 = arith.constant 0 : i32
        %dma_wait3A_110 = arith.constant 0 : i32
        %dma_wait3A_111 = tpu.memref_slice %arg10[%run_scoped3A, %dma_wait3A_109, %dma_wait3A_110] : memref<2x112x64xf32, #tpu.memory_space<vmem>> -> memref<1x112x64xf32, #tpu.memory_space<vmem>>
        %dma_wait3A_112 = tpu.memref_squeeze %dma_wait3A_111 : memref<1x112x64xf32, #tpu.memory_space<vmem>> -> memref<112x64xf32, #tpu.memory_space<vmem>>
        %dma_wait3A_113 = arith.constant 0 : i32
        %dma_wait3A_114 = tpu.memref_slice %arg8[%add3A_62, %dma_wait3A_113] : memref<180x112xi32, #tpu.memory_space<vmem>> -> memref<1x112xi32, #tpu.memory_space<vmem>>
        %dma_wait3A_115 = tpu.memref_squeeze %dma_wait3A_114 : memref<1x112xi32, #tpu.memory_space<vmem>> -> memref<112xi32, #tpu.memory_space<vmem>>
        %dma_wait3A_116 = arith.constant 0 : i32
        %dma_wait3A_117 = arith.constant 0 : i32
        %dma_wait3A_118 = tpu.memref_slice %arg12[%dma_wait3A_116, %dma_wait3A_117] : memref<10240x64xf32, #tpu.memory_space<vmem_shared>> -> memref<10240x64xf32, #tpu.memory_space<vmem_shared>>
        tpu.wait_indirect_dma semaphore(%run_scoped3A_98 : memref<!tpu.dma_semaphore, #tpu.memory_space<semaphore_mem>>) src(%dma_wait3A_112 : memref<112x64xf32, #tpu.memory_space<vmem>>) dst(%dma_wait3A_118 : memref<10240x64xf32, #tpu.memory_space<vmem_shared>>)
        tpu.yield
      }) : () -> ()
      %add3A_73 = arith.constant 2 : i32
      %add3A_74 = arith.addi %add3A_62, %add3A_73 : i32
      %lt3A = arith.constant 180 : i32
      %lt3A_75 = arith.cmpi slt, %add3A_74, %lt3A : i32
      %convert_element_type3A = arith.extui %lt3A_75 : i1 to i32
      %cond3A = arith.constant 0 : i32
      %cond3A_76 = arith.cmpi ne, %convert_element_type3A, %cond3A : i32
      scf.if %cond3A_76 {
        %add3A_98 = arith.constant 2 : i32
        %add3A_99 = arith.addi %add3A_62, %add3A_98 : i32
        %dma_start3A_100 = arith.constant 0 : i32
        %dma_start3A_101 = arith.constant 0 : i32
        %dma_start3A_102 = arith.constant 0 : i32
        %dma_start3A_103 = tpu.memref_slice %arg10[%dma_start3A_100, %dma_start3A_101, %dma_start3A_102] : memref<2x112x64xf32, #tpu.memory_space<vmem>> -> memref<1x112x64xf32, #tpu.memory_space<vmem>>
        %dma_start3A_104 = tpu.memref_squeeze %dma_start3A_103 : memref<1x112x64xf32, #tpu.memory_space<vmem>> -> memref<112x64xf32, #tpu.memory_space<vmem>>
        %dma_start3A_105 = arith.constant 0 : i32
        %dma_start3A_106 = tpu.memref_slice %arg7[%add3A_99, %dma_start3A_105] : memref<180x112xi32, #tpu.memory_space<vmem>> -> memref<1x112xi32, #tpu.memory_space<vmem>>
        %dma_start3A_107 = tpu.memref_squeeze %dma_start3A_106 : memref<1x112xi32, #tpu.memory_space<vmem>> -> memref<112xi32, #tpu.memory_space<vmem>>
        %dma_start3A_108 = arith.constant 0 : i32
        %dma_start3A_109 = arith.constant 0 : i32
        %dma_start3A_110 = tpu.memref_slice %arg2[%dma_start3A_108, %dma_start3A_109] : memref<20480x64xf32, #tpu.memory_space<hbm>> -> memref<20480x64xf32, #tpu.memory_space<hbm>>
        tpu.enqueue_indirect_dma source(%dma_start3A_110 : memref<20480x64xf32, #tpu.memory_space<hbm>>) target(%dma_start3A_104 : memref<112x64xf32, #tpu.memory_space<vmem>>) offsets(%dma_start3A_107 : memref<112xi32, #tpu.memory_space<vmem>>) semaphore(%arg13 : memref<!tpu.dma_semaphore, #tpu.memory_space<semaphore_mem>>)
      } else {
      }
      %add3A_77 = arith.constant 1 : i32
      %add3A_78 = arith.addi %add3A_60, %add3A_77 : i32
      %dma_wait3A_79 = arith.constant 1 : i32
      %dma_wait3A_80 = arith.constant 0 : i32
      %dma_wait3A_81 = arith.constant 0 : i32
      %dma_wait3A_82 = tpu.memref_slice %arg10[%dma_wait3A_79, %dma_wait3A_80, %dma_wait3A_81] : memref<2x112x64xf32, #tpu.memory_space<vmem>> -> memref<1x112x64xf32, #tpu.memory_space<vmem>>
      %dma_wait3A_83 = tpu.memref_squeeze %dma_wait3A_82 : memref<1x112x64xf32, #tpu.memory_space<vmem>> -> memref<112x64xf32, #tpu.memory_space<vmem>>
      %dma_wait3A_84 = arith.constant 0 : i32
      %dma_wait3A_85 = tpu.memref_slice %arg7[%add3A_78, %dma_wait3A_84] : memref<180x112xi32, #tpu.memory_space<vmem>> -> memref<1x112xi32, #tpu.memory_space<vmem>>
      %dma_wait3A_86 = tpu.memref_squeeze %dma_wait3A_85 : memref<1x112xi32, #tpu.memory_space<vmem>> -> memref<112xi32, #tpu.memory_space<vmem>>
      %dma_wait3A_87 = arith.constant 0 : i32
      %dma_wait3A_88 = arith.constant 0 : i32
      %dma_wait3A_89 = tpu.memref_slice %arg2[%dma_wait3A_87, %dma_wait3A_88] : memref<20480x64xf32, #tpu.memory_space<hbm>> -> memref<20480x64xf32, #tpu.memory_space<hbm>>
      tpu.wait_indirect_dma semaphore(%arg14 : memref<!tpu.dma_semaphore, #tpu.memory_space<semaphore_mem>>) src(%dma_wait3A_89 : memref<20480x64xf32, #tpu.memory_space<hbm>>) dst(%dma_wait3A_83 : memref<112x64xf32, #tpu.memory_space<vmem>>)
      %run_scoped3A_90 = arith.constant 1 : i32
      "tpu.region"() ({
        %run_scoped3A_98 = tpu.sem_alloc : memref<!tpu.dma_semaphore, #tpu.memory_space<semaphore_mem>>
        %dma_start3A_99 = arith.constant 0 : i32
        %dma_start3A_100 = arith.constant 0 : i32
        %dma_start3A_101 = tpu.memref_slice %arg10[%run_scoped3A_90, %dma_start3A_99, %dma_start3A_100] : memref<2x112x64xf32, #tpu.memory_space<vmem>> -> memref<1x112x64xf32, #tpu.memory_space<vmem>>
        %dma_start3A_102 = tpu.memref_squeeze %dma_start3A_101 : memref<1x112x64xf32, #tpu.memory_space<vmem>> -> memref<112x64xf32, #tpu.memory_space<vmem>>
        %dma_start3A_103 = arith.constant 0 : i32
        %dma_start3A_104 = tpu.memref_slice %arg8[%add3A_78, %dma_start3A_103] : memref<180x112xi32, #tpu.memory_space<vmem>> -> memref<1x112xi32, #tpu.memory_space<vmem>>
        %dma_start3A_105 = tpu.memref_squeeze %dma_start3A_104 : memref<1x112xi32, #tpu.memory_space<vmem>> -> memref<112xi32, #tpu.memory_space<vmem>>
        %dma_start3A_106 = arith.constant 0 : i32
        %dma_start3A_107 = arith.constant 0 : i32
        %dma_start3A_108 = tpu.memref_slice %arg12[%dma_start3A_106, %dma_start3A_107] : memref<10240x64xf32, #tpu.memory_space<vmem_shared>> -> memref<10240x64xf32, #tpu.memory_space<vmem_shared>>
        tpu.enqueue_indirect_dma source(%dma_start3A_102 : memref<112x64xf32, #tpu.memory_space<vmem>>) target(%dma_start3A_108 : memref<10240x64xf32, #tpu.memory_space<vmem_shared>>) offsets(%dma_start3A_105 : memref<112xi32, #tpu.memory_space<vmem>>) semaphore(%run_scoped3A_98 : memref<!tpu.dma_semaphore, #tpu.memory_space<semaphore_mem>>) {add = true}
        %dma_wait3A_109 = arith.constant 0 : i32
        %dma_wait3A_110 = arith.constant 0 : i32
        %dma_wait3A_111 = tpu.memref_slice %arg10[%run_scoped3A_90, %dma_wait3A_109, %dma_wait3A_110] : memref<2x112x64xf32, #tpu.memory_space<vmem>> -> memref<1x112x64xf32, #tpu.memory_space<vmem>>
        %dma_wait3A_112 = tpu.memref_squeeze %dma_wait3A_111 : memref<1x112x64xf32, #tpu.memory_space<vmem>> -> memref<112x64xf32, #tpu.memory_space<vmem>>
        %dma_wait3A_113 = arith.constant 0 : i32
        %dma_wait3A_114 = tpu.memref_slice %arg8[%add3A_78, %dma_wait3A_113] : memref<180x112xi32, #tpu.memory_space<vmem>> -> memref<1x112xi32, #tpu.memory_space<vmem>>
        %dma_wait3A_115 = tpu.memref_squeeze %dma_wait3A_114 : memref<1x112xi32, #tpu.memory_space<vmem>> -> memref<112xi32, #tpu.memory_space<vmem>>
        %dma_wait3A_116 = arith.constant 0 : i32
        %dma_wait3A_117 = arith.constant 0 : i32
        %dma_wait3A_118 = tpu.memref_slice %arg12[%dma_wait3A_116, %dma_wait3A_117] : memref<10240x64xf32, #tpu.memory_space<vmem_shared>> -> memref<10240x64xf32, #tpu.memory_space<vmem_shared>>
        tpu.wait_indirect_dma semaphore(%run_scoped3A_98 : memref<!tpu.dma_semaphore, #tpu.memory_space<semaphore_mem>>) src(%dma_wait3A_112 : memref<112x64xf32, #tpu.memory_space<vmem>>) dst(%dma_wait3A_118 : memref<10240x64xf32, #tpu.memory_space<vmem_shared>>)
        tpu.yield
      }) : () -> ()
      %add3A_91 = arith.constant 2 : i32
      %add3A_92 = arith.addi %add3A_78, %add3A_91 : i32
      %lt3A_93 = arith.constant 180 : i32
      %lt3A_94 = arith.cmpi slt, %add3A_92, %lt3A_93 : i32
      %convert_element_type3A_95 = arith.extui %lt3A_94 : i1 to i32
      %cond3A_96 = arith.constant 0 : i32
      %cond3A_97 = arith.cmpi ne, %convert_element_type3A_95, %cond3A_96 : i32
      scf.if %cond3A_97 {
        %add3A_98 = arith.constant 2 : i32
        %add3A_99 = arith.addi %add3A_78, %add3A_98 : i32
        %dma_start3A_100 = arith.constant 1 : i32
        %dma_start3A_101 = arith.constant 0 : i32
        %dma_start3A_102 = arith.constant 0 : i32
        %dma_start3A_103 = tpu.memref_slice %arg10[%dma_start3A_100, %dma_start3A_101, %dma_start3A_102] : memref<2x112x64xf32, #tpu.memory_space<vmem>> -> memref<1x112x64xf32, #tpu.memory_space<vmem>>
        %dma_start3A_104 = tpu.memref_squeeze %dma_start3A_103 : memref<1x112x64xf32, #tpu.memory_space<vmem>> -> memref<112x64xf32, #tpu.memory_space<vmem>>
        %dma_start3A_105 = arith.constant 0 : i32
        %dma_start3A_106 = tpu.memref_slice %arg7[%add3A_99, %dma_start3A_105] : memref<180x112xi32, #tpu.memory_space<vmem>> -> memref<1x112xi32, #tpu.memory_space<vmem>>
        %dma_start3A_107 = tpu.memref_squeeze %dma_start3A_106 : memref<1x112xi32, #tpu.memory_space<vmem>> -> memref<112xi32, #tpu.memory_space<vmem>>
        %dma_start3A_108 = arith.constant 0 : i32
        %dma_start3A_109 = arith.constant 0 : i32
        %dma_start3A_110 = tpu.memref_slice %arg2[%dma_start3A_108, %dma_start3A_109] : memref<20480x64xf32, #tpu.memory_space<hbm>> -> memref<20480x64xf32, #tpu.memory_space<hbm>>
        tpu.enqueue_indirect_dma source(%dma_start3A_110 : memref<20480x64xf32, #tpu.memory_space<hbm>>) target(%dma_start3A_104 : memref<112x64xf32, #tpu.memory_space<vmem>>) offsets(%dma_start3A_107 : memref<112xi32, #tpu.memory_space<vmem>>) semaphore(%arg14 : memref<!tpu.dma_semaphore, #tpu.memory_space<semaphore_mem>>)
      } else {
      }
    }
    %scan3A_50 = arith.constant 90 : i32
    %barrier3A_51 = arith.constant 0 : index
    tpu.barrier barrier_id(%barrier3A_51)
    %mul3A_52 = arith.constant 640 : i32
    %mul3A_53 = arith.muli %arg1, %mul3A_52 : i32
    %mul3A_54 = arith.constant 640 : i32
    %mul3A_55 = arith.muli %arg1, %mul3A_54 : i32
    "tpu.region"() ({
      %run_scoped3A = tpu.sem_alloc : memref<!tpu.dma_semaphore, #tpu.memory_space<semaphore_mem>>
      %dma_start3A_56 = arith.constant 0 : i32
      %dma_start3A_57 = tpu.memref_slice %arg6[%arg0, %mul3A_55, %dma_start3A_56] : memref<2x10240x64xf32, #tpu.memory_space<hbm>> -> memref<1x640x64xf32, #tpu.memory_space<hbm>>
      %dma_start3A_58 = tpu.memref_squeeze %dma_start3A_57 : memref<1x640x64xf32, #tpu.memory_space<hbm>> -> memref<640x64xf32, #tpu.memory_space<hbm>>
      %dma_start3A_59 = arith.constant 0 : i32
      %dma_start3A_60 = tpu.memref_slice %arg12[%mul3A_53, %dma_start3A_59] : memref<10240x64xf32, #tpu.memory_space<vmem_shared>> -> memref<640x64xf32, #tpu.memory_space<vmem_shared>>
      tpu.enqueue_dma source(%dma_start3A_60 : memref<640x64xf32, #tpu.memory_space<vmem_shared>>) target(%dma_start3A_58 : memref<640x64xf32, #tpu.memory_space<hbm>>) target_semaphore(%run_scoped3A : memref<!tpu.dma_semaphore, #tpu.memory_space<semaphore_mem>>)
      %dma_wait3A = arith.constant 0 : i32
      %dma_wait3A_61 = tpu.memref_slice %arg6[%arg0, %mul3A_55, %dma_wait3A] : memref<2x10240x64xf32, #tpu.memory_space<hbm>> -> memref<1x640x64xf32, #tpu.memory_space<hbm>>
      %dma_wait3A_62 = tpu.memref_squeeze %dma_wait3A_61 : memref<1x640x64xf32, #tpu.memory_space<hbm>> -> memref<640x64xf32, #tpu.memory_space<hbm>>
      %dma_wait3A_63 = arith.constant 0 : i32
      %dma_wait3A_64 = tpu.memref_slice %arg12[%mul3A_53, %dma_wait3A_63] : memref<10240x64xf32, #tpu.memory_space<vmem_shared>> -> memref<640x64xf32, #tpu.memory_space<vmem_shared>>
      tpu.wait_dma2 semaphore(%run_scoped3A : memref<!tpu.dma_semaphore, #tpu.memory_space<semaphore_mem>>) src(%dma_wait3A_64 : memref<640x64xf32, #tpu.memory_space<vmem_shared>>) dst(%dma_wait3A_62 : memref<640x64xf32, #tpu.memory_space<hbm>>)
      tpu.yield
    }) : () -> ()
    return
  }
}

#map = affine_map<(d0, d1) -> (0, 0)>
#map1 = affine_map<(d0, d1) -> (0, 0, 0, 0)>
#map2 = affine_map<(d0, d1) -> (0, 0, 0)>
module attributes {stable_mosaic.version = 14 : i64} {
  func.func @_sc_layer(%arg0: i32, %arg1: i32, %arg2: memref<20480x64xf32, #tpu.memory_space<hbm>>, %arg3: memref<2x16x180x112xi32, #tpu.memory_space<hbm>>, %arg4: memref<16x180x112xi32, #tpu.memory_space<hbm>>, %arg5: memref<16x180x112xf32, #tpu.memory_space<hbm>>, %arg6: memref<2x10240x64xf32, #tpu.memory_space<hbm>>, %arg7: memref<180x112xi32, #tpu.memory_space<vmem>>, %arg8: memref<180x112xi32, #tpu.memory_space<vmem>>, %arg9: memref<180x112xf32, #tpu.memory_space<vmem>>, %arg10: memref<2x112x64xf32, #tpu.memory_space<vmem>>, %arg11: memref<128x64xf32, #tpu.memory_space<vmem>>, %arg12: memref<10240x64xf32, #tpu.memory_space<vmem_shared>>, %arg13: memref<!tpu.dma_semaphore, #tpu.memory_space<semaphore_mem>>, %arg14: memref<!tpu.dma_semaphore, #tpu.memory_space<semaphore_mem>>) attributes {dimension_semantics = [#tpu.dimension_semantics<core_parallel>, #tpu.dimension_semantics<subcore_parallel>], iteration_bounds = array<i64: 2, 16>, scalar_prefetch = 0 : i64, scratch_operands = 8 : i64, tpu.core_type = #tpu.core_type<sc_vector_subcore>, window_params = [{transform_indices = #map}, {transform_indices = #map1}, {transform_indices = #map2}, {transform_indices = #map2}, {transform_indices = #map2}]} {
    "tpu.region"() ({
      %run_scoped3A = tpu.sem_alloc : memref<!tpu.dma_semaphore, #tpu.memory_space<semaphore_mem>>
      %dma_start3A_56 = arith.constant 0 : i32
      %dma_start3A_57 = arith.constant 0 : i32
      %dma_start3A_58 = tpu.memref_slice %arg3[%arg0, %arg1, %dma_start3A_56, %dma_start3A_57] : memref<2x16x180x112xi32, #tpu.memory_space<hbm>> -> memref<1x1x180x112xi32, #tpu.memory_space<hbm>>
      %dma_start3A_59 = tpu.memref_squeeze %dma_start3A_58 : memref<1x1x180x112xi32, #tpu.memory_space<hbm>> -> memref<180x112xi32, #tpu.memory_space<hbm>>
      %dma_start3A_60 = arith.constant 0 : i32
      %dma_start3A_61 = arith.constant 0 : i32
      %dma_start3A_62 = tpu.memref_slice %arg3[%arg0, %arg1, %dma_start3A_60, %dma_start3A_61] : memref<2x16x180x112xi32, #tpu.memory_space<hbm>> -> memref<1x1x180x112xi32, #tpu.memory_space<hbm>>
      %dma_start3A_63 = tpu.memref_squeeze %dma_start3A_62 : memref<1x1x180x112xi32, #tpu.memory_space<hbm>> -> memref<180x112xi32, #tpu.memory_space<hbm>>
      tpu.enqueue_dma source(%dma_start3A_63 : memref<180x112xi32, #tpu.memory_space<hbm>>) target(%arg7 : memref<180x112xi32, #tpu.memory_space<vmem>>) target_semaphore(%run_scoped3A : memref<!tpu.dma_semaphore, #tpu.memory_space<semaphore_mem>>)
      %dma_wait3A = arith.constant 0 : i32
      %dma_wait3A_64 = arith.constant 0 : i32
      %dma_wait3A_65 = tpu.memref_slice %arg3[%arg0, %arg1, %dma_wait3A, %dma_wait3A_64] : memref<2x16x180x112xi32, #tpu.memory_space<hbm>> -> memref<1x1x180x112xi32, #tpu.memory_space<hbm>>
      %dma_wait3A_66 = tpu.memref_squeeze %dma_wait3A_65 : memref<1x1x180x112xi32, #tpu.memory_space<hbm>> -> memref<180x112xi32, #tpu.memory_space<hbm>>
      %dma_wait3A_67 = arith.constant 0 : i32
      %dma_wait3A_68 = arith.constant 0 : i32
      %dma_wait3A_69 = tpu.memref_slice %arg3[%arg0, %arg1, %dma_wait3A_67, %dma_wait3A_68] : memref<2x16x180x112xi32, #tpu.memory_space<hbm>> -> memref<1x1x180x112xi32, #tpu.memory_space<hbm>>
      %dma_wait3A_70 = tpu.memref_squeeze %dma_wait3A_69 : memref<1x1x180x112xi32, #tpu.memory_space<hbm>> -> memref<180x112xi32, #tpu.memory_space<hbm>>
      tpu.wait_dma2 semaphore(%run_scoped3A : memref<!tpu.dma_semaphore, #tpu.memory_space<semaphore_mem>>) src(%dma_wait3A_70 : memref<180x112xi32, #tpu.memory_space<hbm>>) dst(%arg7 : memref<180x112xi32, #tpu.memory_space<vmem>>)
      tpu.yield
    }) : () -> ()
    "tpu.region"() ({
      %run_scoped3A = tpu.sem_alloc : memref<!tpu.dma_semaphore, #tpu.memory_space<semaphore_mem>>
      %dma_start3A_56 = arith.constant 0 : i32
      %dma_start3A_57 = arith.constant 0 : i32
      %dma_start3A_58 = tpu.memref_slice %arg4[%arg1, %dma_start3A_56, %dma_start3A_57] : memref<16x180x112xi32, #tpu.memory_space<hbm>> -> memref<1x180x112xi32, #tpu.memory_space<hbm>>
      %dma_start3A_59 = tpu.memref_squeeze %dma_start3A_58 : memref<1x180x112xi32, #tpu.memory_space<hbm>> -> memref<180x112xi32, #tpu.memory_space<hbm>>
      %dma_start3A_60 = arith.constant 0 : i32
      %dma_start3A_61 = arith.constant 0 : i32
      %dma_start3A_62 = tpu.memref_slice %arg4[%arg1, %dma_start3A_60, %dma_start3A_61] : memref<16x180x112xi32, #tpu.memory_space<hbm>> -> memref<1x180x112xi32, #tpu.memory_space<hbm>>
      %dma_start3A_63 = tpu.memref_squeeze %dma_start3A_62 : memref<1x180x112xi32, #tpu.memory_space<hbm>> -> memref<180x112xi32, #tpu.memory_space<hbm>>
      tpu.enqueue_dma source(%dma_start3A_63 : memref<180x112xi32, #tpu.memory_space<hbm>>) target(%arg8 : memref<180x112xi32, #tpu.memory_space<vmem>>) target_semaphore(%run_scoped3A : memref<!tpu.dma_semaphore, #tpu.memory_space<semaphore_mem>>)
      %dma_wait3A = arith.constant 0 : i32
      %dma_wait3A_64 = arith.constant 0 : i32
      %dma_wait3A_65 = tpu.memref_slice %arg4[%arg1, %dma_wait3A, %dma_wait3A_64] : memref<16x180x112xi32, #tpu.memory_space<hbm>> -> memref<1x180x112xi32, #tpu.memory_space<hbm>>
      %dma_wait3A_66 = tpu.memref_squeeze %dma_wait3A_65 : memref<1x180x112xi32, #tpu.memory_space<hbm>> -> memref<180x112xi32, #tpu.memory_space<hbm>>
      %dma_wait3A_67 = arith.constant 0 : i32
      %dma_wait3A_68 = arith.constant 0 : i32
      %dma_wait3A_69 = tpu.memref_slice %arg4[%arg1, %dma_wait3A_67, %dma_wait3A_68] : memref<16x180x112xi32, #tpu.memory_space<hbm>> -> memref<1x180x112xi32, #tpu.memory_space<hbm>>
      %dma_wait3A_70 = tpu.memref_squeeze %dma_wait3A_69 : memref<1x180x112xi32, #tpu.memory_space<hbm>> -> memref<180x112xi32, #tpu.memory_space<hbm>>
      tpu.wait_dma2 semaphore(%run_scoped3A : memref<!tpu.dma_semaphore, #tpu.memory_space<semaphore_mem>>) src(%dma_wait3A_70 : memref<180x112xi32, #tpu.memory_space<hbm>>) dst(%arg8 : memref<180x112xi32, #tpu.memory_space<vmem>>)
      tpu.yield
    }) : () -> ()
    "tpu.region"() ({
      %run_scoped3A = tpu.sem_alloc : memref<!tpu.dma_semaphore, #tpu.memory_space<semaphore_mem>>
      %dma_start3A_56 = arith.constant 0 : i32
      %dma_start3A_57 = arith.constant 0 : i32
      %dma_start3A_58 = tpu.memref_slice %arg5[%arg1, %dma_start3A_56, %dma_start3A_57] : memref<16x180x112xf32, #tpu.memory_space<hbm>> -> memref<1x180x112xf32, #tpu.memory_space<hbm>>
      %dma_start3A_59 = tpu.memref_squeeze %dma_start3A_58 : memref<1x180x112xf32, #tpu.memory_space<hbm>> -> memref<180x112xf32, #tpu.memory_space<hbm>>
      %dma_start3A_60 = arith.constant 0 : i32
      %dma_start3A_61 = arith.constant 0 : i32
      %dma_start3A_62 = tpu.memref_slice %arg5[%arg1, %dma_start3A_60, %dma_start3A_61] : memref<16x180x112xf32, #tpu.memory_space<hbm>> -> memref<1x180x112xf32, #tpu.memory_space<hbm>>
      %dma_start3A_63 = tpu.memref_squeeze %dma_start3A_62 : memref<1x180x112xf32, #tpu.memory_space<hbm>> -> memref<180x112xf32, #tpu.memory_space<hbm>>
      tpu.enqueue_dma source(%dma_start3A_63 : memref<180x112xf32, #tpu.memory_space<hbm>>) target(%arg9 : memref<180x112xf32, #tpu.memory_space<vmem>>) target_semaphore(%run_scoped3A : memref<!tpu.dma_semaphore, #tpu.memory_space<semaphore_mem>>)
      %dma_wait3A = arith.constant 0 : i32
      %dma_wait3A_64 = arith.constant 0 : i32
      %dma_wait3A_65 = tpu.memref_slice %arg5[%arg1, %dma_wait3A, %dma_wait3A_64] : memref<16x180x112xf32, #tpu.memory_space<hbm>> -> memref<1x180x112xf32, #tpu.memory_space<hbm>>
      %dma_wait3A_66 = tpu.memref_squeeze %dma_wait3A_65 : memref<1x180x112xf32, #tpu.memory_space<hbm>> -> memref<180x112xf32, #tpu.memory_space<hbm>>
      %dma_wait3A_67 = arith.constant 0 : i32
      %dma_wait3A_68 = arith.constant 0 : i32
      %dma_wait3A_69 = tpu.memref_slice %arg5[%arg1, %dma_wait3A_67, %dma_wait3A_68] : memref<16x180x112xf32, #tpu.memory_space<hbm>> -> memref<1x180x112xf32, #tpu.memory_space<hbm>>
      %dma_wait3A_70 = tpu.memref_squeeze %dma_wait3A_69 : memref<1x180x112xf32, #tpu.memory_space<hbm>> -> memref<180x112xf32, #tpu.memory_space<hbm>>
      tpu.wait_dma2 semaphore(%run_scoped3A : memref<!tpu.dma_semaphore, #tpu.memory_space<semaphore_mem>>) src(%dma_wait3A_70 : memref<180x112xf32, #tpu.memory_space<hbm>>) dst(%arg9 : memref<180x112xf32, #tpu.memory_space<vmem>>)
      tpu.yield
    }) : () -> ()
    %broadcast_in_dim3A = arith.constant 0.000000e+00 : f32
    %broadcast_in_dim3A_0 = vector.broadcast %broadcast_in_dim3A : f32 to vector<16xf32>
    %scan3A = arith.constant 0 : i32
    %scan3A_1 = arith.constant 128 : i32
    %scan3A_2 = arith.addi %scan3A, %scan3A_1 : i32
    %scan3A_3 = arith.constant 1 : i32
    scf.for %scan3A_56 = %scan3A to %scan3A_2 step %scan3A_3  : i32 {
      %mul3A_57 = arith.constant 1 : i32
      %mul3A_58 = arith.muli %scan3A_56, %mul3A_57 : i32
      %add3A_59 = arith.constant 0 : i32
      %add3A_60 = arith.addi %add3A_59, %mul3A_58 : i32
      %swap3A = arith.index_cast %add3A_60 : i32 to index
      %swap3A_61 = arith.constant 0 : index
      %swap3A_62 = tpu.vector_load %arg11[%swap3A, %swap3A_61] {strides = array<i32>} : memref<128x64xf32, #tpu.memory_space<vmem>>, vector<1x16xf32>,
      %swap3A_63 = vector.shape_cast %swap3A_62 : vector<1x16xf32> to vector<16xf32>
      %swap3A_64 = vector.shape_cast %broadcast_in_dim3A_0 : vector<16xf32> to vector<1x16xf32>
      tpu.vector_store %arg11[%swap3A, %swap3A_61], %swap3A_64 {strides = array<i32>} : memref<128x64xf32, #tpu.memory_space<vmem>>, vector<1x16xf32>,
      %swap3A_65 = arith.index_cast %add3A_60 : i32 to index
      %swap3A_66 = arith.constant 16 : index
      %swap3A_67 = tpu.vector_load %arg11[%swap3A_65, %swap3A_66] {strides = array<i32>} : memref<128x64xf32, #tpu.memory_space<vmem>>, vector<1x16xf32>,
      %swap3A_68 = vector.shape_cast %swap3A_67 : vector<1x16xf32> to vector<16xf32>
      %swap3A_69 = vector.shape_cast %broadcast_in_dim3A_0 : vector<16xf32> to vector<1x16xf32>
      tpu.vector_store %arg11[%swap3A_65, %swap3A_66], %swap3A_69 {strides = array<i32>} : memref<128x64xf32, #tpu.memory_space<vmem>>, vector<1x16xf32>,
      %swap3A_70 = arith.index_cast %add3A_60 : i32 to index
      %swap3A_71 = arith.constant 32 : index
      %swap3A_72 = tpu.vector_load %arg11[%swap3A_70, %swap3A_71] {strides = array<i32>} : memref<128x64xf32, #tpu.memory_space<vmem>>, vector<1x16xf32>,
      %swap3A_73 = vector.shape_cast %swap3A_72 : vector<1x16xf32> to vector<16xf32>
      %swap3A_74 = vector.shape_cast %broadcast_in_dim3A_0 : vector<16xf32> to vector<1x16xf32>
      tpu.vector_store %arg11[%swap3A_70, %swap3A_71], %swap3A_74 {strides = array<i32>} : memref<128x64xf32, #tpu.memory_space<vmem>>, vector<1x16xf32>,
      %swap3A_75 = arith.index_cast %add3A_60 : i32 to index
      %swap3A_76 = arith.constant 48 : index
      %swap3A_77 = tpu.vector_load %arg11[%swap3A_75, %swap3A_76] {strides = array<i32>} : memref<128x64xf32, #tpu.memory_space<vmem>>, vector<1x16xf32>,
      %swap3A_78 = vector.shape_cast %swap3A_77 : vector<1x16xf32> to vector<16xf32>
      %swap3A_79 = vector.shape_cast %broadcast_in_dim3A_0 : vector<16xf32> to vector<1x16xf32>
      tpu.vector_store %arg11[%swap3A_75, %swap3A_76], %swap3A_79 {strides = array<i32>} : memref<128x64xf32, #tpu.memory_space<vmem>>, vector<1x16xf32>,
    }
    %scan3A_4 = arith.constant 128 : i32
    %mul3A = arith.constant 640 : i32
    %mul3A_5 = arith.muli %arg1, %mul3A : i32
    %add3A = arith.constant 0 : i32
    %add3A_6 = arith.addi %mul3A_5, %add3A : i32
    "tpu.region"() ({
      %run_scoped3A = tpu.sem_alloc : memref<!tpu.dma_semaphore, #tpu.memory_space<semaphore_mem>>
      %dma_start3A_56 = arith.constant 0 : i32
      %dma_start3A_57 = tpu.memref_slice %arg12[%add3A_6, %dma_start3A_56] : memref<10240x64xf32, #tpu.memory_space<vmem_shared>> -> memref<128x64xf32, #tpu.memory_space<vmem_shared>>
      %dma_start3A_58 = arith.constant 0 : i32
      %dma_start3A_59 = tpu.memref_slice %arg12[%add3A_6, %dma_start3A_58] : memref<10240x64xf32, #tpu.memory_space<vmem_shared>> -> memref<128x64xf32, #tpu.memory_space<vmem_shared>>
      tpu.enqueue_dma source(%arg11 : memref<128x64xf32, #tpu.memory_space<vmem>>) target(%dma_start3A_59 : memref<128x64xf32, #tpu.memory_space<vmem_shared>>) target_semaphore(%run_scoped3A : memref<!tpu.dma_semaphore, #tpu.memory_space<semaphore_mem>>)
      %dma_wait3A = arith.constant 0 : i32
      %dma_wait3A_60 = tpu.memref_slice %arg12[%add3A_6, %dma_wait3A] : memref<10240x64xf32, #tpu.memory_space<vmem_shared>> -> memref<128x64xf32, #tpu.memory_space<vmem_shared>>
      %dma_wait3A_61 = arith.constant 0 : i32
      %dma_wait3A_62 = tpu.memref_slice %arg12[%add3A_6, %dma_wait3A_61] : memref<10240x64xf32, #tpu.memory_space<vmem_shared>> -> memref<128x64xf32, #tpu.memory_space<vmem_shared>>
      tpu.wait_dma2 semaphore(%run_scoped3A : memref<!tpu.dma_semaphore, #tpu.memory_space<semaphore_mem>>) src(%arg11 : memref<128x64xf32, #tpu.memory_space<vmem>>) dst(%dma_wait3A_62 : memref<128x64xf32, #tpu.memory_space<vmem_shared>>)
      tpu.yield
    }) : () -> ()
    %mul3A_7 = arith.constant 640 : i32
    %mul3A_8 = arith.muli %arg1, %mul3A_7 : i32
    %add3A_9 = arith.constant 128 : i32
    %add3A_10 = arith.addi %mul3A_8, %add3A_9 : i32
    "tpu.region"() ({
      %run_scoped3A = tpu.sem_alloc : memref<!tpu.dma_semaphore, #tpu.memory_space<semaphore_mem>>
      %dma_start3A_56 = arith.constant 0 : i32
      %dma_start3A_57 = tpu.memref_slice %arg12[%add3A_10, %dma_start3A_56] : memref<10240x64xf32, #tpu.memory_space<vmem_shared>> -> memref<128x64xf32, #tpu.memory_space<vmem_shared>>
      %dma_start3A_58 = arith.constant 0 : i32
      %dma_start3A_59 = tpu.memref_slice %arg12[%add3A_10, %dma_start3A_58] : memref<10240x64xf32, #tpu.memory_space<vmem_shared>> -> memref<128x64xf32, #tpu.memory_space<vmem_shared>>
      tpu.enqueue_dma source(%arg11 : memref<128x64xf32, #tpu.memory_space<vmem>>) target(%dma_start3A_59 : memref<128x64xf32, #tpu.memory_space<vmem_shared>>) target_semaphore(%run_scoped3A : memref<!tpu.dma_semaphore, #tpu.memory_space<semaphore_mem>>)
      %dma_wait3A = arith.constant 0 : i32
      %dma_wait3A_60 = tpu.memref_slice %arg12[%add3A_10, %dma_wait3A] : memref<10240x64xf32, #tpu.memory_space<vmem_shared>> -> memref<128x64xf32, #tpu.memory_space<vmem_shared>>
      %dma_wait3A_61 = arith.constant 0 : i32
      %dma_wait3A_62 = tpu.memref_slice %arg12[%add3A_10, %dma_wait3A_61] : memref<10240x64xf32, #tpu.memory_space<vmem_shared>> -> memref<128x64xf32, #tpu.memory_space<vmem_shared>>
      tpu.wait_dma2 semaphore(%run_scoped3A : memref<!tpu.dma_semaphore, #tpu.memory_space<semaphore_mem>>) src(%arg11 : memref<128x64xf32, #tpu.memory_space<vmem>>) dst(%dma_wait3A_62 : memref<128x64xf32, #tpu.memory_space<vmem_shared>>)
      tpu.yield
    }) : () -> ()
    %mul3A_11 = arith.constant 640 : i32
    %mul3A_12 = arith.muli %arg1, %mul3A_11 : i32
    %add3A_13 = arith.constant 256 : i32
    %add3A_14 = arith.addi %mul3A_12, %add3A_13 : i32
    "tpu.region"() ({
      %run_scoped3A = tpu.sem_alloc : memref<!tpu.dma_semaphore, #tpu.memory_space<semaphore_mem>>
      %dma_start3A_56 = arith.constant 0 : i32
      %dma_start3A_57 = tpu.memref_slice %arg12[%add3A_14, %dma_start3A_56] : memref<10240x64xf32, #tpu.memory_space<vmem_shared>> -> memref<128x64xf32, #tpu.memory_space<vmem_shared>>
      %dma_start3A_58 = arith.constant 0 : i32
      %dma_start3A_59 = tpu.memref_slice %arg12[%add3A_14, %dma_start3A_58] : memref<10240x64xf32, #tpu.memory_space<vmem_shared>> -> memref<128x64xf32, #tpu.memory_space<vmem_shared>>
      tpu.enqueue_dma source(%arg11 : memref<128x64xf32, #tpu.memory_space<vmem>>) target(%dma_start3A_59 : memref<128x64xf32, #tpu.memory_space<vmem_shared>>) target_semaphore(%run_scoped3A : memref<!tpu.dma_semaphore, #tpu.memory_space<semaphore_mem>>)
      %dma_wait3A = arith.constant 0 : i32
      %dma_wait3A_60 = tpu.memref_slice %arg12[%add3A_14, %dma_wait3A] : memref<10240x64xf32, #tpu.memory_space<vmem_shared>> -> memref<128x64xf32, #tpu.memory_space<vmem_shared>>
      %dma_wait3A_61 = arith.constant 0 : i32
      %dma_wait3A_62 = tpu.memref_slice %arg12[%add3A_14, %dma_wait3A_61] : memref<10240x64xf32, #tpu.memory_space<vmem_shared>> -> memref<128x64xf32, #tpu.memory_space<vmem_shared>>
      tpu.wait_dma2 semaphore(%run_scoped3A : memref<!tpu.dma_semaphore, #tpu.memory_space<semaphore_mem>>) src(%arg11 : memref<128x64xf32, #tpu.memory_space<vmem>>) dst(%dma_wait3A_62 : memref<128x64xf32, #tpu.memory_space<vmem_shared>>)
      tpu.yield
    }) : () -> ()
    %mul3A_15 = arith.constant 640 : i32
    %mul3A_16 = arith.muli %arg1, %mul3A_15 : i32
    %add3A_17 = arith.constant 384 : i32
    %add3A_18 = arith.addi %mul3A_16, %add3A_17 : i32
    "tpu.region"() ({
      %run_scoped3A = tpu.sem_alloc : memref<!tpu.dma_semaphore, #tpu.memory_space<semaphore_mem>>
      %dma_start3A_56 = arith.constant 0 : i32
      %dma_start3A_57 = tpu.memref_slice %arg12[%add3A_18, %dma_start3A_56] : memref<10240x64xf32, #tpu.memory_space<vmem_shared>> -> memref<128x64xf32, #tpu.memory_space<vmem_shared>>
      %dma_start3A_58 = arith.constant 0 : i32
      %dma_start3A_59 = tpu.memref_slice %arg12[%add3A_18, %dma_start3A_58] : memref<10240x64xf32, #tpu.memory_space<vmem_shared>> -> memref<128x64xf32, #tpu.memory_space<vmem_shared>>
      tpu.enqueue_dma source(%arg11 : memref<128x64xf32, #tpu.memory_space<vmem>>) target(%dma_start3A_59 : memref<128x64xf32, #tpu.memory_space<vmem_shared>>) target_semaphore(%run_scoped3A : memref<!tpu.dma_semaphore, #tpu.memory_space<semaphore_mem>>)
      %dma_wait3A = arith.constant 0 : i32
      %dma_wait3A_60 = tpu.memref_slice %arg12[%add3A_18, %dma_wait3A] : memref<10240x64xf32, #tpu.memory_space<vmem_shared>> -> memref<128x64xf32, #tpu.memory_space<vmem_shared>>
      %dma_wait3A_61 = arith.constant 0 : i32
      %dma_wait3A_62 = tpu.memref_slice %arg12[%add3A_18, %dma_wait3A_61] : memref<10240x64xf32, #tpu.memory_space<vmem_shared>> -> memref<128x64xf32, #tpu.memory_space<vmem_shared>>
      tpu.wait_dma2 semaphore(%run_scoped3A : memref<!tpu.dma_semaphore, #tpu.memory_space<semaphore_mem>>) src(%arg11 : memref<128x64xf32, #tpu.memory_space<vmem>>) dst(%dma_wait3A_62 : memref<128x64xf32, #tpu.memory_space<vmem_shared>>)
      tpu.yield
    }) : () -> ()
    %mul3A_19 = arith.constant 640 : i32
    %mul3A_20 = arith.muli %arg1, %mul3A_19 : i32
    %add3A_21 = arith.constant 512 : i32
    %add3A_22 = arith.addi %mul3A_20, %add3A_21 : i32
    "tpu.region"() ({
      %run_scoped3A = tpu.sem_alloc : memref<!tpu.dma_semaphore, #tpu.memory_space<semaphore_mem>>
      %dma_start3A_56 = arith.constant 0 : i32
      %dma_start3A_57 = tpu.memref_slice %arg12[%add3A_22, %dma_start3A_56] : memref<10240x64xf32, #tpu.memory_space<vmem_shared>> -> memref<128x64xf32, #tpu.memory_space<vmem_shared>>
      %dma_start3A_58 = arith.constant 0 : i32
      %dma_start3A_59 = tpu.memref_slice %arg12[%add3A_22, %dma_start3A_58] : memref<10240x64xf32, #tpu.memory_space<vmem_shared>> -> memref<128x64xf32, #tpu.memory_space<vmem_shared>>
      tpu.enqueue_dma source(%arg11 : memref<128x64xf32, #tpu.memory_space<vmem>>) target(%dma_start3A_59 : memref<128x64xf32, #tpu.memory_space<vmem_shared>>) target_semaphore(%run_scoped3A : memref<!tpu.dma_semaphore, #tpu.memory_space<semaphore_mem>>)
      %dma_wait3A = arith.constant 0 : i32
      %dma_wait3A_60 = tpu.memref_slice %arg12[%add3A_22, %dma_wait3A] : memref<10240x64xf32, #tpu.memory_space<vmem_shared>> -> memref<128x64xf32, #tpu.memory_space<vmem_shared>>
      %dma_wait3A_61 = arith.constant 0 : i32
      %dma_wait3A_62 = tpu.memref_slice %arg12[%add3A_22, %dma_wait3A_61] : memref<10240x64xf32, #tpu.memory_space<vmem_shared>> -> memref<128x64xf32, #tpu.memory_space<vmem_shared>>
      tpu.wait_dma2 semaphore(%run_scoped3A : memref<!tpu.dma_semaphore, #tpu.memory_space<semaphore_mem>>) src(%arg11 : memref<128x64xf32, #tpu.memory_space<vmem>>) dst(%dma_wait3A_62 : memref<128x64xf32, #tpu.memory_space<vmem_shared>>)
      tpu.yield
    }) : () -> ()
    %barrier3A = arith.constant 0 : index
    tpu.barrier barrier_id(%barrier3A)
    %dma_start3A = arith.constant 0 : i32
    %dma_start3A_23 = arith.constant 0 : i32
    %dma_start3A_24 = arith.constant 0 : i32
    %dma_start3A_25 = arith.constant 0 : i32
    %dma_start3A_26 = tpu.memref_slice %arg10[%dma_start3A_23, %dma_start3A_24, %dma_start3A_25] : memref<2x112x64xf32, #tpu.memory_space<vmem>> -> memref<1x112x64xf32, #tpu.memory_space<vmem>>
    %dma_start3A_27 = tpu.memref_squeeze %dma_start3A_26 : memref<1x112x64xf32, #tpu.memory_space<vmem>> -> memref<112x64xf32, #tpu.memory_space<vmem>>
    %dma_start3A_28 = arith.constant 0 : i32
    %dma_start3A_29 = tpu.memref_slice %arg7[%dma_start3A, %dma_start3A_28] : memref<180x112xi32, #tpu.memory_space<vmem>> -> memref<1x112xi32, #tpu.memory_space<vmem>>
    %dma_start3A_30 = tpu.memref_squeeze %dma_start3A_29 : memref<1x112xi32, #tpu.memory_space<vmem>> -> memref<112xi32, #tpu.memory_space<vmem>>
    %dma_start3A_31 = arith.constant 0 : i32
    %dma_start3A_32 = arith.constant 0 : i32
    %dma_start3A_33 = tpu.memref_slice %arg2[%dma_start3A_31, %dma_start3A_32] : memref<20480x64xf32, #tpu.memory_space<hbm>> -> memref<20480x64xf32, #tpu.memory_space<hbm>>
    tpu.enqueue_indirect_dma source(%dma_start3A_33 : memref<20480x64xf32, #tpu.memory_space<hbm>>) target(%dma_start3A_27 : memref<112x64xf32, #tpu.memory_space<vmem>>) offsets(%dma_start3A_30 : memref<112xi32, #tpu.memory_space<vmem>>) semaphore(%arg13 : memref<!tpu.dma_semaphore, #tpu.memory_space<semaphore_mem>>)
    %dma_start3A_34 = arith.constant 1 : i32
    %dma_start3A_35 = arith.constant 1 : i32
    %dma_start3A_36 = arith.constant 0 : i32
    %dma_start3A_37 = arith.constant 0 : i32
    %dma_start3A_38 = tpu.memref_slice %arg10[%dma_start3A_35, %dma_start3A_36, %dma_start3A_37] : memref<2x112x64xf32, #tpu.memory_space<vmem>> -> memref<1x112x64xf32, #tpu.memory_space<vmem>>
    %dma_start3A_39 = tpu.memref_squeeze %dma_start3A_38 : memref<1x112x64xf32, #tpu.memory_space<vmem>> -> memref<112x64xf32, #tpu.memory_space<vmem>>
    %dma_start3A_40 = arith.constant 0 : i32
    %dma_start3A_41 = tpu.memref_slice %arg7[%dma_start3A_34, %dma_start3A_40] : memref<180x112xi32, #tpu.memory_space<vmem>> -> memref<1x112xi32, #tpu.memory_space<vmem>>
    %dma_start3A_42 = tpu.memref_squeeze %dma_start3A_41 : memref<1x112xi32, #tpu.memory_space<vmem>> -> memref<112xi32, #tpu.memory_space<vmem>>
    %dma_start3A_43 = arith.constant 0 : i32
    %dma_start3A_44 = arith.constant 0 : i32
    %dma_start3A_45 = tpu.memref_slice %arg2[%dma_start3A_43, %dma_start3A_44] : memref<20480x64xf32, #tpu.memory_space<hbm>> -> memref<20480x64xf32, #tpu.memory_space<hbm>>
    tpu.enqueue_indirect_dma source(%dma_start3A_45 : memref<20480x64xf32, #tpu.memory_space<hbm>>) target(%dma_start3A_39 : memref<112x64xf32, #tpu.memory_space<vmem>>) offsets(%dma_start3A_42 : memref<112xi32, #tpu.memory_space<vmem>>) semaphore(%arg14 : memref<!tpu.dma_semaphore, #tpu.memory_space<semaphore_mem>>)
    %scan3A_46 = arith.constant 0 : i32
    %scan3A_47 = arith.constant 90 : i32
    %scan3A_48 = arith.addi %scan3A_46, %scan3A_47 : i32
    %scan3A_49 = arith.constant 1 : i32
    scf.for %scan3A_56 = %scan3A_46 to %scan3A_48 step %scan3A_49  : i32 {
      %mul3A_57 = arith.constant 2 : i32
      %mul3A_58 = arith.muli %scan3A_56, %mul3A_57 : i32
      %add3A_59 = arith.constant 0 : i32
      %add3A_60 = arith.addi %add3A_59, %mul3A_58 : i32
      %add3A_61 = arith.constant 0 : i32
      %add3A_62 = arith.addi %add3A_60, %add3A_61 : i32
      %dma_wait3A = arith.constant 0 : i32
      %dma_wait3A_63 = arith.constant 0 : i32
      %dma_wait3A_64 = arith.constant 0 : i32
      %dma_wait3A_65 = tpu.memref_slice %arg10[%dma_wait3A, %dma_wait3A_63, %dma_wait3A_64] : memref<2x112x64xf32, #tpu.memory_space<vmem>> -> memref<1x112x64xf32, #tpu.memory_space<vmem>>
      %dma_wait3A_66 = tpu.memref_squeeze %dma_wait3A_65 : memref<1x112x64xf32, #tpu.memory_space<vmem>> -> memref<112x64xf32, #tpu.memory_space<vmem>>
      %dma_wait3A_67 = arith.constant 0 : i32
      %dma_wait3A_68 = tpu.memref_slice %arg7[%add3A_62, %dma_wait3A_67] : memref<180x112xi32, #tpu.memory_space<vmem>> -> memref<1x112xi32, #tpu.memory_space<vmem>>
      %dma_wait3A_69 = tpu.memref_squeeze %dma_wait3A_68 : memref<1x112xi32, #tpu.memory_space<vmem>> -> memref<112xi32, #tpu.memory_space<vmem>>
      %dma_wait3A_70 = arith.constant 0 : i32
      %dma_wait3A_71 = arith.constant 0 : i32
      %dma_wait3A_72 = tpu.memref_slice %arg2[%dma_wait3A_70, %dma_wait3A_71] : memref<20480x64xf32, #tpu.memory_space<hbm>> -> memref<20480x64xf32, #tpu.memory_space<hbm>>
      tpu.wait_indirect_dma semaphore(%arg13 : memref<!tpu.dma_semaphore, #tpu.memory_space<semaphore_mem>>) src(%dma_wait3A_72 : memref<20480x64xf32, #tpu.memory_space<hbm>>) dst(%dma_wait3A_66 : memref<112x64xf32, #tpu.memory_space<vmem>>)
      %run_scoped3A = arith.constant 0 : i32
      "tpu.region"() ({
        %run_scoped3A_98 = tpu.sem_alloc : memref<!tpu.dma_semaphore, #tpu.memory_space<semaphore_mem>>
        %dma_start3A_99 = arith.constant 0 : i32
        %dma_start3A_100 = arith.constant 0 : i32
        %dma_start3A_101 = tpu.memref_slice %arg10[%run_scoped3A, %dma_start3A_99, %dma_start3A_100] : memref<2x112x64xf32, #tpu.memory_space<vmem>> -> memref<1x112x64xf32, #tpu.memory_space<vmem>>
        %dma_start3A_102 = tpu.memref_squeeze %dma_start3A_101 : memref<1x112x64xf32, #tpu.memory_space<vmem>> -> memref<112x64xf32, #tpu.memory_space<vmem>>
        %dma_start3A_103 = arith.constant 0 : i32
        %dma_start3A_104 = tpu.memref_slice %arg8[%add3A_62, %dma_start3A_103] : memref<180x112xi32, #tpu.memory_space<vmem>> -> memref<1x112xi32, #tpu.memory_space<vmem>>
        %dma_start3A_105 = tpu.memref_squeeze %dma_start3A_104 : memref<1x112xi32, #tpu.memory_space<vmem>> -> memref<112xi32, #tpu.memory_space<vmem>>
        %dma_start3A_106 = arith.constant 0 : i32
        %dma_start3A_107 = arith.constant 0 : i32
        %dma_start3A_108 = tpu.memref_slice %arg12[%dma_start3A_106, %dma_start3A_107] : memref<10240x64xf32, #tpu.memory_space<vmem_shared>> -> memref<10240x64xf32, #tpu.memory_space<vmem_shared>>
        tpu.enqueue_indirect_dma source(%dma_start3A_102 : memref<112x64xf32, #tpu.memory_space<vmem>>) target(%dma_start3A_108 : memref<10240x64xf32, #tpu.memory_space<vmem_shared>>) offsets(%dma_start3A_105 : memref<112xi32, #tpu.memory_space<vmem>>) semaphore(%run_scoped3A_98 : memref<!tpu.dma_semaphore, #tpu.memory_space<semaphore_mem>>) {add = true}
        %dma_wait3A_109 = arith.constant 0 : i32
        %dma_wait3A_110 = arith.constant 0 : i32
        %dma_wait3A_111 = tpu.memref_slice %arg10[%run_scoped3A, %dma_wait3A_109, %dma_wait3A_110] : memref<2x112x64xf32, #tpu.memory_space<vmem>> -> memref<1x112x64xf32, #tpu.memory_space<vmem>>
        %dma_wait3A_112 = tpu.memref_squeeze %dma_wait3A_111 : memref<1x112x64xf32, #tpu.memory_space<vmem>> -> memref<112x64xf32, #tpu.memory_space<vmem>>
        %dma_wait3A_113 = arith.constant 0 : i32
        %dma_wait3A_114 = tpu.memref_slice %arg8[%add3A_62, %dma_wait3A_113] : memref<180x112xi32, #tpu.memory_space<vmem>> -> memref<1x112xi32, #tpu.memory_space<vmem>>
        %dma_wait3A_115 = tpu.memref_squeeze %dma_wait3A_114 : memref<1x112xi32, #tpu.memory_space<vmem>> -> memref<112xi32, #tpu.memory_space<vmem>>
        %dma_wait3A_116 = arith.constant 0 : i32
        %dma_wait3A_117 = arith.constant 0 : i32
        %dma_wait3A_118 = tpu.memref_slice %arg12[%dma_wait3A_116, %dma_wait3A_117] : memref<10240x64xf32, #tpu.memory_space<vmem_shared>> -> memref<10240x64xf32, #tpu.memory_space<vmem_shared>>
        tpu.wait_indirect_dma semaphore(%run_scoped3A_98 : memref<!tpu.dma_semaphore, #tpu.memory_space<semaphore_mem>>) src(%dma_wait3A_112 : memref<112x64xf32, #tpu.memory_space<vmem>>) dst(%dma_wait3A_118 : memref<10240x64xf32, #tpu.memory_space<vmem_shared>>)
        tpu.yield
      }) : () -> ()
      %add3A_73 = arith.constant 2 : i32
      %add3A_74 = arith.addi %add3A_62, %add3A_73 : i32
      %lt3A = arith.constant 180 : i32
      %lt3A_75 = arith.cmpi slt, %add3A_74, %lt3A : i32
      %convert_element_type3A = arith.extui %lt3A_75 : i1 to i32
      %cond3A = arith.constant 0 : i32
      %cond3A_76 = arith.cmpi ne, %convert_element_type3A, %cond3A : i32
      scf.if %cond3A_76 {
        %add3A_98 = arith.constant 2 : i32
        %add3A_99 = arith.addi %add3A_62, %add3A_98 : i32
        %dma_start3A_100 = arith.constant 0 : i32
        %dma_start3A_101 = arith.constant 0 : i32
        %dma_start3A_102 = arith.constant 0 : i32
        %dma_start3A_103 = tpu.memref_slice %arg10[%dma_start3A_100, %dma_start3A_101, %dma_start3A_102] : memref<2x112x64xf32, #tpu.memory_space<vmem>> -> memref<1x112x64xf32, #tpu.memory_space<vmem>>
        %dma_start3A_104 = tpu.memref_squeeze %dma_start3A_103 : memref<1x112x64xf32, #tpu.memory_space<vmem>> -> memref<112x64xf32, #tpu.memory_space<vmem>>
        %dma_start3A_105 = arith.constant 0 : i32
        %dma_start3A_106 = tpu.memref_slice %arg7[%add3A_99, %dma_start3A_105] : memref<180x112xi32, #tpu.memory_space<vmem>> -> memref<1x112xi32, #tpu.memory_space<vmem>>
        %dma_start3A_107 = tpu.memref_squeeze %dma_start3A_106 : memref<1x112xi32, #tpu.memory_space<vmem>> -> memref<112xi32, #tpu.memory_space<vmem>>
        %dma_start3A_108 = arith.constant 0 : i32
        %dma_start3A_109 = arith.constant 0 : i32
        %dma_start3A_110 = tpu.memref_slice %arg2[%dma_start3A_108, %dma_start3A_109] : memref<20480x64xf32, #tpu.memory_space<hbm>> -> memref<20480x64xf32, #tpu.memory_space<hbm>>
        tpu.enqueue_indirect_dma source(%dma_start3A_110 : memref<20480x64xf32, #tpu.memory_space<hbm>>) target(%dma_start3A_104 : memref<112x64xf32, #tpu.memory_space<vmem>>) offsets(%dma_start3A_107 : memref<112xi32, #tpu.memory_space<vmem>>) semaphore(%arg13 : memref<!tpu.dma_semaphore, #tpu.memory_space<semaphore_mem>>)
      } else {
      }
      %add3A_77 = arith.constant 1 : i32
      %add3A_78 = arith.addi %add3A_60, %add3A_77 : i32
      %dma_wait3A_79 = arith.constant 1 : i32
      %dma_wait3A_80 = arith.constant 0 : i32
      %dma_wait3A_81 = arith.constant 0 : i32
      %dma_wait3A_82 = tpu.memref_slice %arg10[%dma_wait3A_79, %dma_wait3A_80, %dma_wait3A_81] : memref<2x112x64xf32, #tpu.memory_space<vmem>> -> memref<1x112x64xf32, #tpu.memory_space<vmem>>
      %dma_wait3A_83 = tpu.memref_squeeze %dma_wait3A_82 : memref<1x112x64xf32, #tpu.memory_space<vmem>> -> memref<112x64xf32, #tpu.memory_space<vmem>>
      %dma_wait3A_84 = arith.constant 0 : i32
      %dma_wait3A_85 = tpu.memref_slice %arg7[%add3A_78, %dma_wait3A_84] : memref<180x112xi32, #tpu.memory_space<vmem>> -> memref<1x112xi32, #tpu.memory_space<vmem>>
      %dma_wait3A_86 = tpu.memref_squeeze %dma_wait3A_85 : memref<1x112xi32, #tpu.memory_space<vmem>> -> memref<112xi32, #tpu.memory_space<vmem>>
      %dma_wait3A_87 = arith.constant 0 : i32
      %dma_wait3A_88 = arith.constant 0 : i32
      %dma_wait3A_89 = tpu.memref_slice %arg2[%dma_wait3A_87, %dma_wait3A_88] : memref<20480x64xf32, #tpu.memory_space<hbm>> -> memref<20480x64xf32, #tpu.memory_space<hbm>>
      tpu.wait_indirect_dma semaphore(%arg14 : memref<!tpu.dma_semaphore, #tpu.memory_space<semaphore_mem>>) src(%dma_wait3A_89 : memref<20480x64xf32, #tpu.memory_space<hbm>>) dst(%dma_wait3A_83 : memref<112x64xf32, #tpu.memory_space<vmem>>)
      %run_scoped3A_90 = arith.constant 1 : i32
      "tpu.region"() ({
        %run_scoped3A_98 = tpu.sem_alloc : memref<!tpu.dma_semaphore, #tpu.memory_space<semaphore_mem>>
        %dma_start3A_99 = arith.constant 0 : i32
        %dma_start3A_100 = arith.constant 0 : i32
        %dma_start3A_101 = tpu.memref_slice %arg10[%run_scoped3A_90, %dma_start3A_99, %dma_start3A_100] : memref<2x112x64xf32, #tpu.memory_space<vmem>> -> memref<1x112x64xf32, #tpu.memory_space<vmem>>
        %dma_start3A_102 = tpu.memref_squeeze %dma_start3A_101 : memref<1x112x64xf32, #tpu.memory_space<vmem>> -> memref<112x64xf32, #tpu.memory_space<vmem>>
        %dma_start3A_103 = arith.constant 0 : i32
        %dma_start3A_104 = tpu.memref_slice %arg8[%add3A_78, %dma_start3A_103] : memref<180x112xi32, #tpu.memory_space<vmem>> -> memref<1x112xi32, #tpu.memory_space<vmem>>
        %dma_start3A_105 = tpu.memref_squeeze %dma_start3A_104 : memref<1x112xi32, #tpu.memory_space<vmem>> -> memref<112xi32, #tpu.memory_space<vmem>>
        %dma_start3A_106 = arith.constant 0 : i32
        %dma_start3A_107 = arith.constant 0 : i32
        %dma_start3A_108 = tpu.memref_slice %arg12[%dma_start3A_106, %dma_start3A_107] : memref<10240x64xf32, #tpu.memory_space<vmem_shared>> -> memref<10240x64xf32, #tpu.memory_space<vmem_shared>>
        tpu.enqueue_indirect_dma source(%dma_start3A_102 : memref<112x64xf32, #tpu.memory_space<vmem>>) target(%dma_start3A_108 : memref<10240x64xf32, #tpu.memory_space<vmem_shared>>) offsets(%dma_start3A_105 : memref<112xi32, #tpu.memory_space<vmem>>) semaphore(%run_scoped3A_98 : memref<!tpu.dma_semaphore, #tpu.memory_space<semaphore_mem>>) {add = true}
        %dma_wait3A_109 = arith.constant 0 : i32
        %dma_wait3A_110 = arith.constant 0 : i32
        %dma_wait3A_111 = tpu.memref_slice %arg10[%run_scoped3A_90, %dma_wait3A_109, %dma_wait3A_110] : memref<2x112x64xf32, #tpu.memory_space<vmem>> -> memref<1x112x64xf32, #tpu.memory_space<vmem>>
        %dma_wait3A_112 = tpu.memref_squeeze %dma_wait3A_111 : memref<1x112x64xf32, #tpu.memory_space<vmem>> -> memref<112x64xf32, #tpu.memory_space<vmem>>
        %dma_wait3A_113 = arith.constant 0 : i32
        %dma_wait3A_114 = tpu.memref_slice %arg8[%add3A_78, %dma_wait3A_113] : memref<180x112xi32, #tpu.memory_space<vmem>> -> memref<1x112xi32, #tpu.memory_space<vmem>>
        %dma_wait3A_115 = tpu.memref_squeeze %dma_wait3A_114 : memref<1x112xi32, #tpu.memory_space<vmem>> -> memref<112xi32, #tpu.memory_space<vmem>>
        %dma_wait3A_116 = arith.constant 0 : i32
        %dma_wait3A_117 = arith.constant 0 : i32
        %dma_wait3A_118 = tpu.memref_slice %arg12[%dma_wait3A_116, %dma_wait3A_117] : memref<10240x64xf32, #tpu.memory_space<vmem_shared>> -> memref<10240x64xf32, #tpu.memory_space<vmem_shared>>
        tpu.wait_indirect_dma semaphore(%run_scoped3A_98 : memref<!tpu.dma_semaphore, #tpu.memory_space<semaphore_mem>>) src(%dma_wait3A_112 : memref<112x64xf32, #tpu.memory_space<vmem>>) dst(%dma_wait3A_118 : memref<10240x64xf32, #tpu.memory_space<vmem_shared>>)
        tpu.yield
      }) : () -> ()
      %add3A_91 = arith.constant 2 : i32
      %add3A_92 = arith.addi %add3A_78, %add3A_91 : i32
      %lt3A_93 = arith.constant 180 : i32
      %lt3A_94 = arith.cmpi slt, %add3A_92, %lt3A_93 : i32
      %convert_element_type3A_95 = arith.extui %lt3A_94 : i1 to i32
      %cond3A_96 = arith.constant 0 : i32
      %cond3A_97 = arith.cmpi ne, %convert_element_type3A_95, %cond3A_96 : i32
      scf.if %cond3A_97 {
        %add3A_98 = arith.constant 2 : i32
        %add3A_99 = arith.addi %add3A_78, %add3A_98 : i32
        %dma_start3A_100 = arith.constant 1 : i32
        %dma_start3A_101 = arith.constant 0 : i32
        %dma_start3A_102 = arith.constant 0 : i32
        %dma_start3A_103 = tpu.memref_slice %arg10[%dma_start3A_100, %dma_start3A_101, %dma_start3A_102] : memref<2x112x64xf32, #tpu.memory_space<vmem>> -> memref<1x112x64xf32, #tpu.memory_space<vmem>>
        %dma_start3A_104 = tpu.memref_squeeze %dma_start3A_103 : memref<1x112x64xf32, #tpu.memory_space<vmem>> -> memref<112x64xf32, #tpu.memory_space<vmem>>
        %dma_start3A_105 = arith.constant 0 : i32
        %dma_start3A_106 = tpu.memref_slice %arg7[%add3A_99, %dma_start3A_105] : memref<180x112xi32, #tpu.memory_space<vmem>> -> memref<1x112xi32, #tpu.memory_space<vmem>>
        %dma_start3A_107 = tpu.memref_squeeze %dma_start3A_106 : memref<1x112xi32, #tpu.memory_space<vmem>> -> memref<112xi32, #tpu.memory_space<vmem>>
        %dma_start3A_108 = arith.constant 0 : i32
        %dma_start3A_109 = arith.constant 0 : i32
        %dma_start3A_110 = tpu.memref_slice %arg2[%dma_start3A_108, %dma_start3A_109] : memref<20480x64xf32, #tpu.memory_space<hbm>> -> memref<20480x64xf32, #tpu.memory_space<hbm>>
        tpu.enqueue_indirect_dma source(%dma_start3A_110 : memref<20480x64xf32, #tpu.memory_space<hbm>>) target(%dma_start3A_104 : memref<112x64xf32, #tpu.memory_space<vmem>>) offsets(%dma_start3A_107 : memref<112xi32, #tpu.memory_space<vmem>>) semaphore(%arg14 : memref<!tpu.dma_semaphore, #tpu.memory_space<semaphore_mem>>)
      } else {
      }
    }
    %scan3A_50 = arith.constant 90 : i32
    %barrier3A_51 = arith.constant 0 : index
    tpu.barrier barrier_id(%barrier3A_51)
    %mul3A_52 = arith.constant 640 : i32
    %mul3A_53 = arith.muli %arg1, %mul3A_52 : i32
    %mul3A_54 = arith.constant 640 : i32
    %mul3A_55 = arith.muli %arg1, %mul3A_54 : i32
    "tpu.region"() ({
      %run_scoped3A = tpu.sem_alloc : memref<!tpu.dma_semaphore, #tpu.memory_space<semaphore_mem>>
      %dma_start3A_56 = arith.constant 0 : i32
      %dma_start3A_57 = tpu.memref_slice %arg6[%arg0, %mul3A_55, %dma_start3A_56] : memref<2x10240x64xf32, #tpu.memory_space<hbm>> -> memref<1x640x64xf32, #tpu.memory_space<hbm>>
      %dma_start3A_58 = tpu.memref_squeeze %dma_start3A_57 : memref<1x640x64xf32, #tpu.memory_space<hbm>> -> memref<640x64xf32, #tpu.memory_space<hbm>>
      %dma_start3A_59 = arith.constant 0 : i32
      %dma_start3A_60 = tpu.memref_slice %arg12[%mul3A_53, %dma_start3A_59] : memref<10240x64xf32, #tpu.memory_space<vmem_shared>> -> memref<640x64xf32, #tpu.memory_space<vmem_shared>>
      tpu.enqueue_dma source(%dma_start3A_60 : memref<640x64xf32, #tpu.memory_space<vmem_shared>>) target(%dma_start3A_58 : memref<640x64xf32, #tpu.memory_space<hbm>>) target_semaphore(%run_scoped3A : memref<!tpu.dma_semaphore, #tpu.memory_space<semaphore_mem>>)
      %dma_wait3A = arith.constant 0 : i32
      %dma_wait3A_61 = tpu.memref_slice %arg6[%arg0, %mul3A_55, %dma_wait3A] : memref<2x10240x64xf32, #tpu.memory_space<hbm>> -> memref<1x640x64xf32, #tpu.memory_space<hbm>>
      %dma_wait3A_62 = tpu.memref_squeeze %dma_wait3A_61 : memref<1x640x64xf32, #tpu.memory_space<hbm>> -> memref<640x64xf32, #tpu.memory_space<hbm>>
      %dma_wait3A_63 = arith.constant 0 : i32
      %dma_wait3A_64 = tpu.memref_slice %arg12[%mul3A_53, %dma_wait3A_63] : memref<10240x64xf32, #tpu.memory_space<vmem_shared>> -> memref<640x64xf32, #tpu.memory_space<vmem_shared>>
      tpu.wait_dma2 semaphore(%run_scoped3A : memref<!tpu.dma_semaphore, #tpu.memory_space<semaphore_mem>>) src(%dma_wait3A_64 : memref<640x64xf32, #tpu.memory_space<vmem_shared>>) dst(%dma_wait3A_62 : memref<640x64xf32, #tpu.memory_space<hbm>>)
      tpu.yield
    }) : () -> ()
    return
  }
}

#map = affine_map<(d0, d1) -> (0, 0)>
#map1 = affine_map<(d0, d1) -> (0, 0, 0, 0)>
#map2 = affine_map<(d0, d1) -> (0, 0, 0)>
module attributes {stable_mosaic.version = 14 : i64} {
  func.func @_sc_layer(%arg0: i32, %arg1: i32, %arg2: memref<20480x64xf32, #tpu.memory_space<hbm>>, %arg3: memref<2x16x180x112xi32, #tpu.memory_space<hbm>>, %arg4: memref<16x180x112xi32, #tpu.memory_space<hbm>>, %arg5: memref<16x180x112xf32, #tpu.memory_space<hbm>>, %arg6: memref<2x10240x64xf32, #tpu.memory_space<hbm>>, %arg7: memref<180x112xi32, #tpu.memory_space<vmem>>, %arg8: memref<180x112xi32, #tpu.memory_space<vmem>>, %arg9: memref<180x112xf32, #tpu.memory_space<vmem>>, %arg10: memref<2x112x64xf32, #tpu.memory_space<vmem>>, %arg11: memref<128x64xf32, #tpu.memory_space<vmem>>, %arg12: memref<10240x64xf32, #tpu.memory_space<vmem_shared>>, %arg13: memref<!tpu.dma_semaphore, #tpu.memory_space<semaphore_mem>>, %arg14: memref<!tpu.dma_semaphore, #tpu.memory_space<semaphore_mem>>) attributes {dimension_semantics = [#tpu.dimension_semantics<core_parallel>, #tpu.dimension_semantics<subcore_parallel>], iteration_bounds = array<i64: 2, 16>, scalar_prefetch = 0 : i64, scratch_operands = 8 : i64, tpu.core_type = #tpu.core_type<sc_vector_subcore>, window_params = [{transform_indices = #map}, {transform_indices = #map1}, {transform_indices = #map2}, {transform_indices = #map2}, {transform_indices = #map2}]} {
    "tpu.region"() ({
      %run_scoped3A = tpu.sem_alloc : memref<!tpu.dma_semaphore, #tpu.memory_space<semaphore_mem>>
      %dma_start3A_56 = arith.constant 0 : i32
      %dma_start3A_57 = arith.constant 0 : i32
      %dma_start3A_58 = tpu.memref_slice %arg3[%arg0, %arg1, %dma_start3A_56, %dma_start3A_57] : memref<2x16x180x112xi32, #tpu.memory_space<hbm>> -> memref<1x1x180x112xi32, #tpu.memory_space<hbm>>
      %dma_start3A_59 = tpu.memref_squeeze %dma_start3A_58 : memref<1x1x180x112xi32, #tpu.memory_space<hbm>> -> memref<180x112xi32, #tpu.memory_space<hbm>>
      %dma_start3A_60 = arith.constant 0 : i32
      %dma_start3A_61 = arith.constant 0 : i32
      %dma_start3A_62 = tpu.memref_slice %arg3[%arg0, %arg1, %dma_start3A_60, %dma_start3A_61] : memref<2x16x180x112xi32, #tpu.memory_space<hbm>> -> memref<1x1x180x112xi32, #tpu.memory_space<hbm>>
      %dma_start3A_63 = tpu.memref_squeeze %dma_start3A_62 : memref<1x1x180x112xi32, #tpu.memory_space<hbm>> -> memref<180x112xi32, #tpu.memory_space<hbm>>
      tpu.enqueue_dma source(%dma_start3A_63 : memref<180x112xi32, #tpu.memory_space<hbm>>) target(%arg7 : memref<180x112xi32, #tpu.memory_space<vmem>>) target_semaphore(%run_scoped3A : memref<!tpu.dma_semaphore, #tpu.memory_space<semaphore_mem>>)
      %dma_wait3A = arith.constant 0 : i32
      %dma_wait3A_64 = arith.constant 0 : i32
      %dma_wait3A_65 = tpu.memref_slice %arg3[%arg0, %arg1, %dma_wait3A, %dma_wait3A_64] : memref<2x16x180x112xi32, #tpu.memory_space<hbm>> -> memref<1x1x180x112xi32, #tpu.memory_space<hbm>>
      %dma_wait3A_66 = tpu.memref_squeeze %dma_wait3A_65 : memref<1x1x180x112xi32, #tpu.memory_space<hbm>> -> memref<180x112xi32, #tpu.memory_space<hbm>>
      %dma_wait3A_67 = arith.constant 0 : i32
      %dma_wait3A_68 = arith.constant 0 : i32
      %dma_wait3A_69 = tpu.memref_slice %arg3[%arg0, %arg1, %dma_wait3A_67, %dma_wait3A_68] : memref<2x16x180x112xi32, #tpu.memory_space<hbm>> -> memref<1x1x180x112xi32, #tpu.memory_space<hbm>>
      %dma_wait3A_70 = tpu.memref_squeeze %dma_wait3A_69 : memref<1x1x180x112xi32, #tpu.memory_space<hbm>> -> memref<180x112xi32, #tpu.memory_space<hbm>>
      tpu.wait_dma2 semaphore(%run_scoped3A : memref<!tpu.dma_semaphore, #tpu.memory_space<semaphore_mem>>) src(%dma_wait3A_70 : memref<180x112xi32, #tpu.memory_space<hbm>>) dst(%arg7 : memref<180x112xi32, #tpu.memory_space<vmem>>)
      tpu.yield
    }) : () -> ()
    "tpu.region"() ({
      %run_scoped3A = tpu.sem_alloc : memref<!tpu.dma_semaphore, #tpu.memory_space<semaphore_mem>>
      %dma_start3A_56 = arith.constant 0 : i32
      %dma_start3A_57 = arith.constant 0 : i32
      %dma_start3A_58 = tpu.memref_slice %arg4[%arg1, %dma_start3A_56, %dma_start3A_57] : memref<16x180x112xi32, #tpu.memory_space<hbm>> -> memref<1x180x112xi32, #tpu.memory_space<hbm>>
      %dma_start3A_59 = tpu.memref_squeeze %dma_start3A_58 : memref<1x180x112xi32, #tpu.memory_space<hbm>> -> memref<180x112xi32, #tpu.memory_space<hbm>>
      %dma_start3A_60 = arith.constant 0 : i32
      %dma_start3A_61 = arith.constant 0 : i32
      %dma_start3A_62 = tpu.memref_slice %arg4[%arg1, %dma_start3A_60, %dma_start3A_61] : memref<16x180x112xi32, #tpu.memory_space<hbm>> -> memref<1x180x112xi32, #tpu.memory_space<hbm>>
      %dma_start3A_63 = tpu.memref_squeeze %dma_start3A_62 : memref<1x180x112xi32, #tpu.memory_space<hbm>> -> memref<180x112xi32, #tpu.memory_space<hbm>>
      tpu.enqueue_dma source(%dma_start3A_63 : memref<180x112xi32, #tpu.memory_space<hbm>>) target(%arg8 : memref<180x112xi32, #tpu.memory_space<vmem>>) target_semaphore(%run_scoped3A : memref<!tpu.dma_semaphore, #tpu.memory_space<semaphore_mem>>)
      %dma_wait3A = arith.constant 0 : i32
      %dma_wait3A_64 = arith.constant 0 : i32
      %dma_wait3A_65 = tpu.memref_slice %arg4[%arg1, %dma_wait3A, %dma_wait3A_64] : memref<16x180x112xi32, #tpu.memory_space<hbm>> -> memref<1x180x112xi32, #tpu.memory_space<hbm>>
      %dma_wait3A_66 = tpu.memref_squeeze %dma_wait3A_65 : memref<1x180x112xi32, #tpu.memory_space<hbm>> -> memref<180x112xi32, #tpu.memory_space<hbm>>
      %dma_wait3A_67 = arith.constant 0 : i32
      %dma_wait3A_68 = arith.constant 0 : i32
      %dma_wait3A_69 = tpu.memref_slice %arg4[%arg1, %dma_wait3A_67, %dma_wait3A_68] : memref<16x180x112xi32, #tpu.memory_space<hbm>> -> memref<1x180x112xi32, #tpu.memory_space<hbm>>
      %dma_wait3A_70 = tpu.memref_squeeze %dma_wait3A_69 : memref<1x180x112xi32, #tpu.memory_space<hbm>> -> memref<180x112xi32, #tpu.memory_space<hbm>>
      tpu.wait_dma2 semaphore(%run_scoped3A : memref<!tpu.dma_semaphore, #tpu.memory_space<semaphore_mem>>) src(%dma_wait3A_70 : memref<180x112xi32, #tpu.memory_space<hbm>>) dst(%arg8 : memref<180x112xi32, #tpu.memory_space<vmem>>)
      tpu.yield
    }) : () -> ()
    "tpu.region"() ({
      %run_scoped3A = tpu.sem_alloc : memref<!tpu.dma_semaphore, #tpu.memory_space<semaphore_mem>>
      %dma_start3A_56 = arith.constant 0 : i32
      %dma_start3A_57 = arith.constant 0 : i32
      %dma_start3A_58 = tpu.memref_slice %arg5[%arg1, %dma_start3A_56, %dma_start3A_57] : memref<16x180x112xf32, #tpu.memory_space<hbm>> -> memref<1x180x112xf32, #tpu.memory_space<hbm>>
      %dma_start3A_59 = tpu.memref_squeeze %dma_start3A_58 : memref<1x180x112xf32, #tpu.memory_space<hbm>> -> memref<180x112xf32, #tpu.memory_space<hbm>>
      %dma_start3A_60 = arith.constant 0 : i32
      %dma_start3A_61 = arith.constant 0 : i32
      %dma_start3A_62 = tpu.memref_slice %arg5[%arg1, %dma_start3A_60, %dma_start3A_61] : memref<16x180x112xf32, #tpu.memory_space<hbm>> -> memref<1x180x112xf32, #tpu.memory_space<hbm>>
      %dma_start3A_63 = tpu.memref_squeeze %dma_start3A_62 : memref<1x180x112xf32, #tpu.memory_space<hbm>> -> memref<180x112xf32, #tpu.memory_space<hbm>>
      tpu.enqueue_dma source(%dma_start3A_63 : memref<180x112xf32, #tpu.memory_space<hbm>>) target(%arg9 : memref<180x112xf32, #tpu.memory_space<vmem>>) target_semaphore(%run_scoped3A : memref<!tpu.dma_semaphore, #tpu.memory_space<semaphore_mem>>)
      %dma_wait3A = arith.constant 0 : i32
      %dma_wait3A_64 = arith.constant 0 : i32
      %dma_wait3A_65 = tpu.memref_slice %arg5[%arg1, %dma_wait3A, %dma_wait3A_64] : memref<16x180x112xf32, #tpu.memory_space<hbm>> -> memref<1x180x112xf32, #tpu.memory_space<hbm>>
      %dma_wait3A_66 = tpu.memref_squeeze %dma_wait3A_65 : memref<1x180x112xf32, #tpu.memory_space<hbm>> -> memref<180x112xf32, #tpu.memory_space<hbm>>
      %dma_wait3A_67 = arith.constant 0 : i32
      %dma_wait3A_68 = arith.constant 0 : i32
      %dma_wait3A_69 = tpu.memref_slice %arg5[%arg1, %dma_wait3A_67, %dma_wait3A_68] : memref<16x180x112xf32, #tpu.memory_space<hbm>> -> memref<1x180x112xf32, #tpu.memory_space<hbm>>
      %dma_wait3A_70 = tpu.memref_squeeze %dma_wait3A_69 : memref<1x180x112xf32, #tpu.memory_space<hbm>> -> memref<180x112xf32, #tpu.memory_space<hbm>>
      tpu.wait_dma2 semaphore(%run_scoped3A : memref<!tpu.dma_semaphore, #tpu.memory_space<semaphore_mem>>) src(%dma_wait3A_70 : memref<180x112xf32, #tpu.memory_space<hbm>>) dst(%arg9 : memref<180x112xf32, #tpu.memory_space<vmem>>)
      tpu.yield
    }) : () -> ()
    %broadcast_in_dim3A = arith.constant 0.000000e+00 : f32
    %broadcast_in_dim3A_0 = vector.broadcast %broadcast_in_dim3A : f32 to vector<16xf32>
    %scan3A = arith.constant 0 : i32
    %scan3A_1 = arith.constant 128 : i32
    %scan3A_2 = arith.addi %scan3A, %scan3A_1 : i32
    %scan3A_3 = arith.constant 1 : i32
    scf.for %scan3A_56 = %scan3A to %scan3A_2 step %scan3A_3  : i32 {
      %mul3A_57 = arith.constant 1 : i32
      %mul3A_58 = arith.muli %scan3A_56, %mul3A_57 : i32
      %add3A_59 = arith.constant 0 : i32
      %add3A_60 = arith.addi %add3A_59, %mul3A_58 : i32
      %swap3A = arith.index_cast %add3A_60 : i32 to index
      %swap3A_61 = arith.constant 0 : index
      %swap3A_62 = tpu.vector_load %arg11[%swap3A, %swap3A_61] {strides = array<i32>} : memref<128x64xf32, #tpu.memory_space<vmem>>, vector<1x16xf32>,
      %swap3A_63 = vector.shape_cast %swap3A_62 : vector<1x16xf32> to vector<16xf32>
      %swap3A_64 = vector.shape_cast %broadcast_in_dim3A_0 : vector<16xf32> to vector<1x16xf32>
      tpu.vector_store %arg11[%swap3A, %swap3A_61], %swap3A_64 {strides = array<i32>} : memref<128x64xf32, #tpu.memory_space<vmem>>, vector<1x16xf32>,
      %swap3A_65 = arith.index_cast %add3A_60 : i32 to index
      %swap3A_66 = arith.constant 16 : index
      %swap3A_67 = tpu.vector_load %arg11[%swap3A_65, %swap3A_66] {strides = array<i32>} : memref<128x64xf32, #tpu.memory_space<vmem>>, vector<1x16xf32>,
      %swap3A_68 = vector.shape_cast %swap3A_67 : vector<1x16xf32> to vector<16xf32>
      %swap3A_69 = vector.shape_cast %broadcast_in_dim3A_0 : vector<16xf32> to vector<1x16xf32>
      tpu.vector_store %arg11[%swap3A_65, %swap3A_66], %swap3A_69 {strides = array<i32>} : memref<128x64xf32, #tpu.memory_space<vmem>>, vector<1x16xf32>,
      %swap3A_70 = arith.index_cast %add3A_60 : i32 to index
      %swap3A_71 = arith.constant 32 : index
      %swap3A_72 = tpu.vector_load %arg11[%swap3A_70, %swap3A_71] {strides = array<i32>} : memref<128x64xf32, #tpu.memory_space<vmem>>, vector<1x16xf32>,
      %swap3A_73 = vector.shape_cast %swap3A_72 : vector<1x16xf32> to vector<16xf32>
      %swap3A_74 = vector.shape_cast %broadcast_in_dim3A_0 : vector<16xf32> to vector<1x16xf32>
      tpu.vector_store %arg11[%swap3A_70, %swap3A_71], %swap3A_74 {strides = array<i32>} : memref<128x64xf32, #tpu.memory_space<vmem>>, vector<1x16xf32>,
      %swap3A_75 = arith.index_cast %add3A_60 : i32 to index
      %swap3A_76 = arith.constant 48 : index
      %swap3A_77 = tpu.vector_load %arg11[%swap3A_75, %swap3A_76] {strides = array<i32>} : memref<128x64xf32, #tpu.memory_space<vmem>>, vector<1x16xf32>,
      %swap3A_78 = vector.shape_cast %swap3A_77 : vector<1x16xf32> to vector<16xf32>
      %swap3A_79 = vector.shape_cast %broadcast_in_dim3A_0 : vector<16xf32> to vector<1x16xf32>
      tpu.vector_store %arg11[%swap3A_75, %swap3A_76], %swap3A_79 {strides = array<i32>} : memref<128x64xf32, #tpu.memory_space<vmem>>, vector<1x16xf32>,
    }
    %scan3A_4 = arith.constant 128 : i32
    %mul3A = arith.constant 640 : i32
    %mul3A_5 = arith.muli %arg1, %mul3A : i32
    %add3A = arith.constant 0 : i32
    %add3A_6 = arith.addi %mul3A_5, %add3A : i32
    "tpu.region"() ({
      %run_scoped3A = tpu.sem_alloc : memref<!tpu.dma_semaphore, #tpu.memory_space<semaphore_mem>>
      %dma_start3A_56 = arith.constant 0 : i32
      %dma_start3A_57 = tpu.memref_slice %arg12[%add3A_6, %dma_start3A_56] : memref<10240x64xf32, #tpu.memory_space<vmem_shared>> -> memref<128x64xf32, #tpu.memory_space<vmem_shared>>
      %dma_start3A_58 = arith.constant 0 : i32
      %dma_start3A_59 = tpu.memref_slice %arg12[%add3A_6, %dma_start3A_58] : memref<10240x64xf32, #tpu.memory_space<vmem_shared>> -> memref<128x64xf32, #tpu.memory_space<vmem_shared>>
      tpu.enqueue_dma source(%arg11 : memref<128x64xf32, #tpu.memory_space<vmem>>) target(%dma_start3A_59 : memref<128x64xf32, #tpu.memory_space<vmem_shared>>) target_semaphore(%run_scoped3A : memref<!tpu.dma_semaphore, #tpu.memory_space<semaphore_mem>>)
      %dma_wait3A = arith.constant 0 : i32
      %dma_wait3A_60 = tpu.memref_slice %arg12[%add3A_6, %dma_wait3A] : memref<10240x64xf32, #tpu.memory_space<vmem_shared>> -> memref<128x64xf32, #tpu.memory_space<vmem_shared>>
      %dma_wait3A_61 = arith.constant 0 : i32
      %dma_wait3A_62 = tpu.memref_slice %arg12[%add3A_6, %dma_wait3A_61] : memref<10240x64xf32, #tpu.memory_space<vmem_shared>> -> memref<128x64xf32, #tpu.memory_space<vmem_shared>>
      tpu.wait_dma2 semaphore(%run_scoped3A : memref<!tpu.dma_semaphore, #tpu.memory_space<semaphore_mem>>) src(%arg11 : memref<128x64xf32, #tpu.memory_space<vmem>>) dst(%dma_wait3A_62 : memref<128x64xf32, #tpu.memory_space<vmem_shared>>)
      tpu.yield
    }) : () -> ()
    %mul3A_7 = arith.constant 640 : i32
    %mul3A_8 = arith.muli %arg1, %mul3A_7 : i32
    %add3A_9 = arith.constant 128 : i32
    %add3A_10 = arith.addi %mul3A_8, %add3A_9 : i32
    "tpu.region"() ({
      %run_scoped3A = tpu.sem_alloc : memref<!tpu.dma_semaphore, #tpu.memory_space<semaphore_mem>>
      %dma_start3A_56 = arith.constant 0 : i32
      %dma_start3A_57 = tpu.memref_slice %arg12[%add3A_10, %dma_start3A_56] : memref<10240x64xf32, #tpu.memory_space<vmem_shared>> -> memref<128x64xf32, #tpu.memory_space<vmem_shared>>
      %dma_start3A_58 = arith.constant 0 : i32
      %dma_start3A_59 = tpu.memref_slice %arg12[%add3A_10, %dma_start3A_58] : memref<10240x64xf32, #tpu.memory_space<vmem_shared>> -> memref<128x64xf32, #tpu.memory_space<vmem_shared>>
      tpu.enqueue_dma source(%arg11 : memref<128x64xf32, #tpu.memory_space<vmem>>) target(%dma_start3A_59 : memref<128x64xf32, #tpu.memory_space<vmem_shared>>) target_semaphore(%run_scoped3A : memref<!tpu.dma_semaphore, #tpu.memory_space<semaphore_mem>>)
      %dma_wait3A = arith.constant 0 : i32
      %dma_wait3A_60 = tpu.memref_slice %arg12[%add3A_10, %dma_wait3A] : memref<10240x64xf32, #tpu.memory_space<vmem_shared>> -> memref<128x64xf32, #tpu.memory_space<vmem_shared>>
      %dma_wait3A_61 = arith.constant 0 : i32
      %dma_wait3A_62 = tpu.memref_slice %arg12[%add3A_10, %dma_wait3A_61] : memref<10240x64xf32, #tpu.memory_space<vmem_shared>> -> memref<128x64xf32, #tpu.memory_space<vmem_shared>>
      tpu.wait_dma2 semaphore(%run_scoped3A : memref<!tpu.dma_semaphore, #tpu.memory_space<semaphore_mem>>) src(%arg11 : memref<128x64xf32, #tpu.memory_space<vmem>>) dst(%dma_wait3A_62 : memref<128x64xf32, #tpu.memory_space<vmem_shared>>)
      tpu.yield
    }) : () -> ()
    %mul3A_11 = arith.constant 640 : i32
    %mul3A_12 = arith.muli %arg1, %mul3A_11 : i32
    %add3A_13 = arith.constant 256 : i32
    %add3A_14 = arith.addi %mul3A_12, %add3A_13 : i32
    "tpu.region"() ({
      %run_scoped3A = tpu.sem_alloc : memref<!tpu.dma_semaphore, #tpu.memory_space<semaphore_mem>>
      %dma_start3A_56 = arith.constant 0 : i32
      %dma_start3A_57 = tpu.memref_slice %arg12[%add3A_14, %dma_start3A_56] : memref<10240x64xf32, #tpu.memory_space<vmem_shared>> -> memref<128x64xf32, #tpu.memory_space<vmem_shared>>
      %dma_start3A_58 = arith.constant 0 : i32
      %dma_start3A_59 = tpu.memref_slice %arg12[%add3A_14, %dma_start3A_58] : memref<10240x64xf32, #tpu.memory_space<vmem_shared>> -> memref<128x64xf32, #tpu.memory_space<vmem_shared>>
      tpu.enqueue_dma source(%arg11 : memref<128x64xf32, #tpu.memory_space<vmem>>) target(%dma_start3A_59 : memref<128x64xf32, #tpu.memory_space<vmem_shared>>) target_semaphore(%run_scoped3A : memref<!tpu.dma_semaphore, #tpu.memory_space<semaphore_mem>>)
      %dma_wait3A = arith.constant 0 : i32
      %dma_wait3A_60 = tpu.memref_slice %arg12[%add3A_14, %dma_wait3A] : memref<10240x64xf32, #tpu.memory_space<vmem_shared>> -> memref<128x64xf32, #tpu.memory_space<vmem_shared>>
      %dma_wait3A_61 = arith.constant 0 : i32
      %dma_wait3A_62 = tpu.memref_slice %arg12[%add3A_14, %dma_wait3A_61] : memref<10240x64xf32, #tpu.memory_space<vmem_shared>> -> memref<128x64xf32, #tpu.memory_space<vmem_shared>>
      tpu.wait_dma2 semaphore(%run_scoped3A : memref<!tpu.dma_semaphore, #tpu.memory_space<semaphore_mem>>) src(%arg11 : memref<128x64xf32, #tpu.memory_space<vmem>>) dst(%dma_wait3A_62 : memref<128x64xf32, #tpu.memory_space<vmem_shared>>)
      tpu.yield
    }) : () -> ()
    %mul3A_15 = arith.constant 640 : i32
    %mul3A_16 = arith.muli %arg1, %mul3A_15 : i32
    %add3A_17 = arith.constant 384 : i32
    %add3A_18 = arith.addi %mul3A_16, %add3A_17 : i32
    "tpu.region"() ({
      %run_scoped3A = tpu.sem_alloc : memref<!tpu.dma_semaphore, #tpu.memory_space<semaphore_mem>>
      %dma_start3A_56 = arith.constant 0 : i32
      %dma_start3A_57 = tpu.memref_slice %arg12[%add3A_18, %dma_start3A_56] : memref<10240x64xf32, #tpu.memory_space<vmem_shared>> -> memref<128x64xf32, #tpu.memory_space<vmem_shared>>
      %dma_start3A_58 = arith.constant 0 : i32
      %dma_start3A_59 = tpu.memref_slice %arg12[%add3A_18, %dma_start3A_58] : memref<10240x64xf32, #tpu.memory_space<vmem_shared>> -> memref<128x64xf32, #tpu.memory_space<vmem_shared>>
      tpu.enqueue_dma source(%arg11 : memref<128x64xf32, #tpu.memory_space<vmem>>) target(%dma_start3A_59 : memref<128x64xf32, #tpu.memory_space<vmem_shared>>) target_semaphore(%run_scoped3A : memref<!tpu.dma_semaphore, #tpu.memory_space<semaphore_mem>>)
      %dma_wait3A = arith.constant 0 : i32
      %dma_wait3A_60 = tpu.memref_slice %arg12[%add3A_18, %dma_wait3A] : memref<10240x64xf32, #tpu.memory_space<vmem_shared>> -> memref<128x64xf32, #tpu.memory_space<vmem_shared>>
      %dma_wait3A_61 = arith.constant 0 : i32
      %dma_wait3A_62 = tpu.memref_slice %arg12[%add3A_18, %dma_wait3A_61] : memref<10240x64xf32, #tpu.memory_space<vmem_shared>> -> memref<128x64xf32, #tpu.memory_space<vmem_shared>>
      tpu.wait_dma2 semaphore(%run_scoped3A : memref<!tpu.dma_semaphore, #tpu.memory_space<semaphore_mem>>) src(%arg11 : memref<128x64xf32, #tpu.memory_space<vmem>>) dst(%dma_wait3A_62 : memref<128x64xf32, #tpu.memory_space<vmem_shared>>)
      tpu.yield
    }) : () -> ()
    %mul3A_19 = arith.constant 640 : i32
    %mul3A_20 = arith.muli %arg1, %mul3A_19 : i32
    %add3A_21 = arith.constant 512 : i32
    %add3A_22 = arith.addi %mul3A_20, %add3A_21 : i32
    "tpu.region"() ({
      %run_scoped3A = tpu.sem_alloc : memref<!tpu.dma_semaphore, #tpu.memory_space<semaphore_mem>>
      %dma_start3A_56 = arith.constant 0 : i32
      %dma_start3A_57 = tpu.memref_slice %arg12[%add3A_22, %dma_start3A_56] : memref<10240x64xf32, #tpu.memory_space<vmem_shared>> -> memref<128x64xf32, #tpu.memory_space<vmem_shared>>
      %dma_start3A_58 = arith.constant 0 : i32
      %dma_start3A_59 = tpu.memref_slice %arg12[%add3A_22, %dma_start3A_58] : memref<10240x64xf32, #tpu.memory_space<vmem_shared>> -> memref<128x64xf32, #tpu.memory_space<vmem_shared>>
      tpu.enqueue_dma source(%arg11 : memref<128x64xf32, #tpu.memory_space<vmem>>) target(%dma_start3A_59 : memref<128x64xf32, #tpu.memory_space<vmem_shared>>) target_semaphore(%run_scoped3A : memref<!tpu.dma_semaphore, #tpu.memory_space<semaphore_mem>>)
      %dma_wait3A = arith.constant 0 : i32
      %dma_wait3A_60 = tpu.memref_slice %arg12[%add3A_22, %dma_wait3A] : memref<10240x64xf32, #tpu.memory_space<vmem_shared>> -> memref<128x64xf32, #tpu.memory_space<vmem_shared>>
      %dma_wait3A_61 = arith.constant 0 : i32
      %dma_wait3A_62 = tpu.memref_slice %arg12[%add3A_22, %dma_wait3A_61] : memref<10240x64xf32, #tpu.memory_space<vmem_shared>> -> memref<128x64xf32, #tpu.memory_space<vmem_shared>>
      tpu.wait_dma2 semaphore(%run_scoped3A : memref<!tpu.dma_semaphore, #tpu.memory_space<semaphore_mem>>) src(%arg11 : memref<128x64xf32, #tpu.memory_space<vmem>>) dst(%dma_wait3A_62 : memref<128x64xf32, #tpu.memory_space<vmem_shared>>)
      tpu.yield
    }) : () -> ()
    %barrier3A = arith.constant 0 : index
    tpu.barrier barrier_id(%barrier3A)
    %dma_start3A = arith.constant 0 : i32
    %dma_start3A_23 = arith.constant 0 : i32
    %dma_start3A_24 = arith.constant 0 : i32
    %dma_start3A_25 = arith.constant 0 : i32
    %dma_start3A_26 = tpu.memref_slice %arg10[%dma_start3A_23, %dma_start3A_24, %dma_start3A_25] : memref<2x112x64xf32, #tpu.memory_space<vmem>> -> memref<1x112x64xf32, #tpu.memory_space<vmem>>
    %dma_start3A_27 = tpu.memref_squeeze %dma_start3A_26 : memref<1x112x64xf32, #tpu.memory_space<vmem>> -> memref<112x64xf32, #tpu.memory_space<vmem>>
    %dma_start3A_28 = arith.constant 0 : i32
    %dma_start3A_29 = tpu.memref_slice %arg7[%dma_start3A, %dma_start3A_28] : memref<180x112xi32, #tpu.memory_space<vmem>> -> memref<1x112xi32, #tpu.memory_space<vmem>>
    %dma_start3A_30 = tpu.memref_squeeze %dma_start3A_29 : memref<1x112xi32, #tpu.memory_space<vmem>> -> memref<112xi32, #tpu.memory_space<vmem>>
    %dma_start3A_31 = arith.constant 0 : i32
    %dma_start3A_32 = arith.constant 0 : i32
    %dma_start3A_33 = tpu.memref_slice %arg2[%dma_start3A_31, %dma_start3A_32] : memref<20480x64xf32, #tpu.memory_space<hbm>> -> memref<20480x64xf32, #tpu.memory_space<hbm>>
    tpu.enqueue_indirect_dma source(%dma_start3A_33 : memref<20480x64xf32, #tpu.memory_space<hbm>>) target(%dma_start3A_27 : memref<112x64xf32, #tpu.memory_space<vmem>>) offsets(%dma_start3A_30 : memref<112xi32, #tpu.memory_space<vmem>>) semaphore(%arg13 : memref<!tpu.dma_semaphore, #tpu.memory_space<semaphore_mem>>)
    %dma_start3A_34 = arith.constant 1 : i32
    %dma_start3A_35 = arith.constant 1 : i32
    %dma_start3A_36 = arith.constant 0 : i32
    %dma_start3A_37 = arith.constant 0 : i32
    %dma_start3A_38 = tpu.memref_slice %arg10[%dma_start3A_35, %dma_start3A_36, %dma_start3A_37] : memref<2x112x64xf32, #tpu.memory_space<vmem>> -> memref<1x112x64xf32, #tpu.memory_space<vmem>>
    %dma_start3A_39 = tpu.memref_squeeze %dma_start3A_38 : memref<1x112x64xf32, #tpu.memory_space<vmem>> -> memref<112x64xf32, #tpu.memory_space<vmem>>
    %dma_start3A_40 = arith.constant 0 : i32
    %dma_start3A_41 = tpu.memref_slice %arg7[%dma_start3A_34, %dma_start3A_40] : memref<180x112xi32, #tpu.memory_space<vmem>> -> memref<1x112xi32, #tpu.memory_space<vmem>>
    %dma_start3A_42 = tpu.memref_squeeze %dma_start3A_41 : memref<1x112xi32, #tpu.memory_space<vmem>> -> memref<112xi32, #tpu.memory_space<vmem>>
    %dma_start3A_43 = arith.constant 0 : i32
    %dma_start3A_44 = arith.constant 0 : i32
    %dma_start3A_45 = tpu.memref_slice %arg2[%dma_start3A_43, %dma_start3A_44] : memref<20480x64xf32, #tpu.memory_space<hbm>> -> memref<20480x64xf32, #tpu.memory_space<hbm>>
    tpu.enqueue_indirect_dma source(%dma_start3A_45 : memref<20480x64xf32, #tpu.memory_space<hbm>>) target(%dma_start3A_39 : memref<112x64xf32, #tpu.memory_space<vmem>>) offsets(%dma_start3A_42 : memref<112xi32, #tpu.memory_space<vmem>>) semaphore(%arg14 : memref<!tpu.dma_semaphore, #tpu.memory_space<semaphore_mem>>)
    %scan3A_46 = arith.constant 0 : i32
    %scan3A_47 = arith.constant 90 : i32
    %scan3A_48 = arith.addi %scan3A_46, %scan3A_47 : i32
    %scan3A_49 = arith.constant 1 : i32
    scf.for %scan3A_56 = %scan3A_46 to %scan3A_48 step %scan3A_49  : i32 {
      %mul3A_57 = arith.constant 2 : i32
      %mul3A_58 = arith.muli %scan3A_56, %mul3A_57 : i32
      %add3A_59 = arith.constant 0 : i32
      %add3A_60 = arith.addi %add3A_59, %mul3A_58 : i32
      %add3A_61 = arith.constant 0 : i32
      %add3A_62 = arith.addi %add3A_60, %add3A_61 : i32
      %dma_wait3A = arith.constant 0 : i32
      %dma_wait3A_63 = arith.constant 0 : i32
      %dma_wait3A_64 = arith.constant 0 : i32
      %dma_wait3A_65 = tpu.memref_slice %arg10[%dma_wait3A, %dma_wait3A_63, %dma_wait3A_64] : memref<2x112x64xf32, #tpu.memory_space<vmem>> -> memref<1x112x64xf32, #tpu.memory_space<vmem>>
      %dma_wait3A_66 = tpu.memref_squeeze %dma_wait3A_65 : memref<1x112x64xf32, #tpu.memory_space<vmem>> -> memref<112x64xf32, #tpu.memory_space<vmem>>
      %dma_wait3A_67 = arith.constant 0 : i32
      %dma_wait3A_68 = tpu.memref_slice %arg7[%add3A_62, %dma_wait3A_67] : memref<180x112xi32, #tpu.memory_space<vmem>> -> memref<1x112xi32, #tpu.memory_space<vmem>>
      %dma_wait3A_69 = tpu.memref_squeeze %dma_wait3A_68 : memref<1x112xi32, #tpu.memory_space<vmem>> -> memref<112xi32, #tpu.memory_space<vmem>>
      %dma_wait3A_70 = arith.constant 0 : i32
      %dma_wait3A_71 = arith.constant 0 : i32
      %dma_wait3A_72 = tpu.memref_slice %arg2[%dma_wait3A_70, %dma_wait3A_71] : memref<20480x64xf32, #tpu.memory_space<hbm>> -> memref<20480x64xf32, #tpu.memory_space<hbm>>
      tpu.wait_indirect_dma semaphore(%arg13 : memref<!tpu.dma_semaphore, #tpu.memory_space<semaphore_mem>>) src(%dma_wait3A_72 : memref<20480x64xf32, #tpu.memory_space<hbm>>) dst(%dma_wait3A_66 : memref<112x64xf32, #tpu.memory_space<vmem>>)
      %run_scoped3A = arith.constant 0 : i32
      "tpu.region"() ({
        %run_scoped3A_98 = tpu.sem_alloc : memref<!tpu.dma_semaphore, #tpu.memory_space<semaphore_mem>>
        %dma_start3A_99 = arith.constant 0 : i32
        %dma_start3A_100 = arith.constant 0 : i32
        %dma_start3A_101 = tpu.memref_slice %arg10[%run_scoped3A, %dma_start3A_99, %dma_start3A_100] : memref<2x112x64xf32, #tpu.memory_space<vmem>> -> memref<1x112x64xf32, #tpu.memory_space<vmem>>
        %dma_start3A_102 = tpu.memref_squeeze %dma_start3A_101 : memref<1x112x64xf32, #tpu.memory_space<vmem>> -> memref<112x64xf32, #tpu.memory_space<vmem>>
        %dma_start3A_103 = arith.constant 0 : i32
        %dma_start3A_104 = tpu.memref_slice %arg8[%add3A_62, %dma_start3A_103] : memref<180x112xi32, #tpu.memory_space<vmem>> -> memref<1x112xi32, #tpu.memory_space<vmem>>
        %dma_start3A_105 = tpu.memref_squeeze %dma_start3A_104 : memref<1x112xi32, #tpu.memory_space<vmem>> -> memref<112xi32, #tpu.memory_space<vmem>>
        %dma_start3A_106 = arith.constant 0 : i32
        %dma_start3A_107 = arith.constant 0 : i32
        %dma_start3A_108 = tpu.memref_slice %arg12[%dma_start3A_106, %dma_start3A_107] : memref<10240x64xf32, #tpu.memory_space<vmem_shared>> -> memref<10240x64xf32, #tpu.memory_space<vmem_shared>>
        tpu.enqueue_indirect_dma source(%dma_start3A_102 : memref<112x64xf32, #tpu.memory_space<vmem>>) target(%dma_start3A_108 : memref<10240x64xf32, #tpu.memory_space<vmem_shared>>) offsets(%dma_start3A_105 : memref<112xi32, #tpu.memory_space<vmem>>) semaphore(%run_scoped3A_98 : memref<!tpu.dma_semaphore, #tpu.memory_space<semaphore_mem>>) {add = true}
        %dma_wait3A_109 = arith.constant 0 : i32
        %dma_wait3A_110 = arith.constant 0 : i32
        %dma_wait3A_111 = tpu.memref_slice %arg10[%run_scoped3A, %dma_wait3A_109, %dma_wait3A_110] : memref<2x112x64xf32, #tpu.memory_space<vmem>> -> memref<1x112x64xf32, #tpu.memory_space<vmem>>
        %dma_wait3A_112 = tpu.memref_squeeze %dma_wait3A_111 : memref<1x112x64xf32, #tpu.memory_space<vmem>> -> memref<112x64xf32, #tpu.memory_space<vmem>>
        %dma_wait3A_113 = arith.constant 0 : i32
        %dma_wait3A_114 = tpu.memref_slice %arg8[%add3A_62, %dma_wait3A_113] : memref<180x112xi32, #tpu.memory_space<vmem>> -> memref<1x112xi32, #tpu.memory_space<vmem>>
        %dma_wait3A_115 = tpu.memref_squeeze %dma_wait3A_114 : memref<1x112xi32, #tpu.memory_space<vmem>> -> memref<112xi32, #tpu.memory_space<vmem>>
        %dma_wait3A_116 = arith.constant 0 : i32
        %dma_wait3A_117 = arith.constant 0 : i32
        %dma_wait3A_118 = tpu.memref_slice %arg12[%dma_wait3A_116, %dma_wait3A_117] : memref<10240x64xf32, #tpu.memory_space<vmem_shared>> -> memref<10240x64xf32, #tpu.memory_space<vmem_shared>>
        tpu.wait_indirect_dma semaphore(%run_scoped3A_98 : memref<!tpu.dma_semaphore, #tpu.memory_space<semaphore_mem>>) src(%dma_wait3A_112 : memref<112x64xf32, #tpu.memory_space<vmem>>) dst(%dma_wait3A_118 : memref<10240x64xf32, #tpu.memory_space<vmem_shared>>)
        tpu.yield
      }) : () -> ()
      %add3A_73 = arith.constant 2 : i32
      %add3A_74 = arith.addi %add3A_62, %add3A_73 : i32
      %lt3A = arith.constant 180 : i32
      %lt3A_75 = arith.cmpi slt, %add3A_74, %lt3A : i32
      %convert_element_type3A = arith.extui %lt3A_75 : i1 to i32
      %cond3A = arith.constant 0 : i32
      %cond3A_76 = arith.cmpi ne, %convert_element_type3A, %cond3A : i32
      scf.if %cond3A_76 {
        %add3A_98 = arith.constant 2 : i32
        %add3A_99 = arith.addi %add3A_62, %add3A_98 : i32
        %dma_start3A_100 = arith.constant 0 : i32
        %dma_start3A_101 = arith.constant 0 : i32
        %dma_start3A_102 = arith.constant 0 : i32
        %dma_start3A_103 = tpu.memref_slice %arg10[%dma_start3A_100, %dma_start3A_101, %dma_start3A_102] : memref<2x112x64xf32, #tpu.memory_space<vmem>> -> memref<1x112x64xf32, #tpu.memory_space<vmem>>
        %dma_start3A_104 = tpu.memref_squeeze %dma_start3A_103 : memref<1x112x64xf32, #tpu.memory_space<vmem>> -> memref<112x64xf32, #tpu.memory_space<vmem>>
        %dma_start3A_105 = arith.constant 0 : i32
        %dma_start3A_106 = tpu.memref_slice %arg7[%add3A_99, %dma_start3A_105] : memref<180x112xi32, #tpu.memory_space<vmem>> -> memref<1x112xi32, #tpu.memory_space<vmem>>
        %dma_start3A_107 = tpu.memref_squeeze %dma_start3A_106 : memref<1x112xi32, #tpu.memory_space<vmem>> -> memref<112xi32, #tpu.memory_space<vmem>>
        %dma_start3A_108 = arith.constant 0 : i32
        %dma_start3A_109 = arith.constant 0 : i32
        %dma_start3A_110 = tpu.memref_slice %arg2[%dma_start3A_108, %dma_start3A_109] : memref<20480x64xf32, #tpu.memory_space<hbm>> -> memref<20480x64xf32, #tpu.memory_space<hbm>>
        tpu.enqueue_indirect_dma source(%dma_start3A_110 : memref<20480x64xf32, #tpu.memory_space<hbm>>) target(%dma_start3A_104 : memref<112x64xf32, #tpu.memory_space<vmem>>) offsets(%dma_start3A_107 : memref<112xi32, #tpu.memory_space<vmem>>) semaphore(%arg13 : memref<!tpu.dma_semaphore, #tpu.memory_space<semaphore_mem>>)
      } else {
      }
      %add3A_77 = arith.constant 1 : i32
      %add3A_78 = arith.addi %add3A_60, %add3A_77 : i32
      %dma_wait3A_79 = arith.constant 1 : i32
      %dma_wait3A_80 = arith.constant 0 : i32
      %dma_wait3A_81 = arith.constant 0 : i32
      %dma_wait3A_82 = tpu.memref_slice %arg10[%dma_wait3A_79, %dma_wait3A_80, %dma_wait3A_81] : memref<2x112x64xf32, #tpu.memory_space<vmem>> -> memref<1x112x64xf32, #tpu.memory_space<vmem>>
      %dma_wait3A_83 = tpu.memref_squeeze %dma_wait3A_82 : memref<1x112x64xf32, #tpu.memory_space<vmem>> -> memref<112x64xf32, #tpu.memory_space<vmem>>
      %dma_wait3A_84 = arith.constant 0 : i32
      %dma_wait3A_85 = tpu.memref_slice %arg7[%add3A_78, %dma_wait3A_84] : memref<180x112xi32, #tpu.memory_space<vmem>> -> memref<1x112xi32, #tpu.memory_space<vmem>>
      %dma_wait3A_86 = tpu.memref_squeeze %dma_wait3A_85 : memref<1x112xi32, #tpu.memory_space<vmem>> -> memref<112xi32, #tpu.memory_space<vmem>>
      %dma_wait3A_87 = arith.constant 0 : i32
      %dma_wait3A_88 = arith.constant 0 : i32
      %dma_wait3A_89 = tpu.memref_slice %arg2[%dma_wait3A_87, %dma_wait3A_88] : memref<20480x64xf32, #tpu.memory_space<hbm>> -> memref<20480x64xf32, #tpu.memory_space<hbm>>
      tpu.wait_indirect_dma semaphore(%arg14 : memref<!tpu.dma_semaphore, #tpu.memory_space<semaphore_mem>>) src(%dma_wait3A_89 : memref<20480x64xf32, #tpu.memory_space<hbm>>) dst(%dma_wait3A_83 : memref<112x64xf32, #tpu.memory_space<vmem>>)
      %run_scoped3A_90 = arith.constant 1 : i32
      "tpu.region"() ({
        %run_scoped3A_98 = tpu.sem_alloc : memref<!tpu.dma_semaphore, #tpu.memory_space<semaphore_mem>>
        %dma_start3A_99 = arith.constant 0 : i32
        %dma_start3A_100 = arith.constant 0 : i32
        %dma_start3A_101 = tpu.memref_slice %arg10[%run_scoped3A_90, %dma_start3A_99, %dma_start3A_100] : memref<2x112x64xf32, #tpu.memory_space<vmem>> -> memref<1x112x64xf32, #tpu.memory_space<vmem>>
        %dma_start3A_102 = tpu.memref_squeeze %dma_start3A_101 : memref<1x112x64xf32, #tpu.memory_space<vmem>> -> memref<112x64xf32, #tpu.memory_space<vmem>>
        %dma_start3A_103 = arith.constant 0 : i32
        %dma_start3A_104 = tpu.memref_slice %arg8[%add3A_78, %dma_start3A_103] : memref<180x112xi32, #tpu.memory_space<vmem>> -> memref<1x112xi32, #tpu.memory_space<vmem>>
        %dma_start3A_105 = tpu.memref_squeeze %dma_start3A_104 : memref<1x112xi32, #tpu.memory_space<vmem>> -> memref<112xi32, #tpu.memory_space<vmem>>
        %dma_start3A_106 = arith.constant 0 : i32
        %dma_start3A_107 = arith.constant 0 : i32
        %dma_start3A_108 = tpu.memref_slice %arg12[%dma_start3A_106, %dma_start3A_107] : memref<10240x64xf32, #tpu.memory_space<vmem_shared>> -> memref<10240x64xf32, #tpu.memory_space<vmem_shared>>
        tpu.enqueue_indirect_dma source(%dma_start3A_102 : memref<112x64xf32, #tpu.memory_space<vmem>>) target(%dma_start3A_108 : memref<10240x64xf32, #tpu.memory_space<vmem_shared>>) offsets(%dma_start3A_105 : memref<112xi32, #tpu.memory_space<vmem>>) semaphore(%run_scoped3A_98 : memref<!tpu.dma_semaphore, #tpu.memory_space<semaphore_mem>>) {add = true}
        %dma_wait3A_109 = arith.constant 0 : i32
        %dma_wait3A_110 = arith.constant 0 : i32
        %dma_wait3A_111 = tpu.memref_slice %arg10[%run_scoped3A_90, %dma_wait3A_109, %dma_wait3A_110] : memref<2x112x64xf32, #tpu.memory_space<vmem>> -> memref<1x112x64xf32, #tpu.memory_space<vmem>>
        %dma_wait3A_112 = tpu.memref_squeeze %dma_wait3A_111 : memref<1x112x64xf32, #tpu.memory_space<vmem>> -> memref<112x64xf32, #tpu.memory_space<vmem>>
        %dma_wait3A_113 = arith.constant 0 : i32
        %dma_wait3A_114 = tpu.memref_slice %arg8[%add3A_78, %dma_wait3A_113] : memref<180x112xi32, #tpu.memory_space<vmem>> -> memref<1x112xi32, #tpu.memory_space<vmem>>
        %dma_wait3A_115 = tpu.memref_squeeze %dma_wait3A_114 : memref<1x112xi32, #tpu.memory_space<vmem>> -> memref<112xi32, #tpu.memory_space<vmem>>
        %dma_wait3A_116 = arith.constant 0 : i32
        %dma_wait3A_117 = arith.constant 0 : i32
        %dma_wait3A_118 = tpu.memref_slice %arg12[%dma_wait3A_116, %dma_wait3A_117] : memref<10240x64xf32, #tpu.memory_space<vmem_shared>> -> memref<10240x64xf32, #tpu.memory_space<vmem_shared>>
        tpu.wait_indirect_dma semaphore(%run_scoped3A_98 : memref<!tpu.dma_semaphore, #tpu.memory_space<semaphore_mem>>) src(%dma_wait3A_112 : memref<112x64xf32, #tpu.memory_space<vmem>>) dst(%dma_wait3A_118 : memref<10240x64xf32, #tpu.memory_space<vmem_shared>>)
        tpu.yield
      }) : () -> ()
      %add3A_91 = arith.constant 2 : i32
      %add3A_92 = arith.addi %add3A_78, %add3A_91 : i32
      %lt3A_93 = arith.constant 180 : i32
      %lt3A_94 = arith.cmpi slt, %add3A_92, %lt3A_93 : i32
      %convert_element_type3A_95 = arith.extui %lt3A_94 : i1 to i32
      %cond3A_96 = arith.constant 0 : i32
      %cond3A_97 = arith.cmpi ne, %convert_element_type3A_95, %cond3A_96 : i32
      scf.if %cond3A_97 {
        %add3A_98 = arith.constant 2 : i32
        %add3A_99 = arith.addi %add3A_78, %add3A_98 : i32
        %dma_start3A_100 = arith.constant 1 : i32
        %dma_start3A_101 = arith.constant 0 : i32
        %dma_start3A_102 = arith.constant 0 : i32
        %dma_start3A_103 = tpu.memref_slice %arg10[%dma_start3A_100, %dma_start3A_101, %dma_start3A_102] : memref<2x112x64xf32, #tpu.memory_space<vmem>> -> memref<1x112x64xf32, #tpu.memory_space<vmem>>
        %dma_start3A_104 = tpu.memref_squeeze %dma_start3A_103 : memref<1x112x64xf32, #tpu.memory_space<vmem>> -> memref<112x64xf32, #tpu.memory_space<vmem>>
        %dma_start3A_105 = arith.constant 0 : i32
        %dma_start3A_106 = tpu.memref_slice %arg7[%add3A_99, %dma_start3A_105] : memref<180x112xi32, #tpu.memory_space<vmem>> -> memref<1x112xi32, #tpu.memory_space<vmem>>
        %dma_start3A_107 = tpu.memref_squeeze %dma_start3A_106 : memref<1x112xi32, #tpu.memory_space<vmem>> -> memref<112xi32, #tpu.memory_space<vmem>>
        %dma_start3A_108 = arith.constant 0 : i32
        %dma_start3A_109 = arith.constant 0 : i32
        %dma_start3A_110 = tpu.memref_slice %arg2[%dma_start3A_108, %dma_start3A_109] : memref<20480x64xf32, #tpu.memory_space<hbm>> -> memref<20480x64xf32, #tpu.memory_space<hbm>>
        tpu.enqueue_indirect_dma source(%dma_start3A_110 : memref<20480x64xf32, #tpu.memory_space<hbm>>) target(%dma_start3A_104 : memref<112x64xf32, #tpu.memory_space<vmem>>) offsets(%dma_start3A_107 : memref<112xi32, #tpu.memory_space<vmem>>) semaphore(%arg14 : memref<!tpu.dma_semaphore, #tpu.memory_space<semaphore_mem>>)
      } else {
      }
    }
    %scan3A_50 = arith.constant 90 : i32
    %barrier3A_51 = arith.constant 0 : index
    tpu.barrier barrier_id(%barrier3A_51)
    %mul3A_52 = arith.constant 640 : i32
    %mul3A_53 = arith.muli %arg1, %mul3A_52 : i32
    %mul3A_54 = arith.constant 640 : i32
    %mul3A_55 = arith.muli %arg1, %mul3A_54 : i32
    "tpu.region"() ({
      %run_scoped3A = tpu.sem_alloc : memref<!tpu.dma_semaphore, #tpu.memory_space<semaphore_mem>>
      %dma_start3A_56 = arith.constant 0 : i32
      %dma_start3A_57 = tpu.memref_slice %arg6[%arg0, %mul3A_55, %dma_start3A_56] : memref<2x10240x64xf32, #tpu.memory_space<hbm>> -> memref<1x640x64xf32, #tpu.memory_space<hbm>>
      %dma_start3A_58 = tpu.memref_squeeze %dma_start3A_57 : memref<1x640x64xf32, #tpu.memory_space<hbm>> -> memref<640x64xf32, #tpu.memory_space<hbm>>
      %dma_start3A_59 = arith.constant 0 : i32
      %dma_start3A_60 = tpu.memref_slice %arg12[%mul3A_53, %dma_start3A_59] : memref<10240x64xf32, #tpu.memory_space<vmem_shared>> -> memref<640x64xf32, #tpu.memory_space<vmem_shared>>
      tpu.enqueue_dma source(%dma_start3A_60 : memref<640x64xf32, #tpu.memory_space<vmem_shared>>) target(%dma_start3A_58 : memref<640x64xf32, #tpu.memory_space<hbm>>) target_semaphore(%run_scoped3A : memref<!tpu.dma_semaphore, #tpu.memory_space<semaphore_mem>>)
      %dma_wait3A = arith.constant 0 : i32
      %dma_wait3A_61 = tpu.memref_slice %arg6[%arg0, %mul3A_55, %dma_wait3A] : memref<2x10240x64xf32, #tpu.memory_space<hbm>> -> memref<1x640x64xf32, #tpu.memory_space<hbm>>
      %dma_wait3A_62 = tpu.memref_squeeze %dma_wait3A_61 : memref<1x640x64xf32, #tpu.memory_space<hbm>> -> memref<640x64xf32, #tpu.memory_space<hbm>>
      %dma_wait3A_63 = arith.constant 0 : i32
      %dma_wait3A_64 = tpu.memref_slice %arg12[%mul3A_53, %dma_wait3A_63] : memref<10240x64xf32, #tpu.memory_space<vmem_shared>> -> memref<640x64xf32, #tpu.memory_space<vmem_shared>>
      tpu.wait_dma2 semaphore(%run_scoped3A : memref<!tpu.dma_semaphore, #tpu.memory_space<semaphore_mem>>) src(%dma_wait3A_64 : memref<640x64xf32, #tpu.memory_space<vmem_shared>>) dst(%dma_wait3A_62 : memref<640x64xf32, #tpu.memory_space<hbm>>)
      tpu.yield
    }) : () -> ()
    return
  }
}

#map = affine_map<(d0, d1) -> (0, 0)>
#map1 = affine_map<(d0, d1) -> (0, 0, 0, 0)>
#map2 = affine_map<(d0, d1) -> (0, 0, 0)>
module attributes {stable_mosaic.version = 14 : i64} {
  func.func @_sc_layer(%arg0: i32, %arg1: i32, %arg2: memref<20480x64xf32, #tpu.memory_space<hbm>>, %arg3: memref<2x16x180x112xi32, #tpu.memory_space<hbm>>, %arg4: memref<16x180x112xi32, #tpu.memory_space<hbm>>, %arg5: memref<16x180x112xf32, #tpu.memory_space<hbm>>, %arg6: memref<2x10240x64xf32, #tpu.memory_space<hbm>>, %arg7: memref<180x112xi32, #tpu.memory_space<vmem>>, %arg8: memref<180x112xi32, #tpu.memory_space<vmem>>, %arg9: memref<180x112xf32, #tpu.memory_space<vmem>>, %arg10: memref<2x112x64xf32, #tpu.memory_space<vmem>>, %arg11: memref<128x64xf32, #tpu.memory_space<vmem>>, %arg12: memref<10240x64xf32, #tpu.memory_space<vmem_shared>>, %arg13: memref<!tpu.dma_semaphore, #tpu.memory_space<semaphore_mem>>, %arg14: memref<!tpu.dma_semaphore, #tpu.memory_space<semaphore_mem>>) attributes {dimension_semantics = [#tpu.dimension_semantics<core_parallel>, #tpu.dimension_semantics<subcore_parallel>], iteration_bounds = array<i64: 2, 16>, scalar_prefetch = 0 : i64, scratch_operands = 8 : i64, tpu.core_type = #tpu.core_type<sc_vector_subcore>, window_params = [{transform_indices = #map}, {transform_indices = #map1}, {transform_indices = #map2}, {transform_indices = #map2}, {transform_indices = #map2}]} {
    "tpu.region"() ({
      %run_scoped3A = tpu.sem_alloc : memref<!tpu.dma_semaphore, #tpu.memory_space<semaphore_mem>>
      %dma_start3A_56 = arith.constant 0 : i32
      %dma_start3A_57 = arith.constant 0 : i32
      %dma_start3A_58 = tpu.memref_slice %arg3[%arg0, %arg1, %dma_start3A_56, %dma_start3A_57] : memref<2x16x180x112xi32, #tpu.memory_space<hbm>> -> memref<1x1x180x112xi32, #tpu.memory_space<hbm>>
      %dma_start3A_59 = tpu.memref_squeeze %dma_start3A_58 : memref<1x1x180x112xi32, #tpu.memory_space<hbm>> -> memref<180x112xi32, #tpu.memory_space<hbm>>
      %dma_start3A_60 = arith.constant 0 : i32
      %dma_start3A_61 = arith.constant 0 : i32
      %dma_start3A_62 = tpu.memref_slice %arg3[%arg0, %arg1, %dma_start3A_60, %dma_start3A_61] : memref<2x16x180x112xi32, #tpu.memory_space<hbm>> -> memref<1x1x180x112xi32, #tpu.memory_space<hbm>>
      %dma_start3A_63 = tpu.memref_squeeze %dma_start3A_62 : memref<1x1x180x112xi32, #tpu.memory_space<hbm>> -> memref<180x112xi32, #tpu.memory_space<hbm>>
      tpu.enqueue_dma source(%dma_start3A_63 : memref<180x112xi32, #tpu.memory_space<hbm>>) target(%arg7 : memref<180x112xi32, #tpu.memory_space<vmem>>) target_semaphore(%run_scoped3A : memref<!tpu.dma_semaphore, #tpu.memory_space<semaphore_mem>>)
      %dma_wait3A = arith.constant 0 : i32
      %dma_wait3A_64 = arith.constant 0 : i32
      %dma_wait3A_65 = tpu.memref_slice %arg3[%arg0, %arg1, %dma_wait3A, %dma_wait3A_64] : memref<2x16x180x112xi32, #tpu.memory_space<hbm>> -> memref<1x1x180x112xi32, #tpu.memory_space<hbm>>
      %dma_wait3A_66 = tpu.memref_squeeze %dma_wait3A_65 : memref<1x1x180x112xi32, #tpu.memory_space<hbm>> -> memref<180x112xi32, #tpu.memory_space<hbm>>
      %dma_wait3A_67 = arith.constant 0 : i32
      %dma_wait3A_68 = arith.constant 0 : i32
      %dma_wait3A_69 = tpu.memref_slice %arg3[%arg0, %arg1, %dma_wait3A_67, %dma_wait3A_68] : memref<2x16x180x112xi32, #tpu.memory_space<hbm>> -> memref<1x1x180x112xi32, #tpu.memory_space<hbm>>
      %dma_wait3A_70 = tpu.memref_squeeze %dma_wait3A_69 : memref<1x1x180x112xi32, #tpu.memory_space<hbm>> -> memref<180x112xi32, #tpu.memory_space<hbm>>
      tpu.wait_dma2 semaphore(%run_scoped3A : memref<!tpu.dma_semaphore, #tpu.memory_space<semaphore_mem>>) src(%dma_wait3A_70 : memref<180x112xi32, #tpu.memory_space<hbm>>) dst(%arg7 : memref<180x112xi32, #tpu.memory_space<vmem>>)
      tpu.yield
    }) : () -> ()
    "tpu.region"() ({
      %run_scoped3A = tpu.sem_alloc : memref<!tpu.dma_semaphore, #tpu.memory_space<semaphore_mem>>
      %dma_start3A_56 = arith.constant 0 : i32
      %dma_start3A_57 = arith.constant 0 : i32
      %dma_start3A_58 = tpu.memref_slice %arg4[%arg1, %dma_start3A_56, %dma_start3A_57] : memref<16x180x112xi32, #tpu.memory_space<hbm>> -> memref<1x180x112xi32, #tpu.memory_space<hbm>>
      %dma_start3A_59 = tpu.memref_squeeze %dma_start3A_58 : memref<1x180x112xi32, #tpu.memory_space<hbm>> -> memref<180x112xi32, #tpu.memory_space<hbm>>
      %dma_start3A_60 = arith.constant 0 : i32
      %dma_start3A_61 = arith.constant 0 : i32
      %dma_start3A_62 = tpu.memref_slice %arg4[%arg1, %dma_start3A_60, %dma_start3A_61] : memref<16x180x112xi32, #tpu.memory_space<hbm>> -> memref<1x180x112xi32, #tpu.memory_space<hbm>>
      %dma_start3A_63 = tpu.memref_squeeze %dma_start3A_62 : memref<1x180x112xi32, #tpu.memory_space<hbm>> -> memref<180x112xi32, #tpu.memory_space<hbm>>
      tpu.enqueue_dma source(%dma_start3A_63 : memref<180x112xi32, #tpu.memory_space<hbm>>) target(%arg8 : memref<180x112xi32, #tpu.memory_space<vmem>>) target_semaphore(%run_scoped3A : memref<!tpu.dma_semaphore, #tpu.memory_space<semaphore_mem>>)
      %dma_wait3A = arith.constant 0 : i32
      %dma_wait3A_64 = arith.constant 0 : i32
      %dma_wait3A_65 = tpu.memref_slice %arg4[%arg1, %dma_wait3A, %dma_wait3A_64] : memref<16x180x112xi32, #tpu.memory_space<hbm>> -> memref<1x180x112xi32, #tpu.memory_space<hbm>>
      %dma_wait3A_66 = tpu.memref_squeeze %dma_wait3A_65 : memref<1x180x112xi32, #tpu.memory_space<hbm>> -> memref<180x112xi32, #tpu.memory_space<hbm>>
      %dma_wait3A_67 = arith.constant 0 : i32
      %dma_wait3A_68 = arith.constant 0 : i32
      %dma_wait3A_69 = tpu.memref_slice %arg4[%arg1, %dma_wait3A_67, %dma_wait3A_68] : memref<16x180x112xi32, #tpu.memory_space<hbm>> -> memref<1x180x112xi32, #tpu.memory_space<hbm>>
      %dma_wait3A_70 = tpu.memref_squeeze %dma_wait3A_69 : memref<1x180x112xi32, #tpu.memory_space<hbm>> -> memref<180x112xi32, #tpu.memory_space<hbm>>
      tpu.wait_dma2 semaphore(%run_scoped3A : memref<!tpu.dma_semaphore, #tpu.memory_space<semaphore_mem>>) src(%dma_wait3A_70 : memref<180x112xi32, #tpu.memory_space<hbm>>) dst(%arg8 : memref<180x112xi32, #tpu.memory_space<vmem>>)
      tpu.yield
    }) : () -> ()
    "tpu.region"() ({
      %run_scoped3A = tpu.sem_alloc : memref<!tpu.dma_semaphore, #tpu.memory_space<semaphore_mem>>
      %dma_start3A_56 = arith.constant 0 : i32
      %dma_start3A_57 = arith.constant 0 : i32
      %dma_start3A_58 = tpu.memref_slice %arg5[%arg1, %dma_start3A_56, %dma_start3A_57] : memref<16x180x112xf32, #tpu.memory_space<hbm>> -> memref<1x180x112xf32, #tpu.memory_space<hbm>>
      %dma_start3A_59 = tpu.memref_squeeze %dma_start3A_58 : memref<1x180x112xf32, #tpu.memory_space<hbm>> -> memref<180x112xf32, #tpu.memory_space<hbm>>
      %dma_start3A_60 = arith.constant 0 : i32
      %dma_start3A_61 = arith.constant 0 : i32
      %dma_start3A_62 = tpu.memref_slice %arg5[%arg1, %dma_start3A_60, %dma_start3A_61] : memref<16x180x112xf32, #tpu.memory_space<hbm>> -> memref<1x180x112xf32, #tpu.memory_space<hbm>>
      %dma_start3A_63 = tpu.memref_squeeze %dma_start3A_62 : memref<1x180x112xf32, #tpu.memory_space<hbm>> -> memref<180x112xf32, #tpu.memory_space<hbm>>
      tpu.enqueue_dma source(%dma_start3A_63 : memref<180x112xf32, #tpu.memory_space<hbm>>) target(%arg9 : memref<180x112xf32, #tpu.memory_space<vmem>>) target_semaphore(%run_scoped3A : memref<!tpu.dma_semaphore, #tpu.memory_space<semaphore_mem>>)
      %dma_wait3A = arith.constant 0 : i32
      %dma_wait3A_64 = arith.constant 0 : i32
      %dma_wait3A_65 = tpu.memref_slice %arg5[%arg1, %dma_wait3A, %dma_wait3A_64] : memref<16x180x112xf32, #tpu.memory_space<hbm>> -> memref<1x180x112xf32, #tpu.memory_space<hbm>>
      %dma_wait3A_66 = tpu.memref_squeeze %dma_wait3A_65 : memref<1x180x112xf32, #tpu.memory_space<hbm>> -> memref<180x112xf32, #tpu.memory_space<hbm>>
      %dma_wait3A_67 = arith.constant 0 : i32
      %dma_wait3A_68 = arith.constant 0 : i32
      %dma_wait3A_69 = tpu.memref_slice %arg5[%arg1, %dma_wait3A_67, %dma_wait3A_68] : memref<16x180x112xf32, #tpu.memory_space<hbm>> -> memref<1x180x112xf32, #tpu.memory_space<hbm>>
      %dma_wait3A_70 = tpu.memref_squeeze %dma_wait3A_69 : memref<1x180x112xf32, #tpu.memory_space<hbm>> -> memref<180x112xf32, #tpu.memory_space<hbm>>
      tpu.wait_dma2 semaphore(%run_scoped3A : memref<!tpu.dma_semaphore, #tpu.memory_space<semaphore_mem>>) src(%dma_wait3A_70 : memref<180x112xf32, #tpu.memory_space<hbm>>) dst(%arg9 : memref<180x112xf32, #tpu.memory_space<vmem>>)
      tpu.yield
    }) : () -> ()
    %broadcast_in_dim3A = arith.constant 0.000000e+00 : f32
    %broadcast_in_dim3A_0 = vector.broadcast %broadcast_in_dim3A : f32 to vector<16xf32>
    %scan3A = arith.constant 0 : i32
    %scan3A_1 = arith.constant 128 : i32
    %scan3A_2 = arith.addi %scan3A, %scan3A_1 : i32
    %scan3A_3 = arith.constant 1 : i32
    scf.for %scan3A_56 = %scan3A to %scan3A_2 step %scan3A_3  : i32 {
      %mul3A_57 = arith.constant 1 : i32
      %mul3A_58 = arith.muli %scan3A_56, %mul3A_57 : i32
      %add3A_59 = arith.constant 0 : i32
      %add3A_60 = arith.addi %add3A_59, %mul3A_58 : i32
      %swap3A = arith.index_cast %add3A_60 : i32 to index
      %swap3A_61 = arith.constant 0 : index
      %swap3A_62 = tpu.vector_load %arg11[%swap3A, %swap3A_61] {strides = array<i32>} : memref<128x64xf32, #tpu.memory_space<vmem>>, vector<1x16xf32>,
      %swap3A_63 = vector.shape_cast %swap3A_62 : vector<1x16xf32> to vector<16xf32>
      %swap3A_64 = vector.shape_cast %broadcast_in_dim3A_0 : vector<16xf32> to vector<1x16xf32>
      tpu.vector_store %arg11[%swap3A, %swap3A_61], %swap3A_64 {strides = array<i32>} : memref<128x64xf32, #tpu.memory_space<vmem>>, vector<1x16xf32>,
      %swap3A_65 = arith.index_cast %add3A_60 : i32 to index
      %swap3A_66 = arith.constant 16 : index
      %swap3A_67 = tpu.vector_load %arg11[%swap3A_65, %swap3A_66] {strides = array<i32>} : memref<128x64xf32, #tpu.memory_space<vmem>>, vector<1x16xf32>,
      %swap3A_68 = vector.shape_cast %swap3A_67 : vector<1x16xf32> to vector<16xf32>
      %swap3A_69 = vector.shape_cast %broadcast_in_dim3A_0 : vector<16xf32> to vector<1x16xf32>
      tpu.vector_store %arg11[%swap3A_65, %swap3A_66], %swap3A_69 {strides = array<i32>} : memref<128x64xf32, #tpu.memory_space<vmem>>, vector<1x16xf32>,
      %swap3A_70 = arith.index_cast %add3A_60 : i32 to index
      %swap3A_71 = arith.constant 32 : index
      %swap3A_72 = tpu.vector_load %arg11[%swap3A_70, %swap3A_71] {strides = array<i32>} : memref<128x64xf32, #tpu.memory_space<vmem>>, vector<1x16xf32>,
      %swap3A_73 = vector.shape_cast %swap3A_72 : vector<1x16xf32> to vector<16xf32>
      %swap3A_74 = vector.shape_cast %broadcast_in_dim3A_0 : vector<16xf32> to vector<1x16xf32>
      tpu.vector_store %arg11[%swap3A_70, %swap3A_71], %swap3A_74 {strides = array<i32>} : memref<128x64xf32, #tpu.memory_space<vmem>>, vector<1x16xf32>,
      %swap3A_75 = arith.index_cast %add3A_60 : i32 to index
      %swap3A_76 = arith.constant 48 : index
      %swap3A_77 = tpu.vector_load %arg11[%swap3A_75, %swap3A_76] {strides = array<i32>} : memref<128x64xf32, #tpu.memory_space<vmem>>, vector<1x16xf32>,
      %swap3A_78 = vector.shape_cast %swap3A_77 : vector<1x16xf32> to vector<16xf32>
      %swap3A_79 = vector.shape_cast %broadcast_in_dim3A_0 : vector<16xf32> to vector<1x16xf32>
      tpu.vector_store %arg11[%swap3A_75, %swap3A_76], %swap3A_79 {strides = array<i32>} : memref<128x64xf32, #tpu.memory_space<vmem>>, vector<1x16xf32>,
    }
    %scan3A_4 = arith.constant 128 : i32
    %mul3A = arith.constant 640 : i32
    %mul3A_5 = arith.muli %arg1, %mul3A : i32
    %add3A = arith.constant 0 : i32
    %add3A_6 = arith.addi %mul3A_5, %add3A : i32
    "tpu.region"() ({
      %run_scoped3A = tpu.sem_alloc : memref<!tpu.dma_semaphore, #tpu.memory_space<semaphore_mem>>
      %dma_start3A_56 = arith.constant 0 : i32
      %dma_start3A_57 = tpu.memref_slice %arg12[%add3A_6, %dma_start3A_56] : memref<10240x64xf32, #tpu.memory_space<vmem_shared>> -> memref<128x64xf32, #tpu.memory_space<vmem_shared>>
      %dma_start3A_58 = arith.constant 0 : i32
      %dma_start3A_59 = tpu.memref_slice %arg12[%add3A_6, %dma_start3A_58] : memref<10240x64xf32, #tpu.memory_space<vmem_shared>> -> memref<128x64xf32, #tpu.memory_space<vmem_shared>>
      tpu.enqueue_dma source(%arg11 : memref<128x64xf32, #tpu.memory_space<vmem>>) target(%dma_start3A_59 : memref<128x64xf32, #tpu.memory_space<vmem_shared>>) target_semaphore(%run_scoped3A : memref<!tpu.dma_semaphore, #tpu.memory_space<semaphore_mem>>)
      %dma_wait3A = arith.constant 0 : i32
      %dma_wait3A_60 = tpu.memref_slice %arg12[%add3A_6, %dma_wait3A] : memref<10240x64xf32, #tpu.memory_space<vmem_shared>> -> memref<128x64xf32, #tpu.memory_space<vmem_shared>>
      %dma_wait3A_61 = arith.constant 0 : i32
      %dma_wait3A_62 = tpu.memref_slice %arg12[%add3A_6, %dma_wait3A_61] : memref<10240x64xf32, #tpu.memory_space<vmem_shared>> -> memref<128x64xf32, #tpu.memory_space<vmem_shared>>
      tpu.wait_dma2 semaphore(%run_scoped3A : memref<!tpu.dma_semaphore, #tpu.memory_space<semaphore_mem>>) src(%arg11 : memref<128x64xf32, #tpu.memory_space<vmem>>) dst(%dma_wait3A_62 : memref<128x64xf32, #tpu.memory_space<vmem_shared>>)
      tpu.yield
    }) : () -> ()
    %mul3A_7 = arith.constant 640 : i32
    %mul3A_8 = arith.muli %arg1, %mul3A_7 : i32
    %add3A_9 = arith.constant 128 : i32
    %add3A_10 = arith.addi %mul3A_8, %add3A_9 : i32
    "tpu.region"() ({
      %run_scoped3A = tpu.sem_alloc : memref<!tpu.dma_semaphore, #tpu.memory_space<semaphore_mem>>
      %dma_start3A_56 = arith.constant 0 : i32
      %dma_start3A_57 = tpu.memref_slice %arg12[%add3A_10, %dma_start3A_56] : memref<10240x64xf32, #tpu.memory_space<vmem_shared>> -> memref<128x64xf32, #tpu.memory_space<vmem_shared>>
      %dma_start3A_58 = arith.constant 0 : i32
      %dma_start3A_59 = tpu.memref_slice %arg12[%add3A_10, %dma_start3A_58] : memref<10240x64xf32, #tpu.memory_space<vmem_shared>> -> memref<128x64xf32, #tpu.memory_space<vmem_shared>>
      tpu.enqueue_dma source(%arg11 : memref<128x64xf32, #tpu.memory_space<vmem>>) target(%dma_start3A_59 : memref<128x64xf32, #tpu.memory_space<vmem_shared>>) target_semaphore(%run_scoped3A : memref<!tpu.dma_semaphore, #tpu.memory_space<semaphore_mem>>)
      %dma_wait3A = arith.constant 0 : i32
      %dma_wait3A_60 = tpu.memref_slice %arg12[%add3A_10, %dma_wait3A] : memref<10240x64xf32, #tpu.memory_space<vmem_shared>> -> memref<128x64xf32, #tpu.memory_space<vmem_shared>>
      %dma_wait3A_61 = arith.constant 0 : i32
      %dma_wait3A_62 = tpu.memref_slice %arg12[%add3A_10, %dma_wait3A_61] : memref<10240x64xf32, #tpu.memory_space<vmem_shared>> -> memref<128x64xf32, #tpu.memory_space<vmem_shared>>
      tpu.wait_dma2 semaphore(%run_scoped3A : memref<!tpu.dma_semaphore, #tpu.memory_space<semaphore_mem>>) src(%arg11 : memref<128x64xf32, #tpu.memory_space<vmem>>) dst(%dma_wait3A_62 : memref<128x64xf32, #tpu.memory_space<vmem_shared>>)
      tpu.yield
    }) : () -> ()
    %mul3A_11 = arith.constant 640 : i32
    %mul3A_12 = arith.muli %arg1, %mul3A_11 : i32
    %add3A_13 = arith.constant 256 : i32
    %add3A_14 = arith.addi %mul3A_12, %add3A_13 : i32
    "tpu.region"() ({
      %run_scoped3A = tpu.sem_alloc : memref<!tpu.dma_semaphore, #tpu.memory_space<semaphore_mem>>
      %dma_start3A_56 = arith.constant 0 : i32
      %dma_start3A_57 = tpu.memref_slice %arg12[%add3A_14, %dma_start3A_56] : memref<10240x64xf32, #tpu.memory_space<vmem_shared>> -> memref<128x64xf32, #tpu.memory_space<vmem_shared>>
      %dma_start3A_58 = arith.constant 0 : i32
      %dma_start3A_59 = tpu.memref_slice %arg12[%add3A_14, %dma_start3A_58] : memref<10240x64xf32, #tpu.memory_space<vmem_shared>> -> memref<128x64xf32, #tpu.memory_space<vmem_shared>>
      tpu.enqueue_dma source(%arg11 : memref<128x64xf32, #tpu.memory_space<vmem>>) target(%dma_start3A_59 : memref<128x64xf32, #tpu.memory_space<vmem_shared>>) target_semaphore(%run_scoped3A : memref<!tpu.dma_semaphore, #tpu.memory_space<semaphore_mem>>)
      %dma_wait3A = arith.constant 0 : i32
      %dma_wait3A_60 = tpu.memref_slice %arg12[%add3A_14, %dma_wait3A] : memref<10240x64xf32, #tpu.memory_space<vmem_shared>> -> memref<128x64xf32, #tpu.memory_space<vmem_shared>>
      %dma_wait3A_61 = arith.constant 0 : i32
      %dma_wait3A_62 = tpu.memref_slice %arg12[%add3A_14, %dma_wait3A_61] : memref<10240x64xf32, #tpu.memory_space<vmem_shared>> -> memref<128x64xf32, #tpu.memory_space<vmem_shared>>
      tpu.wait_dma2 semaphore(%run_scoped3A : memref<!tpu.dma_semaphore, #tpu.memory_space<semaphore_mem>>) src(%arg11 : memref<128x64xf32, #tpu.memory_space<vmem>>) dst(%dma_wait3A_62 : memref<128x64xf32, #tpu.memory_space<vmem_shared>>)
      tpu.yield
    }) : () -> ()
    %mul3A_15 = arith.constant 640 : i32
    %mul3A_16 = arith.muli %arg1, %mul3A_15 : i32
    %add3A_17 = arith.constant 384 : i32
    %add3A_18 = arith.addi %mul3A_16, %add3A_17 : i32
    "tpu.region"() ({
      %run_scoped3A = tpu.sem_alloc : memref<!tpu.dma_semaphore, #tpu.memory_space<semaphore_mem>>
      %dma_start3A_56 = arith.constant 0 : i32
      %dma_start3A_57 = tpu.memref_slice %arg12[%add3A_18, %dma_start3A_56] : memref<10240x64xf32, #tpu.memory_space<vmem_shared>> -> memref<128x64xf32, #tpu.memory_space<vmem_shared>>
      %dma_start3A_58 = arith.constant 0 : i32
      %dma_start3A_59 = tpu.memref_slice %arg12[%add3A_18, %dma_start3A_58] : memref<10240x64xf32, #tpu.memory_space<vmem_shared>> -> memref<128x64xf32, #tpu.memory_space<vmem_shared>>
      tpu.enqueue_dma source(%arg11 : memref<128x64xf32, #tpu.memory_space<vmem>>) target(%dma_start3A_59 : memref<128x64xf32, #tpu.memory_space<vmem_shared>>) target_semaphore(%run_scoped3A : memref<!tpu.dma_semaphore, #tpu.memory_space<semaphore_mem>>)
      %dma_wait3A = arith.constant 0 : i32
      %dma_wait3A_60 = tpu.memref_slice %arg12[%add3A_18, %dma_wait3A] : memref<10240x64xf32, #tpu.memory_space<vmem_shared>> -> memref<128x64xf32, #tpu.memory_space<vmem_shared>>
      %dma_wait3A_61 = arith.constant 0 : i32
      %dma_wait3A_62 = tpu.memref_slice %arg12[%add3A_18, %dma_wait3A_61] : memref<10240x64xf32, #tpu.memory_space<vmem_shared>> -> memref<128x64xf32, #tpu.memory_space<vmem_shared>>
      tpu.wait_dma2 semaphore(%run_scoped3A : memref<!tpu.dma_semaphore, #tpu.memory_space<semaphore_mem>>) src(%arg11 : memref<128x64xf32, #tpu.memory_space<vmem>>) dst(%dma_wait3A_62 : memref<128x64xf32, #tpu.memory_space<vmem_shared>>)
      tpu.yield
    }) : () -> ()
    %mul3A_19 = arith.constant 640 : i32
    %mul3A_20 = arith.muli %arg1, %mul3A_19 : i32
    %add3A_21 = arith.constant 512 : i32
    %add3A_22 = arith.addi %mul3A_20, %add3A_21 : i32
    "tpu.region"() ({
      %run_scoped3A = tpu.sem_alloc : memref<!tpu.dma_semaphore, #tpu.memory_space<semaphore_mem>>
      %dma_start3A_56 = arith.constant 0 : i32
      %dma_start3A_57 = tpu.memref_slice %arg12[%add3A_22, %dma_start3A_56] : memref<10240x64xf32, #tpu.memory_space<vmem_shared>> -> memref<128x64xf32, #tpu.memory_space<vmem_shared>>
      %dma_start3A_58 = arith.constant 0 : i32
      %dma_start3A_59 = tpu.memref_slice %arg12[%add3A_22, %dma_start3A_58] : memref<10240x64xf32, #tpu.memory_space<vmem_shared>> -> memref<128x64xf32, #tpu.memory_space<vmem_shared>>
      tpu.enqueue_dma source(%arg11 : memref<128x64xf32, #tpu.memory_space<vmem>>) target(%dma_start3A_59 : memref<128x64xf32, #tpu.memory_space<vmem_shared>>) target_semaphore(%run_scoped3A : memref<!tpu.dma_semaphore, #tpu.memory_space<semaphore_mem>>)
      %dma_wait3A = arith.constant 0 : i32
      %dma_wait3A_60 = tpu.memref_slice %arg12[%add3A_22, %dma_wait3A] : memref<10240x64xf32, #tpu.memory_space<vmem_shared>> -> memref<128x64xf32, #tpu.memory_space<vmem_shared>>
      %dma_wait3A_61 = arith.constant 0 : i32
      %dma_wait3A_62 = tpu.memref_slice %arg12[%add3A_22, %dma_wait3A_61] : memref<10240x64xf32, #tpu.memory_space<vmem_shared>> -> memref<128x64xf32, #tpu.memory_space<vmem_shared>>
      tpu.wait_dma2 semaphore(%run_scoped3A : memref<!tpu.dma_semaphore, #tpu.memory_space<semaphore_mem>>) src(%arg11 : memref<128x64xf32, #tpu.memory_space<vmem>>) dst(%dma_wait3A_62 : memref<128x64xf32, #tpu.memory_space<vmem_shared>>)
      tpu.yield
    }) : () -> ()
    %barrier3A = arith.constant 0 : index
    tpu.barrier barrier_id(%barrier3A)
    %dma_start3A = arith.constant 0 : i32
    %dma_start3A_23 = arith.constant 0 : i32
    %dma_start3A_24 = arith.constant 0 : i32
    %dma_start3A_25 = arith.constant 0 : i32
    %dma_start3A_26 = tpu.memref_slice %arg10[%dma_start3A_23, %dma_start3A_24, %dma_start3A_25] : memref<2x112x64xf32, #tpu.memory_space<vmem>> -> memref<1x112x64xf32, #tpu.memory_space<vmem>>
    %dma_start3A_27 = tpu.memref_squeeze %dma_start3A_26 : memref<1x112x64xf32, #tpu.memory_space<vmem>> -> memref<112x64xf32, #tpu.memory_space<vmem>>
    %dma_start3A_28 = arith.constant 0 : i32
    %dma_start3A_29 = tpu.memref_slice %arg7[%dma_start3A, %dma_start3A_28] : memref<180x112xi32, #tpu.memory_space<vmem>> -> memref<1x112xi32, #tpu.memory_space<vmem>>
    %dma_start3A_30 = tpu.memref_squeeze %dma_start3A_29 : memref<1x112xi32, #tpu.memory_space<vmem>> -> memref<112xi32, #tpu.memory_space<vmem>>
    %dma_start3A_31 = arith.constant 0 : i32
    %dma_start3A_32 = arith.constant 0 : i32
    %dma_start3A_33 = tpu.memref_slice %arg2[%dma_start3A_31, %dma_start3A_32] : memref<20480x64xf32, #tpu.memory_space<hbm>> -> memref<20480x64xf32, #tpu.memory_space<hbm>>
    tpu.enqueue_indirect_dma source(%dma_start3A_33 : memref<20480x64xf32, #tpu.memory_space<hbm>>) target(%dma_start3A_27 : memref<112x64xf32, #tpu.memory_space<vmem>>) offsets(%dma_start3A_30 : memref<112xi32, #tpu.memory_space<vmem>>) semaphore(%arg13 : memref<!tpu.dma_semaphore, #tpu.memory_space<semaphore_mem>>)
    %dma_start3A_34 = arith.constant 1 : i32
    %dma_start3A_35 = arith.constant 1 : i32
    %dma_start3A_36 = arith.constant 0 : i32
    %dma_start3A_37 = arith.constant 0 : i32
    %dma_start3A_38 = tpu.memref_slice %arg10[%dma_start3A_35, %dma_start3A_36, %dma_start3A_37] : memref<2x112x64xf32, #tpu.memory_space<vmem>> -> memref<1x112x64xf32, #tpu.memory_space<vmem>>
    %dma_start3A_39 = tpu.memref_squeeze %dma_start3A_38 : memref<1x112x64xf32, #tpu.memory_space<vmem>> -> memref<112x64xf32, #tpu.memory_space<vmem>>
    %dma_start3A_40 = arith.constant 0 : i32
    %dma_start3A_41 = tpu.memref_slice %arg7[%dma_start3A_34, %dma_start3A_40] : memref<180x112xi32, #tpu.memory_space<vmem>> -> memref<1x112xi32, #tpu.memory_space<vmem>>
    %dma_start3A_42 = tpu.memref_squeeze %dma_start3A_41 : memref<1x112xi32, #tpu.memory_space<vmem>> -> memref<112xi32, #tpu.memory_space<vmem>>
    %dma_start3A_43 = arith.constant 0 : i32
    %dma_start3A_44 = arith.constant 0 : i32
    %dma_start3A_45 = tpu.memref_slice %arg2[%dma_start3A_43, %dma_start3A_44] : memref<20480x64xf32, #tpu.memory_space<hbm>> -> memref<20480x64xf32, #tpu.memory_space<hbm>>
    tpu.enqueue_indirect_dma source(%dma_start3A_45 : memref<20480x64xf32, #tpu.memory_space<hbm>>) target(%dma_start3A_39 : memref<112x64xf32, #tpu.memory_space<vmem>>) offsets(%dma_start3A_42 : memref<112xi32, #tpu.memory_space<vmem>>) semaphore(%arg14 : memref<!tpu.dma_semaphore, #tpu.memory_space<semaphore_mem>>)
    %scan3A_46 = arith.constant 0 : i32
    %scan3A_47 = arith.constant 90 : i32
    %scan3A_48 = arith.addi %scan3A_46, %scan3A_47 : i32
    %scan3A_49 = arith.constant 1 : i32
    scf.for %scan3A_56 = %scan3A_46 to %scan3A_48 step %scan3A_49  : i32 {
      %mul3A_57 = arith.constant 2 : i32
      %mul3A_58 = arith.muli %scan3A_56, %mul3A_57 : i32
      %add3A_59 = arith.constant 0 : i32
      %add3A_60 = arith.addi %add3A_59, %mul3A_58 : i32
      %add3A_61 = arith.constant 0 : i32
      %add3A_62 = arith.addi %add3A_60, %add3A_61 : i32
      %dma_wait3A = arith.constant 0 : i32
      %dma_wait3A_63 = arith.constant 0 : i32
      %dma_wait3A_64 = arith.constant 0 : i32
      %dma_wait3A_65 = tpu.memref_slice %arg10[%dma_wait3A, %dma_wait3A_63, %dma_wait3A_64] : memref<2x112x64xf32, #tpu.memory_space<vmem>> -> memref<1x112x64xf32, #tpu.memory_space<vmem>>
      %dma_wait3A_66 = tpu.memref_squeeze %dma_wait3A_65 : memref<1x112x64xf32, #tpu.memory_space<vmem>> -> memref<112x64xf32, #tpu.memory_space<vmem>>
      %dma_wait3A_67 = arith.constant 0 : i32
      %dma_wait3A_68 = tpu.memref_slice %arg7[%add3A_62, %dma_wait3A_67] : memref<180x112xi32, #tpu.memory_space<vmem>> -> memref<1x112xi32, #tpu.memory_space<vmem>>
      %dma_wait3A_69 = tpu.memref_squeeze %dma_wait3A_68 : memref<1x112xi32, #tpu.memory_space<vmem>> -> memref<112xi32, #tpu.memory_space<vmem>>
      %dma_wait3A_70 = arith.constant 0 : i32
      %dma_wait3A_71 = arith.constant 0 : i32
      %dma_wait3A_72 = tpu.memref_slice %arg2[%dma_wait3A_70, %dma_wait3A_71] : memref<20480x64xf32, #tpu.memory_space<hbm>> -> memref<20480x64xf32, #tpu.memory_space<hbm>>
      tpu.wait_indirect_dma semaphore(%arg13 : memref<!tpu.dma_semaphore, #tpu.memory_space<semaphore_mem>>) src(%dma_wait3A_72 : memref<20480x64xf32, #tpu.memory_space<hbm>>) dst(%dma_wait3A_66 : memref<112x64xf32, #tpu.memory_space<vmem>>)
      %run_scoped3A = arith.constant 0 : i32
      "tpu.region"() ({
        %run_scoped3A_98 = tpu.sem_alloc : memref<!tpu.dma_semaphore, #tpu.memory_space<semaphore_mem>>
        %dma_start3A_99 = arith.constant 0 : i32
        %dma_start3A_100 = arith.constant 0 : i32
        %dma_start3A_101 = tpu.memref_slice %arg10[%run_scoped3A, %dma_start3A_99, %dma_start3A_100] : memref<2x112x64xf32, #tpu.memory_space<vmem>> -> memref<1x112x64xf32, #tpu.memory_space<vmem>>
        %dma_start3A_102 = tpu.memref_squeeze %dma_start3A_101 : memref<1x112x64xf32, #tpu.memory_space<vmem>> -> memref<112x64xf32, #tpu.memory_space<vmem>>
        %dma_start3A_103 = arith.constant 0 : i32
        %dma_start3A_104 = tpu.memref_slice %arg8[%add3A_62, %dma_start3A_103] : memref<180x112xi32, #tpu.memory_space<vmem>> -> memref<1x112xi32, #tpu.memory_space<vmem>>
        %dma_start3A_105 = tpu.memref_squeeze %dma_start3A_104 : memref<1x112xi32, #tpu.memory_space<vmem>> -> memref<112xi32, #tpu.memory_space<vmem>>
        %dma_start3A_106 = arith.constant 0 : i32
        %dma_start3A_107 = arith.constant 0 : i32
        %dma_start3A_108 = tpu.memref_slice %arg12[%dma_start3A_106, %dma_start3A_107] : memref<10240x64xf32, #tpu.memory_space<vmem_shared>> -> memref<10240x64xf32, #tpu.memory_space<vmem_shared>>
        tpu.enqueue_indirect_dma source(%dma_start3A_102 : memref<112x64xf32, #tpu.memory_space<vmem>>) target(%dma_start3A_108 : memref<10240x64xf32, #tpu.memory_space<vmem_shared>>) offsets(%dma_start3A_105 : memref<112xi32, #tpu.memory_space<vmem>>) semaphore(%run_scoped3A_98 : memref<!tpu.dma_semaphore, #tpu.memory_space<semaphore_mem>>) {add = true}
        %dma_wait3A_109 = arith.constant 0 : i32
        %dma_wait3A_110 = arith.constant 0 : i32
        %dma_wait3A_111 = tpu.memref_slice %arg10[%run_scoped3A, %dma_wait3A_109, %dma_wait3A_110] : memref<2x112x64xf32, #tpu.memory_space<vmem>> -> memref<1x112x64xf32, #tpu.memory_space<vmem>>
        %dma_wait3A_112 = tpu.memref_squeeze %dma_wait3A_111 : memref<1x112x64xf32, #tpu.memory_space<vmem>> -> memref<112x64xf32, #tpu.memory_space<vmem>>
        %dma_wait3A_113 = arith.constant 0 : i32
        %dma_wait3A_114 = tpu.memref_slice %arg8[%add3A_62, %dma_wait3A_113] : memref<180x112xi32, #tpu.memory_space<vmem>> -> memref<1x112xi32, #tpu.memory_space<vmem>>
        %dma_wait3A_115 = tpu.memref_squeeze %dma_wait3A_114 : memref<1x112xi32, #tpu.memory_space<vmem>> -> memref<112xi32, #tpu.memory_space<vmem>>
        %dma_wait3A_116 = arith.constant 0 : i32
        %dma_wait3A_117 = arith.constant 0 : i32
        %dma_wait3A_118 = tpu.memref_slice %arg12[%dma_wait3A_116, %dma_wait3A_117] : memref<10240x64xf32, #tpu.memory_space<vmem_shared>> -> memref<10240x64xf32, #tpu.memory_space<vmem_shared>>
        tpu.wait_indirect_dma semaphore(%run_scoped3A_98 : memref<!tpu.dma_semaphore, #tpu.memory_space<semaphore_mem>>) src(%dma_wait3A_112 : memref<112x64xf32, #tpu.memory_space<vmem>>) dst(%dma_wait3A_118 : memref<10240x64xf32, #tpu.memory_space<vmem_shared>>)
        tpu.yield
      }) : () -> ()
      %add3A_73 = arith.constant 2 : i32
      %add3A_74 = arith.addi %add3A_62, %add3A_73 : i32
      %lt3A = arith.constant 180 : i32
      %lt3A_75 = arith.cmpi slt, %add3A_74, %lt3A : i32
      %convert_element_type3A = arith.extui %lt3A_75 : i1 to i32
      %cond3A = arith.constant 0 : i32
      %cond3A_76 = arith.cmpi ne, %convert_element_type3A, %cond3A : i32
      scf.if %cond3A_76 {
        %add3A_98 = arith.constant 2 : i32
        %add3A_99 = arith.addi %add3A_62, %add3A_98 : i32
        %dma_start3A_100 = arith.constant 0 : i32
        %dma_start3A_101 = arith.constant 0 : i32
        %dma_start3A_102 = arith.constant 0 : i32
        %dma_start3A_103 = tpu.memref_slice %arg10[%dma_start3A_100, %dma_start3A_101, %dma_start3A_102] : memref<2x112x64xf32, #tpu.memory_space<vmem>> -> memref<1x112x64xf32, #tpu.memory_space<vmem>>
        %dma_start3A_104 = tpu.memref_squeeze %dma_start3A_103 : memref<1x112x64xf32, #tpu.memory_space<vmem>> -> memref<112x64xf32, #tpu.memory_space<vmem>>
        %dma_start3A_105 = arith.constant 0 : i32
        %dma_start3A_106 = tpu.memref_slice %arg7[%add3A_99, %dma_start3A_105] : memref<180x112xi32, #tpu.memory_space<vmem>> -> memref<1x112xi32, #tpu.memory_space<vmem>>
        %dma_start3A_107 = tpu.memref_squeeze %dma_start3A_106 : memref<1x112xi32, #tpu.memory_space<vmem>> -> memref<112xi32, #tpu.memory_space<vmem>>
        %dma_start3A_108 = arith.constant 0 : i32
        %dma_start3A_109 = arith.constant 0 : i32
        %dma_start3A_110 = tpu.memref_slice %arg2[%dma_start3A_108, %dma_start3A_109] : memref<20480x64xf32, #tpu.memory_space<hbm>> -> memref<20480x64xf32, #tpu.memory_space<hbm>>
        tpu.enqueue_indirect_dma source(%dma_start3A_110 : memref<20480x64xf32, #tpu.memory_space<hbm>>) target(%dma_start3A_104 : memref<112x64xf32, #tpu.memory_space<vmem>>) offsets(%dma_start3A_107 : memref<112xi32, #tpu.memory_space<vmem>>) semaphore(%arg13 : memref<!tpu.dma_semaphore, #tpu.memory_space<semaphore_mem>>)
      } else {
      }
      %add3A_77 = arith.constant 1 : i32
      %add3A_78 = arith.addi %add3A_60, %add3A_77 : i32
      %dma_wait3A_79 = arith.constant 1 : i32
      %dma_wait3A_80 = arith.constant 0 : i32
      %dma_wait3A_81 = arith.constant 0 : i32
      %dma_wait3A_82 = tpu.memref_slice %arg10[%dma_wait3A_79, %dma_wait3A_80, %dma_wait3A_81] : memref<2x112x64xf32, #tpu.memory_space<vmem>> -> memref<1x112x64xf32, #tpu.memory_space<vmem>>
      %dma_wait3A_83 = tpu.memref_squeeze %dma_wait3A_82 : memref<1x112x64xf32, #tpu.memory_space<vmem>> -> memref<112x64xf32, #tpu.memory_space<vmem>>
      %dma_wait3A_84 = arith.constant 0 : i32
      %dma_wait3A_85 = tpu.memref_slice %arg7[%add3A_78, %dma_wait3A_84] : memref<180x112xi32, #tpu.memory_space<vmem>> -> memref<1x112xi32, #tpu.memory_space<vmem>>
      %dma_wait3A_86 = tpu.memref_squeeze %dma_wait3A_85 : memref<1x112xi32, #tpu.memory_space<vmem>> -> memref<112xi32, #tpu.memory_space<vmem>>
      %dma_wait3A_87 = arith.constant 0 : i32
      %dma_wait3A_88 = arith.constant 0 : i32
      %dma_wait3A_89 = tpu.memref_slice %arg2[%dma_wait3A_87, %dma_wait3A_88] : memref<20480x64xf32, #tpu.memory_space<hbm>> -> memref<20480x64xf32, #tpu.memory_space<hbm>>
      tpu.wait_indirect_dma semaphore(%arg14 : memref<!tpu.dma_semaphore, #tpu.memory_space<semaphore_mem>>) src(%dma_wait3A_89 : memref<20480x64xf32, #tpu.memory_space<hbm>>) dst(%dma_wait3A_83 : memref<112x64xf32, #tpu.memory_space<vmem>>)
      %run_scoped3A_90 = arith.constant 1 : i32
      "tpu.region"() ({
        %run_scoped3A_98 = tpu.sem_alloc : memref<!tpu.dma_semaphore, #tpu.memory_space<semaphore_mem>>
        %dma_start3A_99 = arith.constant 0 : i32
        %dma_start3A_100 = arith.constant 0 : i32
        %dma_start3A_101 = tpu.memref_slice %arg10[%run_scoped3A_90, %dma_start3A_99, %dma_start3A_100] : memref<2x112x64xf32, #tpu.memory_space<vmem>> -> memref<1x112x64xf32, #tpu.memory_space<vmem>>
        %dma_start3A_102 = tpu.memref_squeeze %dma_start3A_101 : memref<1x112x64xf32, #tpu.memory_space<vmem>> -> memref<112x64xf32, #tpu.memory_space<vmem>>
        %dma_start3A_103 = arith.constant 0 : i32
        %dma_start3A_104 = tpu.memref_slice %arg8[%add3A_78, %dma_start3A_103] : memref<180x112xi32, #tpu.memory_space<vmem>> -> memref<1x112xi32, #tpu.memory_space<vmem>>
        %dma_start3A_105 = tpu.memref_squeeze %dma_start3A_104 : memref<1x112xi32, #tpu.memory_space<vmem>> -> memref<112xi32, #tpu.memory_space<vmem>>
        %dma_start3A_106 = arith.constant 0 : i32
        %dma_start3A_107 = arith.constant 0 : i32
        %dma_start3A_108 = tpu.memref_slice %arg12[%dma_start3A_106, %dma_start3A_107] : memref<10240x64xf32, #tpu.memory_space<vmem_shared>> -> memref<10240x64xf32, #tpu.memory_space<vmem_shared>>
        tpu.enqueue_indirect_dma source(%dma_start3A_102 : memref<112x64xf32, #tpu.memory_space<vmem>>) target(%dma_start3A_108 : memref<10240x64xf32, #tpu.memory_space<vmem_shared>>) offsets(%dma_start3A_105 : memref<112xi32, #tpu.memory_space<vmem>>) semaphore(%run_scoped3A_98 : memref<!tpu.dma_semaphore, #tpu.memory_space<semaphore_mem>>) {add = true}
        %dma_wait3A_109 = arith.constant 0 : i32
        %dma_wait3A_110 = arith.constant 0 : i32
        %dma_wait3A_111 = tpu.memref_slice %arg10[%run_scoped3A_90, %dma_wait3A_109, %dma_wait3A_110] : memref<2x112x64xf32, #tpu.memory_space<vmem>> -> memref<1x112x64xf32, #tpu.memory_space<vmem>>
        %dma_wait3A_112 = tpu.memref_squeeze %dma_wait3A_111 : memref<1x112x64xf32, #tpu.memory_space<vmem>> -> memref<112x64xf32, #tpu.memory_space<vmem>>
        %dma_wait3A_113 = arith.constant 0 : i32
        %dma_wait3A_114 = tpu.memref_slice %arg8[%add3A_78, %dma_wait3A_113] : memref<180x112xi32, #tpu.memory_space<vmem>> -> memref<1x112xi32, #tpu.memory_space<vmem>>
        %dma_wait3A_115 = tpu.memref_squeeze %dma_wait3A_114 : memref<1x112xi32, #tpu.memory_space<vmem>> -> memref<112xi32, #tpu.memory_space<vmem>>
        %dma_wait3A_116 = arith.constant 0 : i32
        %dma_wait3A_117 = arith.constant 0 : i32
        %dma_wait3A_118 = tpu.memref_slice %arg12[%dma_wait3A_116, %dma_wait3A_117] : memref<10240x64xf32, #tpu.memory_space<vmem_shared>> -> memref<10240x64xf32, #tpu.memory_space<vmem_shared>>
        tpu.wait_indirect_dma semaphore(%run_scoped3A_98 : memref<!tpu.dma_semaphore, #tpu.memory_space<semaphore_mem>>) src(%dma_wait3A_112 : memref<112x64xf32, #tpu.memory_space<vmem>>) dst(%dma_wait3A_118 : memref<10240x64xf32, #tpu.memory_space<vmem_shared>>)
        tpu.yield
      }) : () -> ()
      %add3A_91 = arith.constant 2 : i32
      %add3A_92 = arith.addi %add3A_78, %add3A_91 : i32
      %lt3A_93 = arith.constant 180 : i32
      %lt3A_94 = arith.cmpi slt, %add3A_92, %lt3A_93 : i32
      %convert_element_type3A_95 = arith.extui %lt3A_94 : i1 to i32
      %cond3A_96 = arith.constant 0 : i32
      %cond3A_97 = arith.cmpi ne, %convert_element_type3A_95, %cond3A_96 : i32
      scf.if %cond3A_97 {
        %add3A_98 = arith.constant 2 : i32
        %add3A_99 = arith.addi %add3A_78, %add3A_98 : i32
        %dma_start3A_100 = arith.constant 1 : i32
        %dma_start3A_101 = arith.constant 0 : i32
        %dma_start3A_102 = arith.constant 0 : i32
        %dma_start3A_103 = tpu.memref_slice %arg10[%dma_start3A_100, %dma_start3A_101, %dma_start3A_102] : memref<2x112x64xf32, #tpu.memory_space<vmem>> -> memref<1x112x64xf32, #tpu.memory_space<vmem>>
        %dma_start3A_104 = tpu.memref_squeeze %dma_start3A_103 : memref<1x112x64xf32, #tpu.memory_space<vmem>> -> memref<112x64xf32, #tpu.memory_space<vmem>>
        %dma_start3A_105 = arith.constant 0 : i32
        %dma_start3A_106 = tpu.memref_slice %arg7[%add3A_99, %dma_start3A_105] : memref<180x112xi32, #tpu.memory_space<vmem>> -> memref<1x112xi32, #tpu.memory_space<vmem>>
        %dma_start3A_107 = tpu.memref_squeeze %dma_start3A_106 : memref<1x112xi32, #tpu.memory_space<vmem>> -> memref<112xi32, #tpu.memory_space<vmem>>
        %dma_start3A_108 = arith.constant 0 : i32
        %dma_start3A_109 = arith.constant 0 : i32
        %dma_start3A_110 = tpu.memref_slice %arg2[%dma_start3A_108, %dma_start3A_109] : memref<20480x64xf32, #tpu.memory_space<hbm>> -> memref<20480x64xf32, #tpu.memory_space<hbm>>
        tpu.enqueue_indirect_dma source(%dma_start3A_110 : memref<20480x64xf32, #tpu.memory_space<hbm>>) target(%dma_start3A_104 : memref<112x64xf32, #tpu.memory_space<vmem>>) offsets(%dma_start3A_107 : memref<112xi32, #tpu.memory_space<vmem>>) semaphore(%arg14 : memref<!tpu.dma_semaphore, #tpu.memory_space<semaphore_mem>>)
      } else {
      }
    }
    %scan3A_50 = arith.constant 90 : i32
    %barrier3A_51 = arith.constant 0 : index
    tpu.barrier barrier_id(%barrier3A_51)
    %mul3A_52 = arith.constant 640 : i32
    %mul3A_53 = arith.muli %arg1, %mul3A_52 : i32
    %mul3A_54 = arith.constant 640 : i32
    %mul3A_55 = arith.muli %arg1, %mul3A_54 : i32
    "tpu.region"() ({
      %run_scoped3A = tpu.sem_alloc : memref<!tpu.dma_semaphore, #tpu.memory_space<semaphore_mem>>
      %dma_start3A_56 = arith.constant 0 : i32
      %dma_start3A_57 = tpu.memref_slice %arg6[%arg0, %mul3A_55, %dma_start3A_56] : memref<2x10240x64xf32, #tpu.memory_space<hbm>> -> memref<1x640x64xf32, #tpu.memory_space<hbm>>
      %dma_start3A_58 = tpu.memref_squeeze %dma_start3A_57 : memref<1x640x64xf32, #tpu.memory_space<hbm>> -> memref<640x64xf32, #tpu.memory_space<hbm>>
      %dma_start3A_59 = arith.constant 0 : i32
      %dma_start3A_60 = tpu.memref_slice %arg12[%mul3A_53, %dma_start3A_59] : memref<10240x64xf32, #tpu.memory_space<vmem_shared>> -> memref<640x64xf32, #tpu.memory_space<vmem_shared>>
      tpu.enqueue_dma source(%dma_start3A_60 : memref<640x64xf32, #tpu.memory_space<vmem_shared>>) target(%dma_start3A_58 : memref<640x64xf32, #tpu.memory_space<hbm>>) target_semaphore(%run_scoped3A : memref<!tpu.dma_semaphore, #tpu.memory_space<semaphore_mem>>)
      %dma_wait3A = arith.constant 0 : i32
      %dma_wait3A_61 = tpu.memref_slice %arg6[%arg0, %mul3A_55, %dma_wait3A] : memref<2x10240x64xf32, #tpu.memory_space<hbm>> -> memref<1x640x64xf32, #tpu.memory_space<hbm>>
      %dma_wait3A_62 = tpu.memref_squeeze %dma_wait3A_61 : memref<1x640x64xf32, #tpu.memory_space<hbm>> -> memref<640x64xf32, #tpu.memory_space<hbm>>
      %dma_wait3A_63 = arith.constant 0 : i32
      %dma_wait3A_64 = tpu.memref_slice %arg12[%mul3A_53, %dma_wait3A_63] : memref<10240x64xf32, #tpu.memory_space<vmem_shared>> -> memref<640x64xf32, #tpu.memory_space<vmem_shared>>
      tpu.wait_dma2 semaphore(%run_scoped3A : memref<!tpu.dma_semaphore, #tpu.memory_space<semaphore_mem>>) src(%dma_wait3A_64 : memref<640x64xf32, #tpu.memory_space<vmem_shared>>) dst(%dma_wait3A_62 : memref<640x64xf32, #tpu.memory_space<hbm>>)
      tpu.yield
    }) : () -> ()
    return
  }
}

module attributes {stable_mosaic.version = 14 : i64} {
  func.func @_tc_pre_body(%arg0: i32, %arg1: memref<1280x128xf32, #tpu.memory_space<vmem>>, %arg2: memref<2x1280x1xf32, #tpu.memory_space<vmem>>, %arg3: memref<128x128xf32, #tpu.memory_space<vmem>>, %arg4: memref<128xf32, #tpu.memory_space<vmem>>, %arg5: memref<128xf32, #tpu.memory_space<vmem>>, %arg6: memref<128xf32, #tpu.memory_space<vmem>>, %arg7: memref<128x128xf32, #tpu.memory_space<vmem>>, %arg8: memref<1280x128xf32, #tpu.memory_space<vmem>>, %arg9: memref<1280x128xf32, #tpu.memory_space<vmem>>, %arg10: memref<1280x1xf32, #tpu.memory_space<vmem>>) attributes {dimension_semantics = [#tpu.dimension_semantics<arbitrary>], iteration_bounds = array<i64: 8>, scalar_prefetch = 0 : i64, scratch_operands = 0 : i64, tpu.core_type = #tpu.core_type<tc>, window_params = [{transform_indices = @transform_0, window_bounds = array<i64: 1280, 128>}, {transform_indices = @transform_1, window_bounds = array<i64: 2, 1280, 1>}, {pipeline_mode = #tpu.pipeline_mode<synchronous>, transform_indices = @transform_2, window_bounds = array<i64: 128, 128>}, {pipeline_mode = #tpu.pipeline_mode<synchronous>, transform_indices = @transform_3, window_bounds = array<i64: 128>}, {pipeline_mode = #tpu.pipeline_mode<synchronous>, transform_indices = @transform_4, window_bounds = array<i64: 128>}, {pipeline_mode = #tpu.pipeline_mode<synchronous>, transform_indices = @transform_5, window_bounds = array<i64: 128>}, {pipeline_mode = #tpu.pipeline_mode<synchronous>, transform_indices = @transform_6, window_bounds = array<i64: 128, 128>}, {transform_indices = @transform_7, window_bounds = array<i64: 1280, 128>}, {transform_indices = @transform_8, window_bounds = array<i64: 1280, 128>}, {transform_indices = @transform_9, window_bounds = array<i64: 1280, 1>}]} {
    %get3A = arith.constant 0 : index
    %get3A_0 = arith.constant 0 : index
    %get3A_1 = vector.load %arg1[%get3A, %get3A_0] : memref<1280x128xf32, #tpu.memory_space<vmem>>, vector<1280x128xf32>
    %get3A_2 = arith.constant 0 : index
    %get3A_3 = arith.constant 0 : index
    %get3A_4 = arith.constant 0 : index
    %get3A_5 = vector.load %arg2[%get3A_2, %get3A_3, %get3A_4] : memref<2x1280x1xf32, #tpu.memory_space<vmem>>, vector<1x1280x1xf32>
    %get3A_6 = vector.shape_cast %get3A_5 : vector<1x1280x1xf32> to vector<1280x1xf32>
    %get3A_7 = arith.constant 1 : index
    %get3A_8 = arith.constant 0 : index
    %get3A_9 = arith.constant 0 : index
    %get3A_10 = vector.load %arg2[%get3A_7, %get3A_8, %get3A_9] : memref<2x1280x1xf32, #tpu.memory_space<vmem>>, vector<1x1280x1xf32>
    %get3A_11 = vector.shape_cast %get3A_10 : vector<1x1280x1xf32> to vector<1280x1xf32>
    %add3A = arith.addf %get3A_6, %get3A_11 : vector<1280x1xf32>
    %gt3A = arith.constant 0.000000e+00 : f32
    %gt3A_12 = vector.broadcast %gt3A : f32 to vector<1280x1xf32>
    %gt3A_13 = arith.cmpf ogt, %add3A, %gt3A_12 : vector<1280x1xf32>
    %gt3A_14 = arith.constant 0.000000e+00 : f32
    %gt3A_15 = vector.broadcast %gt3A_14 : f32 to vector<1280x1xf32>
    %gt3A_16 = arith.cmpf ogt, %add3A, %gt3A_15 : vector<1280x1xf32>
    %jit3A = arith.constant 1.000000e+00 : f32
    %broadcast_in_dim3A = vector.broadcast %jit3A : f32 to vector<1280x1xf32>
    %select_n3A = arith.select %gt3A_16, %add3A, %broadcast_in_dim3A : vector<1280x1xi1>, vector<1280x1xf32>
    %rsqrt3A = math.rsqrt %select_n3A : vector<1280x1xf32>
    %jit3A_17 = arith.constant 0.000000e+00 : f32
    %broadcast_in_dim3A_18 = vector.broadcast %jit3A_17 : f32 to vector<1280x1xf32>
    %select_n3A_19 = arith.select %gt3A_13, %rsqrt3A, %broadcast_in_dim3A_18 : vector<1280x1xi1>, vector<1280x1xf32>
    %swap3A = arith.constant 0 : index
    %swap3A_20 = arith.constant 0 : index
    %swap3A_21 = vector.load %arg10[%swap3A, %swap3A_20] : memref<1280x1xf32, #tpu.memory_space<vmem>>, vector<1280x1xf32>
    tpu.vector_store %arg10[%swap3A, %swap3A_20], %select_n3A_19 {strides = array<i32>} : memref<1280x1xf32, #tpu.memory_space<vmem>>, vector<1280x1xf32>,
    %get3A_22 = arith.constant 0 : index
    %get3A_23 = arith.constant 0 : index
    %get3A_24 = vector.load %arg3[%get3A_22, %get3A_23] : memref<128x128xf32, #tpu.memory_space<vmem>>, vector<128x128xf32>
    %dot_general3A = arith.constant dense<0.000000e+00> : vector<1280x128xf32>
    %dot_general3A_25 = tpu.matmul %get3A_1, %get3A_24, %dot_general3A {dimension_numbers = #tpu.dot_dimension_numbers<[1], [0], [0], [1], [0, 0, 1, 1], [], []>, transpose_lhs_hint = false} : vector<1280x128xf32>, vector<128x128xf32>, vector<1280x128xf32> -> vector<1280x128xf32>
    %get3A_26 = arith.constant 0 : index
    %get3A_27 = vector.load %arg4[%get3A_26] : memref<128xf32, #tpu.memory_space<vmem>>, vector<128xf32>
    %broadcast_in_dim3A_28 = vector.shape_cast %get3A_27 : vector<128xf32> to vector<1x128xf32>
    %add3A_29 = vector.broadcast %broadcast_in_dim3A_28 : vector<1x128xf32> to vector<1280x128xf32>
    %add3A_30 = arith.addf %dot_general3A_25, %add3A_29 : vector<1280x128xf32>
    %get3A_31 = arith.constant 0 : index
    %get3A_32 = vector.load %arg5[%get3A_31] : memref<128xf32, #tpu.memory_space<vmem>>, vector<128xf32>
    %get3A_33 = arith.constant 0 : index
    %get3A_34 = vector.load %arg6[%get3A_33] : memref<128xf32, #tpu.memory_space<vmem>>, vector<128xf32>
    %reduce_sum3A = arith.constant dense<0.000000e+00> : vector<1280xf32>
    %reduce_sum3A_35 = vector.multi_reduction <add>, %add3A_30, %reduce_sum3A [1] : vector<1280x128xf32> to vector<1280xf32>
    %broadcast_in_dim3A_36 = vector.shape_cast %reduce_sum3A_35 : vector<1280xf32> to vector<1280x1xf32>
    %div3A = arith.constant 1.280000e+02 : f32
    %div3A_37 = vector.broadcast %div3A : f32 to vector<1280x1xf32>
    %div3A_38 = arith.divf %broadcast_in_dim3A_36, %div3A_37 : vector<1280x1xf32>
    %sub3A = vector.broadcast %div3A_38 : vector<1280x1xf32> to vector<1280x128xf32>
    %sub3A_39 = arith.subf %add3A_30, %sub3A : vector<1280x128xf32>
    %mul3A = arith.mulf %sub3A_39, %sub3A_39 : vector<1280x128xf32>
    %reduce_sum3A_40 = arith.constant dense<0.000000e+00> : vector<1280xf32>
    %reduce_sum3A_41 = vector.multi_reduction <add>, %mul3A, %reduce_sum3A_40 [1] : vector<1280x128xf32> to vector<1280xf32>
    %broadcast_in_dim3A_42 = vector.shape_cast %reduce_sum3A_41 : vector<1280xf32> to vector<1280x1xf32>
    %div3A_43 = arith.constant 1.280000e+02 : f32
    %div3A_44 = vector.broadcast %div3A_43 : f32 to vector<1280x1xf32>
    %div3A_45 = arith.divf %broadcast_in_dim3A_42, %div3A_44 : vector<1280x1xf32>
    %add3A_46 = arith.constant 9.99999974E-6 : f32
    %add3A_47 = vector.broadcast %add3A_46 : f32 to vector<1280x1xf32>
    %add3A_48 = arith.addf %div3A_45, %add3A_47 : vector<1280x1xf32>
    %sqrt3A = math.sqrt %add3A_48 : vector<1280x1xf32>
    %div3A_49 = vector.broadcast %sqrt3A : vector<1280x1xf32> to vector<1280x128xf32>
    %div3A_50 = arith.divf %sub3A_39, %div3A_49 : vector<1280x128xf32>
    %broadcast_in_dim3A_51 = vector.shape_cast %get3A_32 : vector<128xf32> to vector<1x128xf32>
    %mul3A_52 = vector.broadcast %broadcast_in_dim3A_51 : vector<1x128xf32> to vector<1280x128xf32>
    %mul3A_53 = arith.mulf %div3A_50, %mul3A_52 : vector<1280x128xf32>
    %broadcast_in_dim3A_54 = vector.shape_cast %get3A_34 : vector<128xf32> to vector<1x128xf32>
    %add3A_55 = vector.broadcast %broadcast_in_dim3A_54 : vector<1x128xf32> to vector<1280x128xf32>
    %add3A_56 = arith.addf %mul3A_53, %add3A_55 : vector<1280x128xf32>
    %mul3A_57 = arith.constant 5.000000e-01 : f32
    %mul3A_58 = vector.broadcast %mul3A_57 : f32 to vector<1280x128xf32>
    %mul3A_59 = arith.mulf %mul3A_58, %add3A_56 : vector<1280x128xf32>
    %mul3A_60 = arith.constant 0.707106769 : f32
    %mul3A_61 = vector.broadcast %mul3A_60 : f32 to vector<1280x128xf32>
    %mul3A_62 = arith.mulf %add3A_56, %mul3A_61 : vector<1280x128xf32>
    %erf3A = math.erf %mul3A_62 : vector<1280x128xf32>
    %add3A_63 = arith.constant 1.000000e+00 : f32
    %add3A_64 = vector.broadcast %add3A_63 : f32 to vector<1280x128xf32>
    %add3A_65 = arith.addf %add3A_64, %erf3A : vector<1280x128xf32>
    %mul3A_66 = arith.mulf %mul3A_59, %add3A_65 : vector<1280x128xf32>
    %swap3A_67 = arith.constant 0 : index
    %swap3A_68 = arith.constant 0 : index
    %swap3A_69 = vector.load %arg8[%swap3A_67, %swap3A_68] : memref<1280x128xf32, #tpu.memory_space<vmem>>, vector<1280x128xf32>
    tpu.vector_store %arg8[%swap3A_67, %swap3A_68], %mul3A_66 {strides = array<i32>} : memref<1280x128xf32, #tpu.memory_space<vmem>>, vector<1280x128xf32>,
    %get3A_70 = arith.constant 0 : index
    %get3A_71 = arith.constant 0 : index
    %get3A_72 = vector.load %arg7[%get3A_70, %get3A_71] : memref<128x128xf32, #tpu.memory_space<vmem>>, vector<128x128xf32>
    %dot_general3A_73 = arith.constant dense<0.000000e+00> : vector<1280x128xf32>
    %dot_general3A_74 = tpu.matmul %get3A_1, %get3A_72, %dot_general3A_73 {dimension_numbers = #tpu.dot_dimension_numbers<[1], [0], [0], [1], [0, 0, 1, 1], [], []>, transpose_lhs_hint = false} : vector<1280x128xf32>, vector<128x128xf32>, vector<1280x128xf32> -> vector<1280x128xf32>
    %mul3A_75 = vector.broadcast %select_n3A_19 : vector<1280x1xf32> to vector<1280x128xf32>
    %mul3A_76 = arith.mulf %mul3A_75, %dot_general3A_74 : vector<1280x128xf32>
    %swap3A_77 = arith.constant 0 : index
    %swap3A_78 = arith.constant 0 : index
    %swap3A_79 = vector.load %arg9[%swap3A_77, %swap3A_78] : memref<1280x128xf32, #tpu.memory_space<vmem>>, vector<1280x128xf32>
    tpu.vector_store %arg9[%swap3A_77, %swap3A_78], %mul3A_76 {strides = array<i32>} : memref<1280x128xf32, #tpu.memory_space<vmem>>, vector<1280x128xf32>,
    return
  }
  func.func @transform_0(%arg0: i32) -> (i32, i32) {
    %c0_i32 = arith.constant 0 : i32
    %c0_i32_0 = arith.constant 0 : i32
    return %arg0, %c0_i32 : i32, i32
  }
  func.func @transform_1(%arg0: i32) -> (i32, i32, i32) {
    %c0_i32 = arith.constant 0 : i32
    %c0_i32_0 = arith.constant 0 : i32
    %c0_i32_1 = arith.constant 0 : i32
    return %c0_i32, %arg0, %c0_i32_0 : i32, i32, i32
  }
  func.func @transform_2(%arg0: i32) -> (i32, i32) {
    %c0_i32 = arith.constant 0 : i32
    %c0_i32_0 = arith.constant 0 : i32
    %c0_i32_1 = arith.constant 0 : i32
    return %c0_i32, %c0_i32_0 : i32, i32
  }
  func.func @transform_3(%arg0: i32) -> i32 {
    %c0_i32 = arith.constant 0 : i32
    %c0_i32_0 = arith.constant 0 : i32
    return %c0_i32 : i32
  }
  func.func @transform_4(%arg0: i32) -> i32 {
    %c0_i32 = arith.constant 0 : i32
    %c0_i32_0 = arith.constant 0 : i32
    return %c0_i32 : i32
  }
  func.func @transform_5(%arg0: i32) -> i32 {
    %c0_i32 = arith.constant 0 : i32
    %c0_i32_0 = arith.constant 0 : i32
    return %c0_i32 : i32
  }
  func.func @transform_6(%arg0: i32) -> (i32, i32) {
    %c0_i32 = arith.constant 0 : i32
    %c0_i32_0 = arith.constant 0 : i32
    %c0_i32_1 = arith.constant 0 : i32
    return %c0_i32, %c0_i32_0 : i32, i32
  }
  func.func @transform_7(%arg0: i32) -> (i32, i32) {
    %c0_i32 = arith.constant 0 : i32
    %c0_i32_0 = arith.constant 0 : i32
    return %arg0, %c0_i32 : i32, i32
  }
  func.func @transform_8(%arg0: i32) -> (i32, i32) {
    %c0_i32 = arith.constant 0 : i32
    %c0_i32_0 = arith.constant 0 : i32
    return %arg0, %c0_i32 : i32, i32
  }
  func.func @transform_9(%arg0: i32) -> (i32, i32) {
    %c0_i32 = arith.constant 0 : i32
    %c0_i32_0 = arith.constant 0 : i32
    return %arg0, %c0_i32 : i32, i32
  }
}

module attributes {stable_mosaic.version = 14 : i64} {
  func.func @_tc_mid_body(%arg0: i32, %arg1: memref<2x1280x64xf32, #tpu.memory_space<vmem>>, %arg2: memref<1280x1xf32, #tpu.memory_space<vmem>>, %arg3: memref<128xf32, #tpu.memory_space<vmem>>, %arg4: memref<128xf32, #tpu.memory_space<vmem>>, %arg5: memref<128xf32, #tpu.memory_space<vmem>>, %arg6: memref<128x128xf32, #tpu.memory_space<vmem>>, %arg7: memref<1280x128xf32, #tpu.memory_space<vmem>>) attributes {dimension_semantics = [#tpu.dimension_semantics<arbitrary>], iteration_bounds = array<i64: 8>, scalar_prefetch = 0 : i64, scratch_operands = 0 : i64, tpu.core_type = #tpu.core_type<tc>, window_params = [{transform_indices = @transform_0, window_bounds = array<i64: 2, 1280, 64>}, {transform_indices = @transform_1, window_bounds = array<i64: 1280, 1>}, {pipeline_mode = #tpu.pipeline_mode<synchronous>, transform_indices = @transform_2, window_bounds = array<i64: 128>}, {pipeline_mode = #tpu.pipeline_mode<synchronous>, transform_indices = @transform_3, window_bounds = array<i64: 128>}, {pipeline_mode = #tpu.pipeline_mode<synchronous>, transform_indices = @transform_4, window_bounds = array<i64: 128>}, {pipeline_mode = #tpu.pipeline_mode<synchronous>, transform_indices = @transform_5, window_bounds = array<i64: 128, 128>}, {transform_indices = @transform_6, window_bounds = array<i64: 1280, 128>}]} {
    %get3A = arith.constant 0 : index
    %get3A_0 = arith.constant 0 : index
    %get3A_1 = vector.load %arg2[%get3A, %get3A_0] : memref<1280x1xf32, #tpu.memory_space<vmem>>, vector<1280x1xf32>
    %get3A_2 = arith.constant 0 : index
    %get3A_3 = arith.constant 0 : index
    %get3A_4 = arith.constant 0 : index
    %get3A_5 = vector.load %arg1[%get3A_2, %get3A_3, %get3A_4] : memref<2x1280x64xf32, #tpu.memory_space<vmem>>, vector<1x1280x64xf32>
    %get3A_6 = vector.shape_cast %get3A_5 : vector<1x1280x64xf32> to vector<1280x64xf32>
    %get3A_7 = arith.constant 1 : index
    %get3A_8 = arith.constant 0 : index
    %get3A_9 = arith.constant 0 : index
    %get3A_10 = vector.load %arg1[%get3A_7, %get3A_8, %get3A_9] : memref<2x1280x64xf32, #tpu.memory_space<vmem>>, vector<1x1280x64xf32>
    %get3A_11 = vector.shape_cast %get3A_10 : vector<1x1280x64xf32> to vector<1280x64xf32>
    %concatenate3A = tpu.concatenate %get3A_6, %get3A_11 in 1 : vector<1280x64xf32>, vector<1280x64xf32> -> vector<1280x128xf32>
    %mul3A = vector.broadcast %get3A_1 : vector<1280x1xf32> to vector<1280x128xf32>
    %mul3A_12 = arith.mulf %concatenate3A, %mul3A : vector<1280x128xf32>
    %get3A_13 = arith.constant 0 : index
    %get3A_14 = vector.load %arg3[%get3A_13] : memref<128xf32, #tpu.memory_space<vmem>>, vector<128xf32>
    %broadcast_in_dim3A = vector.shape_cast %get3A_14 : vector<128xf32> to vector<1x128xf32>
    %add3A = vector.broadcast %broadcast_in_dim3A : vector<1x128xf32> to vector<1280x128xf32>
    %add3A_15 = arith.addf %mul3A_12, %add3A : vector<1280x128xf32>
    %get3A_16 = arith.constant 0 : index
    %get3A_17 = vector.load %arg4[%get3A_16] : memref<128xf32, #tpu.memory_space<vmem>>, vector<128xf32>
    %get3A_18 = arith.constant 0 : index
    %get3A_19 = vector.load %arg5[%get3A_18] : memref<128xf32, #tpu.memory_space<vmem>>, vector<128xf32>
    %reduce_sum3A = arith.constant dense<0.000000e+00> : vector<1280xf32>
    %reduce_sum3A_20 = vector.multi_reduction <add>, %add3A_15, %reduce_sum3A [1] : vector<1280x128xf32> to vector<1280xf32>
    %broadcast_in_dim3A_21 = vector.shape_cast %reduce_sum3A_20 : vector<1280xf32> to vector<1280x1xf32>
    %div3A = arith.constant 1.280000e+02 : f32
    %div3A_22 = vector.broadcast %div3A : f32 to vector<1280x1xf32>
    %div3A_23 = arith.divf %broadcast_in_dim3A_21, %div3A_22 : vector<1280x1xf32>
    %sub3A = vector.broadcast %div3A_23 : vector<1280x1xf32> to vector<1280x128xf32>
    %sub3A_24 = arith.subf %add3A_15, %sub3A : vector<1280x128xf32>
    %mul3A_25 = arith.mulf %sub3A_24, %sub3A_24 : vector<1280x128xf32>
    %reduce_sum3A_26 = arith.constant dense<0.000000e+00> : vector<1280xf32>
    %reduce_sum3A_27 = vector.multi_reduction <add>, %mul3A_25, %reduce_sum3A_26 [1] : vector<1280x128xf32> to vector<1280xf32>
    %broadcast_in_dim3A_28 = vector.shape_cast %reduce_sum3A_27 : vector<1280xf32> to vector<1280x1xf32>
    %div3A_29 = arith.constant 1.280000e+02 : f32
    %div3A_30 = vector.broadcast %div3A_29 : f32 to vector<1280x1xf32>
    %div3A_31 = arith.divf %broadcast_in_dim3A_28, %div3A_30 : vector<1280x1xf32>
    %add3A_32 = arith.constant 9.99999974E-6 : f32
    %add3A_33 = vector.broadcast %add3A_32 : f32 to vector<1280x1xf32>
    %add3A_34 = arith.addf %div3A_31, %add3A_33 : vector<1280x1xf32>
    %sqrt3A = math.sqrt %add3A_34 : vector<1280x1xf32>
    %div3A_35 = vector.broadcast %sqrt3A : vector<1280x1xf32> to vector<1280x128xf32>
    %div3A_36 = arith.divf %sub3A_24, %div3A_35 : vector<1280x128xf32>
    %broadcast_in_dim3A_37 = vector.shape_cast %get3A_17 : vector<128xf32> to vector<1x128xf32>
    %mul3A_38 = vector.broadcast %broadcast_in_dim3A_37 : vector<1x128xf32> to vector<1280x128xf32>
    %mul3A_39 = arith.mulf %div3A_36, %mul3A_38 : vector<1280x128xf32>
    %broadcast_in_dim3A_40 = vector.shape_cast %get3A_19 : vector<128xf32> to vector<1x128xf32>
    %add3A_41 = vector.broadcast %broadcast_in_dim3A_40 : vector<1x128xf32> to vector<1280x128xf32>
    %add3A_42 = arith.addf %mul3A_39, %add3A_41 : vector<1280x128xf32>
    %mul3A_43 = arith.constant 5.000000e-01 : f32
    %mul3A_44 = vector.broadcast %mul3A_43 : f32 to vector<1280x128xf32>
    %mul3A_45 = arith.mulf %mul3A_44, %add3A_42 : vector<1280x128xf32>
    %mul3A_46 = arith.constant 0.707106769 : f32
    %mul3A_47 = vector.broadcast %mul3A_46 : f32 to vector<1280x128xf32>
    %mul3A_48 = arith.mulf %add3A_42, %mul3A_47 : vector<1280x128xf32>
    %erf3A = math.erf %mul3A_48 : vector<1280x128xf32>
    %add3A_49 = arith.constant 1.000000e+00 : f32
    %add3A_50 = vector.broadcast %add3A_49 : f32 to vector<1280x128xf32>
    %add3A_51 = arith.addf %add3A_50, %erf3A : vector<1280x128xf32>
    %mul3A_52 = arith.mulf %mul3A_45, %add3A_51 : vector<1280x128xf32>
    %get3A_53 = arith.constant 0 : index
    %get3A_54 = arith.constant 0 : index
    %get3A_55 = vector.load %arg6[%get3A_53, %get3A_54] : memref<128x128xf32, #tpu.memory_space<vmem>>, vector<128x128xf32>
    %dot_general3A = arith.constant dense<0.000000e+00> : vector<1280x128xf32>
    %dot_general3A_56 = tpu.matmul %mul3A_52, %get3A_55, %dot_general3A {dimension_numbers = #tpu.dot_dimension_numbers<[1], [0], [0], [1], [0, 0, 1, 1], [], []>, transpose_lhs_hint = false} : vector<1280x128xf32>, vector<128x128xf32>, vector<1280x128xf32> -> vector<1280x128xf32>
    %mul3A_57 = vector.broadcast %get3A_1 : vector<1280x1xf32> to vector<1280x128xf32>
    %mul3A_58 = arith.mulf %mul3A_57, %dot_general3A_56 : vector<1280x128xf32>
    %swap3A = arith.constant 0 : index
    %swap3A_59 = arith.constant 0 : index
    %swap3A_60 = vector.load %arg7[%swap3A, %swap3A_59] : memref<1280x128xf32, #tpu.memory_space<vmem>>, vector<1280x128xf32>
    tpu.vector_store %arg7[%swap3A, %swap3A_59], %mul3A_58 {strides = array<i32>} : memref<1280x128xf32, #tpu.memory_space<vmem>>, vector<1280x128xf32>,
    return
  }
  func.func @transform_0(%arg0: i32) -> (i32, i32, i32) {
    %c0_i32 = arith.constant 0 : i32
    %c0_i32_0 = arith.constant 0 : i32
    %c0_i32_1 = arith.constant 0 : i32
    return %c0_i32, %arg0, %c0_i32_0 : i32, i32, i32
  }
  func.func @transform_1(%arg0: i32) -> (i32, i32) {
    %c0_i32 = arith.constant 0 : i32
    %c0_i32_0 = arith.constant 0 : i32
    return %arg0, %c0_i32 : i32, i32
  }
  func.func @transform_2(%arg0: i32) -> i32 {
    %c0_i32 = arith.constant 0 : i32
    %c0_i32_0 = arith.constant 0 : i32
    return %c0_i32 : i32
  }
  func.func @transform_3(%arg0: i32) -> i32 {
    %c0_i32 = arith.constant 0 : i32
    %c0_i32_0 = arith.constant 0 : i32
    return %c0_i32 : i32
  }
  func.func @transform_4(%arg0: i32) -> i32 {
    %c0_i32 = arith.constant 0 : i32
    %c0_i32_0 = arith.constant 0 : i32
    return %c0_i32 : i32
  }
  func.func @transform_5(%arg0: i32) -> (i32, i32) {
    %c0_i32 = arith.constant 0 : i32
    %c0_i32_0 = arith.constant 0 : i32
    %c0_i32_1 = arith.constant 0 : i32
    return %c0_i32, %c0_i32_0 : i32, i32
  }
  func.func @transform_6(%arg0: i32) -> (i32, i32) {
    %c0_i32 = arith.constant 0 : i32
    %c0_i32_0 = arith.constant 0 : i32
    return %arg0, %c0_i32 : i32, i32
  }
}

module attributes {stable_mosaic.version = 14 : i64} {
  func.func @_tc_fin_body(%arg0: i32, %arg1: memref<2x1280x64xf32, #tpu.memory_space<vmem>>, %arg2: memref<1280x1xf32, #tpu.memory_space<vmem>>, %arg3: memref<128xf32, #tpu.memory_space<vmem>>, %arg4: memref<128xf32, #tpu.memory_space<vmem>>, %arg5: memref<128xf32, #tpu.memory_space<vmem>>, %arg6: memref<1280x128xf32, #tpu.memory_space<vmem>>, %arg7: memref<1280x128xf32, #tpu.memory_space<vmem>>) attributes {dimension_semantics = [#tpu.dimension_semantics<arbitrary>], iteration_bounds = array<i64: 8>, scalar_prefetch = 0 : i64, scratch_operands = 0 : i64, tpu.core_type = #tpu.core_type<tc>, window_params = [{transform_indices = @transform_0, window_bounds = array<i64: 2, 1280, 64>}, {transform_indices = @transform_1, window_bounds = array<i64: 1280, 1>}, {pipeline_mode = #tpu.pipeline_mode<synchronous>, transform_indices = @transform_2, window_bounds = array<i64: 128>}, {pipeline_mode = #tpu.pipeline_mode<synchronous>, transform_indices = @transform_3, window_bounds = array<i64: 128>}, {pipeline_mode = #tpu.pipeline_mode<synchronous>, transform_indices = @transform_4, window_bounds = array<i64: 128>}, {transform_indices = @transform_5, window_bounds = array<i64: 1280, 128>}, {transform_indices = @transform_6, window_bounds = array<i64: 1280, 128>}]} {
    %get3A = arith.constant 0 : index
    %get3A_0 = arith.constant 0 : index
    %get3A_1 = arith.constant 0 : index
    %get3A_2 = vector.load %arg1[%get3A, %get3A_0, %get3A_1] : memref<2x1280x64xf32, #tpu.memory_space<vmem>>, vector<1x1280x64xf32>
    %get3A_3 = vector.shape_cast %get3A_2 : vector<1x1280x64xf32> to vector<1280x64xf32>
    %get3A_4 = arith.constant 1 : index
    %get3A_5 = arith.constant 0 : index
    %get3A_6 = arith.constant 0 : index
    %get3A_7 = vector.load %arg1[%get3A_4, %get3A_5, %get3A_6] : memref<2x1280x64xf32, #tpu.memory_space<vmem>>, vector<1x1280x64xf32>
    %get3A_8 = vector.shape_cast %get3A_7 : vector<1x1280x64xf32> to vector<1280x64xf32>
    %concatenate3A = tpu.concatenate %get3A_3, %get3A_8 in 1 : vector<1280x64xf32>, vector<1280x64xf32> -> vector<1280x128xf32>
    %get3A_9 = arith.constant 0 : index
    %get3A_10 = arith.constant 0 : index
    %get3A_11 = vector.load %arg2[%get3A_9, %get3A_10] : memref<1280x1xf32, #tpu.memory_space<vmem>>, vector<1280x1xf32>
    %mul3A = vector.broadcast %get3A_11 : vector<1280x1xf32> to vector<1280x128xf32>
    %mul3A_12 = arith.mulf %concatenate3A, %mul3A : vector<1280x128xf32>
    %get3A_13 = arith.constant 0 : index
    %get3A_14 = vector.load %arg3[%get3A_13] : memref<128xf32, #tpu.memory_space<vmem>>, vector<128xf32>
    %broadcast_in_dim3A = vector.shape_cast %get3A_14 : vector<128xf32> to vector<1x128xf32>
    %add3A = vector.broadcast %broadcast_in_dim3A : vector<1x128xf32> to vector<1280x128xf32>
    %add3A_15 = arith.addf %mul3A_12, %add3A : vector<1280x128xf32>
    %get3A_16 = arith.constant 0 : index
    %get3A_17 = vector.load %arg4[%get3A_16] : memref<128xf32, #tpu.memory_space<vmem>>, vector<128xf32>
    %get3A_18 = arith.constant 0 : index
    %get3A_19 = vector.load %arg5[%get3A_18] : memref<128xf32, #tpu.memory_space<vmem>>, vector<128xf32>
    %reduce_sum3A = arith.constant dense<0.000000e+00> : vector<1280xf32>
    %reduce_sum3A_20 = vector.multi_reduction <add>, %add3A_15, %reduce_sum3A [1] : vector<1280x128xf32> to vector<1280xf32>
    %broadcast_in_dim3A_21 = vector.shape_cast %reduce_sum3A_20 : vector<1280xf32> to vector<1280x1xf32>
    %div3A = arith.constant 1.280000e+02 : f32
    %div3A_22 = vector.broadcast %div3A : f32 to vector<1280x1xf32>
    %div3A_23 = arith.divf %broadcast_in_dim3A_21, %div3A_22 : vector<1280x1xf32>
    %sub3A = vector.broadcast %div3A_23 : vector<1280x1xf32> to vector<1280x128xf32>
    %sub3A_24 = arith.subf %add3A_15, %sub3A : vector<1280x128xf32>
    %mul3A_25 = arith.mulf %sub3A_24, %sub3A_24 : vector<1280x128xf32>
    %reduce_sum3A_26 = arith.constant dense<0.000000e+00> : vector<1280xf32>
    %reduce_sum3A_27 = vector.multi_reduction <add>, %mul3A_25, %reduce_sum3A_26 [1] : vector<1280x128xf32> to vector<1280xf32>
    %broadcast_in_dim3A_28 = vector.shape_cast %reduce_sum3A_27 : vector<1280xf32> to vector<1280x1xf32>
    %div3A_29 = arith.constant 1.280000e+02 : f32
    %div3A_30 = vector.broadcast %div3A_29 : f32 to vector<1280x1xf32>
    %div3A_31 = arith.divf %broadcast_in_dim3A_28, %div3A_30 : vector<1280x1xf32>
    %add3A_32 = arith.constant 9.99999974E-6 : f32
    %add3A_33 = vector.broadcast %add3A_32 : f32 to vector<1280x1xf32>
    %add3A_34 = arith.addf %div3A_31, %add3A_33 : vector<1280x1xf32>
    %sqrt3A = math.sqrt %add3A_34 : vector<1280x1xf32>
    %div3A_35 = vector.broadcast %sqrt3A : vector<1280x1xf32> to vector<1280x128xf32>
    %div3A_36 = arith.divf %sub3A_24, %div3A_35 : vector<1280x128xf32>
    %broadcast_in_dim3A_37 = vector.shape_cast %get3A_17 : vector<128xf32> to vector<1x128xf32>
    %mul3A_38 = vector.broadcast %broadcast_in_dim3A_37 : vector<1x128xf32> to vector<1280x128xf32>
    %mul3A_39 = arith.mulf %div3A_36, %mul3A_38 : vector<1280x128xf32>
    %broadcast_in_dim3A_40 = vector.shape_cast %get3A_19 : vector<128xf32> to vector<1x128xf32>
    %add3A_41 = vector.broadcast %broadcast_in_dim3A_40 : vector<1x128xf32> to vector<1280x128xf32>
    %add3A_42 = arith.addf %mul3A_39, %add3A_41 : vector<1280x128xf32>
    %mul3A_43 = arith.constant 5.000000e-01 : f32
    %mul3A_44 = vector.broadcast %mul3A_43 : f32 to vector<1280x128xf32>
    %mul3A_45 = arith.mulf %mul3A_44, %add3A_42 : vector<1280x128xf32>
    %mul3A_46 = arith.constant 0.707106769 : f32
    %mul3A_47 = vector.broadcast %mul3A_46 : f32 to vector<1280x128xf32>
    %mul3A_48 = arith.mulf %add3A_42, %mul3A_47 : vector<1280x128xf32>
    %erf3A = math.erf %mul3A_48 : vector<1280x128xf32>
    %add3A_49 = arith.constant 1.000000e+00 : f32
    %add3A_50 = vector.broadcast %add3A_49 : f32 to vector<1280x128xf32>
    %add3A_51 = arith.addf %add3A_50, %erf3A : vector<1280x128xf32>
    %mul3A_52 = arith.mulf %mul3A_45, %add3A_51 : vector<1280x128xf32>
    %get3A_53 = arith.constant 0 : index
    %get3A_54 = arith.constant 0 : index
    %get3A_55 = vector.load %arg6[%get3A_53, %get3A_54] : memref<1280x128xf32, #tpu.memory_space<vmem>>, vector<1280x128xf32>
    %add3A_56 = arith.addf %mul3A_52, %get3A_55 : vector<1280x128xf32>
    %mul3A_57 = arith.mulf %add3A_56, %add3A_56 : vector<1280x128xf32>
    %reduce_sum3A_58 = arith.constant dense<0.000000e+00> : vector<1280xf32>
    %reduce_sum3A_59 = vector.multi_reduction <add>, %mul3A_57, %reduce_sum3A_58 [1] : vector<1280x128xf32> to vector<1280xf32>
    %broadcast_in_dim3A_60 = vector.shape_cast %reduce_sum3A_59 : vector<1280xf32> to vector<1280x1xf32>
    %sqrt3A_61 = math.sqrt %broadcast_in_dim3A_60 : vector<1280x1xf32>
    %max3A = arith.constant 9.99999993E-9 : f32
    %max3A_62 = vector.broadcast %max3A : f32 to vector<1280x1xf32>
    %max3A_63 = arith.maximumf %sqrt3A_61, %max3A_62 : vector<1280x1xf32>
    %div3A_64 = vector.broadcast %max3A_63 : vector<1280x1xf32> to vector<1280x128xf32>
    %div3A_65 = arith.divf %add3A_56, %div3A_64 : vector<1280x128xf32>
    %swap3A = arith.constant 0 : index
    %swap3A_66 = arith.constant 0 : index
    %swap3A_67 = vector.load %arg7[%swap3A, %swap3A_66] : memref<1280x128xf32, #tpu.memory_space<vmem>>, vector<1280x128xf32>
    tpu.vector_store %arg7[%swap3A, %swap3A_66], %div3A_65 {strides = array<i32>} : memref<1280x128xf32, #tpu.memory_space<vmem>>, vector<1280x128xf32>,
    return
  }
  func.func @transform_0(%arg0: i32) -> (i32, i32, i32) {
    %c0_i32 = arith.constant 0 : i32
    %c0_i32_0 = arith.constant 0 : i32
    %c0_i32_1 = arith.constant 0 : i32
    return %c0_i32, %arg0, %c0_i32_0 : i32, i32, i32
  }
  func.func @transform_1(%arg0: i32) -> (i32, i32) {
    %c0_i32 = arith.constant 0 : i32
    %c0_i32_0 = arith.constant 0 : i32
    return %arg0, %c0_i32 : i32, i32
  }
  func.func @transform_2(%arg0: i32) -> i32 {
    %c0_i32 = arith.constant 0 : i32
    %c0_i32_0 = arith.constant 0 : i32
    return %c0_i32 : i32
  }
  func.func @transform_3(%arg0: i32) -> i32 {
    %c0_i32 = arith.constant 0 : i32
    %c0_i32_0 = arith.constant 0 : i32
    return %c0_i32 : i32
  }
  func.func @transform_4(%arg0: i32) -> i32 {
    %c0_i32 = arith.constant 0 : i32
    %c0_i32_0 = arith.constant 0 : i32
    return %c0_i32 : i32
  }
  func.func @transform_5(%arg0: i32) -> (i32, i32) {
    %c0_i32 = arith.constant 0 : i32
    %c0_i32_0 = arith.constant 0 : i32
    return %arg0, %c0_i32 : i32, i32
  }
  func.func @transform_6(%arg0: i32) -> (i32, i32) {
    %c0_i32 = arith.constant 0 : i32
    %c0_i32_0 = arith.constant 0 : i32
    return %arg0, %c0_i32 : i32, i32
  }
}

</mosaic_0001>

<sc_bundles>
// kernel: kernel.12.cloned.1.call-start
scs
__scs_entry_jumppad:
0x0: {  	(pc) =	sbr.rel $0x88, $3  }
0x1: {  	(tag) =	ssettag $0x0;
	lr =	simm.s32 $0x1  }
0x2: {  	[smem:$0x3F96] =	sst lr;
	_ =	strace $0xD0000000  }
0x3: {  	_ = 	snop  }
0x4: {  	_ = 	snop  }
0x5: {  	_ = 	snop  }
0x6: {  	_ = 	snop  }
0x7: {  	_ = 	snop  }
__scs_overlays_trampoline_lowered:
0x8: {  	[smem:$0x3FA5] =	sst s0  }
0x9: {  	[smem:$0x3FA6] =	sst s1  }
0xa: {  	[smem:$0x3FA7] =	sst s2  }
0xb: {  	[smem:$0x3FA8] =	sst s3  }
0xc: {  	[smem:$0x3FA9] =	sst s4  }
0xd: {  	[smem:$0x3FAA] =	sst s5  }
0xe: {  	[smem:$0x3FAB] =	sst s6  }
0xf: {  	[smem:$0x3FAC] =	sst s7  }
0x10: {  	[smem:$0x3FAD] =	sst s8  }
0x11: {  	[smem:$0x3FAE] =	sst s9;
	s0 =	simm.s32 @!p0 $0x0  }
0x12: {  	s1 =	sld [smem:$0x3F94];
	s0 =	simm.s32 @p0 $0x1  }
0x13: {  	[smem:$0x3FAF] =	sst s0;
	s0 =	simm.s32 @!p1 $0x0  }
0x14: {  	s2 =	sld [smem:$0x3F93];
	s0 =	simm.s32 @p1 $0x1  }
0x15: {  	[smem:$0x3FB0] =	sst s0;
	s0 =	simm.s32 @!p2 $0x0  }
0x16: {  	s3 =	sld [smem:$0x3FDB];
	s0 =	simm.s32 @p2 $0x1  }
0x17: {  	s4 =	simm.s32 $0x1BF5;
	[smem:$0x3FB2] =	sst s0  }
0x18: {  	s0 =	sld [smem:$0x3F95];
	_ =	swait.ge [sflag:s4], $0x0  }
0x19: {  	s7 =	sld [smem:$0x3F96]  }
0x1a: {  	s8 =	sadd.s32 $0xFFFFE003, lr  }
0x1b: {  	s9 =	sadd.s32 $0xFFFFFEF7, lr;
	s5 =	simm.s32 $0xFFFFFFFF;
	p2 =	slt.u32 s8, $0xFFFFF086  }
0x1c: {  	p1 =	slt.u32 s9, $0xF7A;
	s5 =	simm.s32 @!p2 $0x0  }
0x1d: {  	s5 =	simm.s32 @p1 $0x1;
	p0 =	seq.s32 s7, s2  }
0x1e: {  	s7 =	smul.u32 @!p0 $0xF7A, s2;
	p2 =	seq.s32 @!p0 s5, $0x0  }
0x1f: {  	s9 =	smul.u32 $0xF7A, s1;
	s8 =	simm.s32 @!p0 $0x1BF5;
	p2 =	por !p2, p0  }
0x20: {  	[sflag:s8] =	ssyncset.s32 @!p0 $0xFFFFF086;
	s6 =	sadd.s32 @!p0 s3, s7;
	s7 =	simm.s32 @!p0 $0x108  }
0x21: {  	s3 =	sadd.s32 s3, s9;
	s6 =	sadd.s32 @!p0 $0x88, s6;
	s7 =	simm.s32 @p2 $0x1082  }
0x22: {  	[simem:s7], [sflag:s8] =	dma.local @!p0 [hbm:s6], $0xF7A  }
0x23: {  	s9 =	sor.u32 $0xD0000000, s2;
	s6 =	simm.s32 $0x108;
	_ =	swait.ge @!p0 [sflag:s8], $0x0  }
0x24: {  	s3 =	sadd.s32 $0x88, s3;
	s6 =	simm.s32 @!p1 $0x1082;
	[sflag:s4] =	ssyncset.s32 $0xFFFFF086  }
0x25: {  	[simem:s6], [sflag:s4] =	dma.local [hbm:s3], $0xF7A  }
0x26: {  	[smem:$0x3F96] =	sst s1;
	(tag) =	ssettag s2;
	_ =	strace s9  }
0x27: {  	s1 =	sld [smem:$0x3FA6]  }
0x28: {  	s2 =	sld [smem:$0x3FA7]  }
0x29: {  	s4 =	sld [smem:$0x3FA9]  }
0x2a: {  	p0 =	seq.s32 s5, $0x0;
	s5 =	sld [smem:$0x3FAA]  }
0x2b: {  	s6 =	sld [smem:$0x3FAB]  }
0x2c: {  	s7 =	sld [smem:$0x3FAC]  }
0x2d: {  	s3 =	simm.s32 $0x108;
	s8 =	sld [smem:$0x3FAD]  }
0x2e: {  	s3 =	simm.s32 @!p0 $0x1082;
	s9 =	sld [smem:$0x3FAE]  }
0x2f: {  	lr =	sadd.s32 s0, s3;
	s0 =	sld [smem:$0x3FA5]  }
0x30: {  	s3 =	sld [smem:$0x3FA8]  }
0x31: {  	[smem:$0x3FB1] =	sst s10  }
0x32: {  	s10 =	sld [smem:$0x3FAF];
	_ =	sdelay $0x3  }
0x33: {  	p0 =	seq.s32 s10, $0x1;
	s10 =	sld [smem:$0x3FB1];
	_ =	sdelay $0x3  }
0x34: {  	[smem:$0x3FB1] =	sst s10  }
0x35: {  	s10 =	sld [smem:$0x3FB0];
	_ =	sdelay $0x3  }
0x36: {  	p1 =	seq.s32 s10, $0x1;
	s10 =	sld [smem:$0x3FB1];
	_ =	sdelay $0x3  }
0x37: {  	[smem:$0x3FB1] =	sst s10  }
0x38: {  	s10 =	sld [smem:$0x3FB2]  }
0x39: {  	_ = 	snop;
	(pc) =	sbr.ind lr, $3  }
0x3a: {  	_ = 	snop  }
0x3b: {  	_ = 	snop  }
0x3c: {  	p2 =	seq.s32 s10, $0x1;
	s10 =	sld [smem:$0x3FB1]  }
0x3d: {  	_ =	shalt  }
0x3e: {  	_ =	shalt  }
0x3f: {  	_ =	shalt  }
0x40: {  	_ =	shalt  }
0x41: {  	_ =	shalt  }
0x42: {  	_ =	shalt  }
0x43: {  	_ =	shalt  }
0x44: {  	_ =	shalt  }
0x45: {  	_ =	shalt  }
0x46: {  	_ =	shalt  }
0x47: {  	_ =	shalt  }
0x48: {  	_ =	shalt  }
0x49: {  	_ =	shalt  }
0x4a: {  	_ =	shalt  }
0x4b: {  	_ =	shalt  }
0x4c: {  	_ =	shalt  }
0x4d: {  	_ =	shalt  }
0x4e: {  	_ =	shalt  }
0x4f: {  	_ =	shalt  }
0x50: {  	_ =	shalt  }
0x51: {  	_ =	shalt  }
0x52: {  	_ =	shalt  }
0x53: {  	_ =	shalt  }
0x54: {  	_ =	shalt  }
0x55: {  	_ =	shalt  }
0x56: {  	_ =	shalt  }
0x57: {  	_ =	shalt  }
0x58: {  	_ =	shalt  }
0x59: {  	_ =	shalt  }
0x5a: {  	_ =	shalt  }
0x5b: {  	_ =	shalt  }
0x5c: {  	_ =	shalt  }
0x5d: {  	_ =	shalt  }
0x5e: {  	_ =	shalt  }
0x5f: {  	_ =	shalt  }
0x60: {  	_ =	shalt  }
0x61: {  	_ =	shalt  }
0x62: {  	_ =	shalt  }
0x63: {  	_ =	shalt  }
0x64: {  	_ =	shalt  }
0x65: {  	_ =	shalt  }
0x66: {  	_ =	shalt  }
0x67: {  	_ =	shalt  }
0x68: {  	_ =	shalt  }
0x69: {  	_ =	shalt  }
0x6a: {  	_ =	shalt  }
0x6b: {  	_ =	shalt  }
0x6c: {  	_ =	shalt  }
0x6d: {  	_ =	shalt  }
0x6e: {  	_ =	shalt  }
0x6f: {  	_ =	shalt  }
0x70: {  	_ =	shalt  }
0x71: {  	_ =	shalt  }
0x72: {  	_ =	shalt  }
0x73: {  	_ =	shalt  }
0x74: {  	_ =	shalt  }
0x75: {  	_ =	shalt  }
0x76: {  	_ =	shalt  }
0x77: {  	_ =	shalt  }
0x78: {  	_ =	shalt  }
0x79: {  	_ =	shalt  }
0x7a: {  	_ =	shalt  }
0x7b: {  	_ =	shalt  }
0x7c: {  	_ =	shalt  }
0x7d: {  	_ =	shalt  }
0x7e: {  	_ =	shalt  }
0x7f: {  	_ =	shalt  }
0x80: {  	_ =	shalt  }
0x81: {  	_ =	shalt  }
0x82: {  	_ =	shalt  }
0x83: {  	_ =	shalt  }
0x84: {  	_ =	shalt  }
0x85: {  	_ =	shalt  }
0x86: {  	_ =	shalt  }
0x87: {  	_ =	shalt  }
.Lfunc_end0:
.L_simem_size_0:
called_computation_lowered:
.L_overlay_start_0:
0x88: {  	s2 =	sld [smem:$0x3FD9]  }
0x89: {  	s3 =	sld [smem:$0x3FFE];
	_ =	sdelay $0x1  }
0x8a: {  	s1 =	srdreg.scid  }
0x8b: {  	s0 =	sand.u32 $0x1, s1  }
0x8c: {  	s16 =	sshll.u32 s0, $0xA;
	s2 =	sadd.s32 s3, s2  }
0x8d: {  	s2 =	sadd.s32 s2, s16  }
0x8e: {  	[smem:$0x3FBD] =	sst s2  }
0x8f: {  	_ = 	snop  }
0x90: {  	(tm) =	ssettm $0x1  }
0x91: {  	s17 =	sld [smem:$0x3FFB];
	_ =	sdelay $0x3  }
0x92: {  	_ =	strace s17  }
0x93: {  	s2 =	sld [smem:$0x3FFC];
	_ =	sdelay $0x3  }
0x94: {  	_ =	strace s2  }
0x95: {  	s2 =	sld [smem:$0x3FFD];
	_ =	sdelay $0x3  }
0x96: {  	_ =	strace s2  }
0x97: {  	_ =	strace $0x8FFFFFFF  }
0x98: {  	s18 =	sld [smem:$0x3FDB];
	_ =	sdelay $0x1  }
0x99: {  	s19 =	simm.s32 $_scs_section_size  }
0x9a: {  	s4 =	simm.s32 $_size__tile_overlayer_lowered;
	s5 =	simm.s32 $_tile_overlayer_lowered  }
0x9b: {  	s22 =	simm.s32 $0x1BFF;
	s21 =	sshll.u32 s5, $0x1;
	s2 =	sadd.s32 s19, s18  }
0x9c: {  	s6 =	simm.s32 $0x0;
	s20 =	sshll.u32 s4, $0x1;
	s4 =	sadd.s32 s21, s2  }
0x9d: {  	[timem:s6], [sflag:s22] =	dma.local [hbm:s4], s20  }
0x9e: {  	_ =	swait.ge [sflag:s22], s20  }
0x9f: {  	s3 =	ssub.s32 $0x0, s20;
	[sflag:s22] =	ssyncset.done $0x0  }
0xa0: {  	[sflag:s22] =	ssyncadd.s32 s3;
	_ =	sdelay $0x1  }
0xa1: {  	s23 =	simm.s32 $0x1B8B  }
0xa2: {  	_ =	swait.ge [sflag:s23], $0x1  }
0xa3: {  	[sflag:s23] =	ssyncset.done $0x0  }
0xa4: {  	s25 =	simm.s32 $0x1B8E;
	s24 =	sld [smem:$0x3FFE];
	[sflag:s23] =	ssyncadd.s32 $0xFFFFFFFF  }
0xa5: {  	s26 =	simm.s32 $execute0_lowered;
	[smem:$0x3FD2] =	sst s25  }
0xa6: {  	s4 =	sshll.u32 s26, $0x1;
	_ =	strace $0x80000046;
	[dreg:$0x1] =	wrdreg $0xFFFFFFFF  }
0xa7: {  	s28 =	simm.s32 $_size_execute0_lowered;
	s2 =	sadd.s32 s2, s4;
	[dreg:$0x0] =	wrdreg $0x0  }
0xa8: {  	s4 =	sshll.u32 s28, $0x1;
	[dreg:$0x2] =	wrdreg s2  }
0xa9: {  	[dreg:$0x3] =	wrdreg s4  }
0xaa: {  	[dreg:$0x4] =	wrdreg $0xC0  }
0xab: {  	_ =	task [dreg:s6], $0x5FFFF  }
0xac: {  	[dreg:$0x1] =	wrdreg $0xFFFFFFFF  }
0xad: {  	[dreg:$0x0] =	wrdreg $0x60  }
0xae: {  	[dreg:$0x2] =	wrdreg s24  }
0xaf: {  	[dreg:$0x3] =	wrdreg $0x51400  }
0xb0: {  	[dreg:$0x4] =	wrdreg $0x9  }
0xb1: {  	_ =	task.clear_ibuf [dreg:s6], $0x5FFFF;
	_ =	strace $0x90000046  }
0xb2: {  	s29 =	simm.s32 $0x9;
	_ =	strace $0x80000048  }
0xb3: {  	_ =	swait.ge [sflag:s29], $0x1  }
0xb4: {  	[sflag:s29] =	ssyncadd.s32 $0xFFFFFFFF  }
0xb5: {  	_ =	strace $0x90000048  }
0xb6: {  	_ =	sfence  }
0xb7: {  	s30 =	sld [smem:$0x0];
	_ =	sdelay $0x2  }
0xb8: {  	s31 =	sshll.u32 s1, $0xD;
	s1 =	sshrl.u32 s1, $0x2  }
0xb9: {  	s3 =	sand.u32 $0x4000, s31;
	s1 =	sadd.s32 s1, s30  }
0xba: {  	s0 =	sor.u32 s3, s0;
	s1 =	sshll.u32 s1, $0x11  }
0xbb: {  	s0 =	sor.u32 s1, s0  }
0xbc: {  	s0 =	sadd.s32 $0x8F2B, s0  }
0xbd: {  	[sflag:s0] =	ssyncadd.remote.s32 $0x1  }
0xbe: {  	_ =	sfence.sel $0xFFFF  }
0xbf: {  	[dreg:$0x0] =	wrdreg $0xFFFFFFFF;
	(pc) =	sbr.abs _section_cstart, $3  }
0xc0: {  	[dreg:$0x1] =	wrdreg $0xFFFFFFFF  }
0xc1: {  	_ =	task.clear_ibuf [dreg:s6], $0x2FFFF;
	_ =	strace $0x9FFFFFFF  }
0xc2: {  	(tm) =	ssettm $0x7FFFFFFF  }
0xc3: {  	_ =	shalt  }
tec
execute0_lowered:
.L_overlay_start_1:
0x0: {  	(tag) =	ssettag $0x1  }
0x1: {  	s4 =	rddreg [dreg:$0x0]  }
0x2: {  	s2 =	rddreg [dreg:$0x1]  }
0x3: {  	s0 =	rddreg [dreg:$0x2];
	s3 =	srdreg.scid  }
0x4: {  	s1 =	stileid.u32;
	s10 =	simm.s32 $0x2760;
	s11 =	simm.s32 $0x4EC0  }
0x5: {  	s12 =	simm.s32 $0x50;
	s15 =	simm.s32 $0x0;
	s5 =	sand.u32 $0x1, s3  }
0x6: {  	s6 =	sshll.u32 s1, $0x1;
	s7 =	smul.u32 $0x280, s1;
	s3 =	simm.s32 $0x0  }
0x7: {  	s13 =	sshll.u32 s1, $0x6;
	s6 =	sor.u32 s5, s6;
	s8 =	smul.u32 $0x2800, s5  }
0x8: {  	[smem:$0x7FF] =	sst s3;
	s5 =	ssub.s32 $0x2, s5;
	s6 =	smul.u32 $0x4EC, s6  }
0x9: {  	s13 =	sor.u32 $0x1C01, s13;
	_ =	strace $0x80000047;
	s8 =	sadd.s32 s7, s8  }
0xa: {  	s9 =	sshrl.u32 s5, $0x1;
	s6 =	sadd.s32 s6, s4;
	s8 =	sshrl.u32 s8, $0x3  }
0xb: {  	s9 =	ssub.s32 s5, s9;
	s8 =	sadd.s32 s8, s4;
	s4 =	sadd.s32 $0x3800, s6  }
0xc: {  	s5 =	sadd.s32 $0xD600, s6;
	s6 =	sadd.s32 s7, s2;
	s7 =	sadd.s32 $0x17400, s8  }
0xd: {  	v0 =	vimm.f32 $0.0e+00;
	s8 =	smax.u32 s9, $0x1;
	s9 =	simm.s32 $0x1;
	s14 =	sshrl.u32 s6, $0x3  }
.LBB2_1:
0xe: {  	[tilespmem:s3], [sflag:$0x1] =	stream.linear.gather [hbm4b:s4+s3], $0x2760, $0x38;
	[tilespmem:$0x53C0] =	vst v63  }
0xf: {  	_ =	swait.ge [sflag:s9], $0x2760  }
0x10: {  	[sflag:s9] =	ssyncset.done $0x0  }
0x11: {  	[sflag:s9] =	ssyncadd.s32 $0xFFFFD8A0  }
0x12: {  	[tilespmem:s10], [sflag:$0x1] =	stream.linear.gather [hbm4b:s5+s3], $0x2760, $0x38;
	[tilespmem:$0x53C0] =	vst v63  }
0x13: {  	_ =	swait.ge [sflag:s9], $0x2760  }
0x14: {  	[sflag:s9] =	ssyncset.done $0x0  }
0x15: {  	[sflag:s9] =	ssyncadd.s32 $0xFFFFD8A0  }
0x16: {  	[tilespmem:$0x4EC0] =	vst v0  }
0x17: {  	[tilespmem:$0x4ED0] =	vst v0  }
0x18: {  	[tilespmem:$0x4EE0] =	vst v0  }
0x19: {  	[tilespmem:$0x4EF0] =	vst v0  }
0x1a: {  	[tilespmem:$0x4F00] =	vst v0  }
0x1b: {  	[tilespmem:$0x4F10] =	vst v0  }
0x1c: {  	[tilespmem:$0x4F20] =	vst v0  }
0x1d: {  	[tilespmem:$0x4F30] =	vst v0  }
0x1e: {  	[tilespmem:$0x4F40] =	vst v0  }
0x1f: {  	[tilespmem:$0x4F50] =	vst v0  }
0x20: {  	[tilespmem:$0x4F60] =	vst v0  }
0x21: {  	[tilespmem:$0x4F70] =	vst v0  }
0x22: {  	[tilespmem:$0x4F80] =	vst v0  }
0x23: {  	[tilespmem:$0x4F90] =	vst v0  }
0x24: {  	[tilespmem:$0x4FA0] =	vst v0  }
0x25: {  	[tilespmem:$0x4FB0] =	vst v0  }
0x26: {  	[tilespmem:$0x4FC0] =	vst v0  }
0x27: {  	[tilespmem:$0x4FD0] =	vst v0  }
0x28: {  	[tilespmem:$0x4FE0] =	vst v0  }
0x29: {  	[tilespmem:$0x4FF0] =	vst v0  }
0x2a: {  	[tilespmem:$0x5000] =	vst v0  }
0x2b: {  	[tilespmem:$0x5010] =	vst v0  }
0x2c: {  	[tilespmem:$0x5020] =	vst v0  }
0x2d: {  	[tilespmem:$0x5030] =	vst v0  }
0x2e: {  	[tilespmem:$0x5040] =	vst v0  }
0x2f: {  	[tilespmem:$0x5050] =	vst v0  }
0x30: {  	[tilespmem:$0x5060] =	vst v0  }
0x31: {  	[tilespmem:$0x5070] =	vst v0  }
0x32: {  	[tilespmem:$0x5080] =	vst v0  }
0x33: {  	[tilespmem:$0x5090] =	vst v0  }
0x34: {  	[tilespmem:$0x50A0] =	vst v0  }
0x35: {  	[tilespmem:$0x50B0] =	vst v0  }
0x36: {  	[tilespmem:$0x50C0] =	vst v0  }
0x37: {  	[tilespmem:$0x50D0] =	vst v0  }
0x38: {  	[tilespmem:$0x50E0] =	vst v0  }
0x39: {  	[tilespmem:$0x50F0] =	vst v0  }
0x3a: {  	[tilespmem:$0x5100] =	vst v0  }
0x3b: {  	[tilespmem:$0x5110] =	vst v0  }
0x3c: {  	[tilespmem:$0x5120] =	vst v0  }
0x3d: {  	[tilespmem:$0x5130] =	vst v0  }
0x3e: {  	[spmem:s6] =	stream.linear.scatter [tilespmem:s11], [sflag:$0x1], $0x280, $0x38;
	[tilespmem:$0x53C0] =	vst v63  }
0x3f: {  	_ =	swait.ge [sflag:s9], $0x280  }
0x40: {  	[sflag:s9] =	ssyncset.done $0x0  }
0x41: {  	[sflag:s9] =	ssyncadd.s32 $0xFFFFFD80  }
0x42: {  	s16 =	simm.s32 $0x0;
	s17 =	simm.s32 $0x2760;
	[bflag:$0x0] =	sbarrier.arrive $0xFFFF  }
0x43: {  	[spmem:s2] =	stream.indirect.scatter.add.f32 [tilespmem:s17], [sflag:$0x1], $0x1, s16, s12, $0xb8;
	[tilespmem:$0x53C0] =	vst v63  }
0x44: {  	s16 =	simm.s32 $0x140;
	_ =	swait.ge [sflag:s9], $0x50  }
.LBB2_2:
0x45: {  	s17 =	sshra.s32 s16, $0x2;
	[sflag:s9] =	ssyncset.done $0x0;
	p0 =	sne.s32 s16, $0x9C40  }
.Ltmp0:
0x46: {  	s18 =	sadd.s32 $0x2760, s17;
	[sflag:s9] =	ssyncadd.s32 $0xFFFFFFB0;
	(pc) =	sbr.rel @p0 .LBB2_2-.Ltmp0, $3  }
0x47: {  	[spmem:s2] =	stream.indirect.scatter.add.f32 [tilespmem:s18], [sflag:$0x1], $0x1, s17, s12, $0xb8;
	[tilespmem:$0x53C0] =	vst v63  }
0x48: {  	s16 =	sadd.s32 $0x140, s16;
	_ =	sdelay $0x1  }
0x49: {  	_ =	swait.ge [sflag:s9], $0x50  }
0x4a: {  	[sflag:s9] =	ssyncset.done $0x0;
	s15 =	sadd.s32 $0x1, s15  }
0x4b: {  	[sflag:s9] =	ssyncadd.s32 $0xFFFFFFB0;
	p0 =	sne.s32 s15, s8  }
.Ltmp1:
0x4c: {  	[bflag:$0x0] =	sbarrier.arrive $0xFFFF;
	(pc) =	sbr.rel @p0 .LBB2_1-.Ltmp1, $4  }
0x4d: {  	[hbm:s7], [sflag:s13] =	dma.local [spmem:s14], $0x50  }
0x4e: {  	_ =	swait.ge [sflag:s9], $0x50  }
0x4f: {  	[sflag:s9] =	ssyncset.done $0x0  }
0x50: {  	[sflag:s9] =	ssyncadd.s32 $0xFFFFFFB0  }
0x51: {  	_ =	sfence.sel $0x180000  }
0x52: {  	[bflag:$0x0] =	sbarrier.arrive $0xFFFF  }
0x53: {  	p0 =	sne.s32 s1, $0x0;
	_ =	strace $0x90000047  }
0x54: {  	s0 =	sadd.s32 @!p0 $0x100000, s0;
	[bflag:$0x2] =	sbarrier.arrive $0xFFFF  }
0x55: {  	[sflag:s0] =	ssyncadd.tile.s32 @!p0 $0x1;
	_ =	shalt  }
.Lfunc_end2:
_tile_overlayer_lowered:
.L_overlay_start_2:
0x56: {  	(tag) =	ssettag $0x2  }
0x57: {  	s0 =	rddreg [dreg:$0x0];
	s2 =	stileid.u32  }
0x58: {  	s1 =	rddreg [dreg:$0x1];
	p0 =	sne.s32 s2, $0x0  }
0x59: {  	s3 =	rddreg [dreg:$0x2];
	[bflag:$0x3] =	sbarrier.arrive $0xFFFF;
	s2 =	simm.s32 @!p0 $0x1C01  }
0x5a: {  	[timem:s3], [sflag:s2] =	dma.local @!p0 [hbm:s0], s1  }
0x5b: {  	s0 =	simm.s32 @!p0 $0x1  }
0x5c: {  	_ =	swait.ge @!p0 [sflag:s0], s1  }
0x5d: {  	s1 =	ssub.s32 @!p0 $0x0, s1;
	[sflag:s0] =	ssyncset.done @!p0 $0x0  }
0x5e: {  	[sflag:s0] =	ssyncadd.s32 @!p0 s1  }
0x5f: {  	[bflag:$0x3] =	sbarrier.arrive $0xFFFF  }
0x60: {  	_ =	shalt  }

// kernel: kernel.15.cloned.1.call-start
scs
__scs_entry_jumppad:
0x0: {  	(pc) =	sbr.rel $0x88, $3  }
0x1: {  	(tag) =	ssettag $0x0;
	lr =	simm.s32 $0x1  }
0x2: {  	[smem:$0x3F96] =	sst lr;
	_ =	strace $0xD0000000  }
0x3: {  	_ = 	snop  }
0x4: {  	_ = 	snop  }
0x5: {  	_ = 	snop  }
0x6: {  	_ = 	snop  }
0x7: {  	_ = 	snop  }
__scs_overlays_trampoline_lowered:
0x8: {  	[smem:$0x3FA5] =	sst s0  }
0x9: {  	[smem:$0x3FA6] =	sst s1  }
0xa: {  	[smem:$0x3FA7] =	sst s2  }
0xb: {  	[smem:$0x3FA8] =	sst s3  }
0xc: {  	[smem:$0x3FA9] =	sst s4  }
0xd: {  	[smem:$0x3FAA] =	sst s5  }
0xe: {  	[smem:$0x3FAB] =	sst s6  }
0xf: {  	[smem:$0x3FAC] =	sst s7  }
0x10: {  	[smem:$0x3FAD] =	sst s8  }
0x11: {  	[smem:$0x3FAE] =	sst s9;
	s0 =	simm.s32 @!p0 $0x0  }
0x12: {  	s1 =	sld [smem:$0x3F94];
	s0 =	simm.s32 @p0 $0x1  }
0x13: {  	[smem:$0x3FAF] =	sst s0;
	s0 =	simm.s32 @!p1 $0x0  }
0x14: {  	s2 =	sld [smem:$0x3F93];
	s0 =	simm.s32 @p1 $0x1  }
0x15: {  	[smem:$0x3FB0] =	sst s0;
	s0 =	simm.s32 @!p2 $0x0  }
0x16: {  	s3 =	sld [smem:$0x3FDB];
	s0 =	simm.s32 @p2 $0x1  }
0x17: {  	s4 =	simm.s32 $0x1BF5;
	[smem:$0x3FB2] =	sst s0  }
0x18: {  	s0 =	sld [smem:$0x3F95];
	_ =	swait.ge [sflag:s4], $0x0  }
0x19: {  	s7 =	sld [smem:$0x3F96]  }
0x1a: {  	s8 =	sadd.s32 $0xFFFFE003, lr  }
0x1b: {  	s9 =	sadd.s32 $0xFFFFFEF7, lr;
	s5 =	simm.s32 $0xFFFFFFFF;
	p2 =	slt.u32 s8, $0xFFFFF086  }
0x1c: {  	p1 =	slt.u32 s9, $0xF7A;
	s5 =	simm.s32 @!p2 $0x0  }
0x1d: {  	s5 =	simm.s32 @p1 $0x1;
	p0 =	seq.s32 s7, s2  }
0x1e: {  	s7 =	smul.u32 @!p0 $0xF7A, s2;
	p2 =	seq.s32 @!p0 s5, $0x0  }
0x1f: {  	s9 =	smul.u32 $0xF7A, s1;
	s8 =	simm.s32 @!p0 $0x1BF5;
	p2 =	por !p2, p0  }
0x20: {  	[sflag:s8] =	ssyncset.s32 @!p0 $0xFFFFF086;
	s6 =	sadd.s32 @!p0 s3, s7;
	s7 =	simm.s32 @!p0 $0x108  }
0x21: {  	s3 =	sadd.s32 s3, s9;
	s6 =	sadd.s32 @!p0 $0x88, s6;
	s7 =	simm.s32 @p2 $0x1082  }
0x22: {  	[simem:s7], [sflag:s8] =	dma.local @!p0 [hbm:s6], $0xF7A  }
0x23: {  	s9 =	sor.u32 $0xD0000000, s2;
	s6 =	simm.s32 $0x108;
	_ =	swait.ge @!p0 [sflag:s8], $0x0  }
0x24: {  	s3 =	sadd.s32 $0x88, s3;
	s6 =	simm.s32 @!p1 $0x1082;
	[sflag:s4] =	ssyncset.s32 $0xFFFFF086  }
0x25: {  	[simem:s6], [sflag:s4] =	dma.local [hbm:s3], $0xF7A  }
0x26: {  	[smem:$0x3F96] =	sst s1;
	(tag) =	ssettag s2;
	_ =	strace s9  }
0x27: {  	s1 =	sld [smem:$0x3FA6]  }
0x28: {  	s2 =	sld [smem:$0x3FA7]  }
0x29: {  	s4 =	sld [smem:$0x3FA9]  }
0x2a: {  	p0 =	seq.s32 s5, $0x0;
	s5 =	sld [smem:$0x3FAA]  }
0x2b: {  	s6 =	sld [smem:$0x3FAB]  }
0x2c: {  	s7 =	sld [smem:$0x3FAC]  }
0x2d: {  	s3 =	simm.s32 $0x108;
	s8 =	sld [smem:$0x3FAD]  }
0x2e: {  	s3 =	simm.s32 @!p0 $0x1082;
	s9 =	sld [smem:$0x3FAE]  }
0x2f: {  	lr =	sadd.s32 s0, s3;
	s0 =	sld [smem:$0x3FA5]  }
0x30: {  	s3 =	sld [smem:$0x3FA8]  }
0x31: {  	[smem:$0x3FB1] =	sst s10  }
0x32: {  	s10 =	sld [smem:$0x3FAF];
	_ =	sdelay $0x3  }
0x33: {  	p0 =	seq.s32 s10, $0x1;
	s10 =	sld [smem:$0x3FB1];
	_ =	sdelay $0x3  }
0x34: {  	[smem:$0x3FB1] =	sst s10  }
0x35: {  	s10 =	sld [smem:$0x3FB0];
	_ =	sdelay $0x3  }
0x36: {  	p1 =	seq.s32 s10, $0x1;
	s10 =	sld [smem:$0x3FB1];
	_ =	sdelay $0x3  }
0x37: {  	[smem:$0x3FB1] =	sst s10  }
0x38: {  	s10 =	sld [smem:$0x3FB2]  }
0x39: {  	_ = 	snop;
	(pc) =	sbr.ind lr, $3  }
0x3a: {  	_ = 	snop  }
0x3b: {  	_ = 	snop  }
0x3c: {  	p2 =	seq.s32 s10, $0x1;
	s10 =	sld [smem:$0x3FB1]  }
0x3d: {  	_ =	shalt  }
0x3e: {  	_ =	shalt  }
0x3f: {  	_ =	shalt  }
0x40: {  	_ =	shalt  }
0x41: {  	_ =	shalt  }
0x42: {  	_ =	shalt  }
0x43: {  	_ =	shalt  }
0x44: {  	_ =	shalt  }
0x45: {  	_ =	shalt  }
0x46: {  	_ =	shalt  }
0x47: {  	_ =	shalt  }
0x48: {  	_ =	shalt  }
0x49: {  	_ =	shalt  }
0x4a: {  	_ =	shalt  }
0x4b: {  	_ =	shalt  }
0x4c: {  	_ =	shalt  }
0x4d: {  	_ =	shalt  }
0x4e: {  	_ =	shalt  }
0x4f: {  	_ =	shalt  }
0x50: {  	_ =	shalt  }
0x51: {  	_ =	shalt  }
0x52: {  	_ =	shalt  }
0x53: {  	_ =	shalt  }
0x54: {  	_ =	shalt  }
0x55: {  	_ =	shalt  }
0x56: {  	_ =	shalt  }
0x57: {  	_ =	shalt  }
0x58: {  	_ =	shalt  }
0x59: {  	_ =	shalt  }
0x5a: {  	_ =	shalt  }
0x5b: {  	_ =	shalt  }
0x5c: {  	_ =	shalt  }
0x5d: {  	_ =	shalt  }
0x5e: {  	_ =	shalt  }
0x5f: {  	_ =	shalt  }
0x60: {  	_ =	shalt  }
0x61: {  	_ =	shalt  }
0x62: {  	_ =	shalt  }
0x63: {  	_ =	shalt  }
0x64: {  	_ =	shalt  }
0x65: {  	_ =	shalt  }
0x66: {  	_ =	shalt  }
0x67: {  	_ =	shalt  }
0x68: {  	_ =	shalt  }
0x69: {  	_ =	shalt  }
0x6a: {  	_ =	shalt  }
0x6b: {  	_ =	shalt  }
0x6c: {  	_ =	shalt  }
0x6d: {  	_ =	shalt  }
0x6e: {  	_ =	shalt  }
0x6f: {  	_ =	shalt  }
0x70: {  	_ =	shalt  }
0x71: {  	_ =	shalt  }
0x72: {  	_ =	shalt  }
0x73: {  	_ =	shalt  }
0x74: {  	_ =	shalt  }
0x75: {  	_ =	shalt  }
0x76: {  	_ =	shalt  }
0x77: {  	_ =	shalt  }
0x78: {  	_ =	shalt  }
0x79: {  	_ =	shalt  }
0x7a: {  	_ =	shalt  }
0x7b: {  	_ =	shalt  }
0x7c: {  	_ =	shalt  }
0x7d: {  	_ =	shalt  }
0x7e: {  	_ =	shalt  }
0x7f: {  	_ =	shalt  }
0x80: {  	_ =	shalt  }
0x81: {  	_ =	shalt  }
0x82: {  	_ =	shalt  }
0x83: {  	_ =	shalt  }
0x84: {  	_ =	shalt  }
0x85: {  	_ =	shalt  }
0x86: {  	_ =	shalt  }
0x87: {  	_ =	shalt  }
.Lfunc_end0:
.L_simem_size_0:
called_computation.1_lowered:
.L_overlay_start_0:
0x88: {  	s2 =	sld [smem:$0x3FD9]  }
0x89: {  	s3 =	sld [smem:$0x3FFE];
	_ =	sdelay $0x1  }
0x8a: {  	s1 =	srdreg.scid  }
0x8b: {  	s0 =	sand.u32 $0x1, s1  }
0x8c: {  	s17 =	sshll.u32 s0, $0xA;
	s2 =	sadd.s32 s3, s2  }
0x8d: {  	s2 =	sadd.s32 s2, s17  }
0x8e: {  	[smem:$0x3FBD] =	sst s2  }
0x8f: {  	_ = 	snop  }
0x90: {  	s2 =	sld [smem:$0x3FD0];
	(tm) =	ssettm $0x1  }
0x91: {  	s18 =	sld [smem:$0x3FFB];
	_ =	sdelay $0x3  }
0x92: {  	_ =	strace s18  }
0x93: {  	s3 =	sld [smem:$0x3FFC];
	_ =	sdelay $0x3  }
0x94: {  	_ =	strace s3  }
0x95: {  	s3 =	sld [smem:$0x3FFD];
	_ =	sdelay $0x3  }
0x96: {  	_ =	strace s3  }
0x97: {  	_ =	strace $0x8FFFFFFF  }
0x98: {  	s19 =	sld [smem:$0x3FDB];
	_ =	sdelay $0x1  }
0x99: {  	s4 =	simm.s32 $_scs_section_size  }
0x9a: {  	s5 =	simm.s32 $_size__tile_overlayer_lowered;
	s6 =	simm.s32 $_tile_overlayer_lowered  }
0x9b: {  	s22 =	simm.s32 $0x1BFF;
	s21 =	sshll.u32 s6, $0x1;
	s3 =	sadd.s32 s4, s19  }
0x9c: {  	s7 =	simm.s32 $0x0;
	s20 =	sshll.u32 s5, $0x1;
	s5 =	sadd.s32 s21, s3  }
0x9d: {  	[timem:s7], [sflag:s22] =	dma.local [hbm:s5], s20  }
0x9e: {  	_ =	swait.ge [sflag:s22], s20  }
0x9f: {  	s4 =	ssub.s32 $0x0, s20;
	[sflag:s22] =	ssyncset.done $0x0  }
0xa0: {  	[sflag:s22] =	ssyncadd.s32 s4;
	_ =	sdelay $0x1  }
0xa1: {  	s23 =	simm.s32 $0x1B8B  }
0xa2: {  	_ =	swait.ge [sflag:s23], $0x1  }
0xa3: {  	[sflag:s23] =	ssyncset.done $0x0  }
0xa4: {  	s25 =	simm.s32 $0x1B8E;
	s24 =	sld [smem:$0x3FFE];
	[sflag:s23] =	ssyncadd.s32 $0xFFFFFFFF  }
0xa5: {  	s26 =	simm.s32 $execute0_lowered;
	[smem:$0x3FD2] =	sst s25  }
0xa6: {  	s5 =	sshll.u32 s26, $0x1;
	_ =	strace $0x80000049;
	[dreg:$0x1] =	wrdreg $0xFFFFFFFF  }
0xa7: {  	s28 =	simm.s32 $_size_execute0_lowered;
	s3 =	sadd.s32 s3, s5;
	[dreg:$0x0] =	wrdreg $0x0  }
0xa8: {  	s5 =	sshll.u32 s28, $0x1;
	[dreg:$0x2] =	wrdreg s3  }
0xa9: {  	[dreg:$0x3] =	wrdreg s5  }
0xaa: {  	[dreg:$0x4] =	wrdreg $0xC0  }
0xab: {  	_ =	task [dreg:s7], $0x5FFFF  }
0xac: {  	[dreg:$0x1] =	wrdreg $0xFFFFFFFF  }
0xad: {  	[dreg:$0x0] =	wrdreg $0x60  }
0xae: {  	[dreg:$0x2] =	wrdreg s24  }
0xaf: {  	[dreg:$0x3] =	wrdreg s2  }
0xb0: {  	[dreg:$0x4] =	wrdreg $0x144400  }
0xb1: {  	[dreg:$0x5] =	wrdreg $0x9  }
0xb2: {  	_ =	task.clear_ibuf [dreg:s7], $0x6FFFF;
	_ =	strace $0x90000049  }
0xb3: {  	s29 =	simm.s32 $0x9;
	_ =	strace $0x8000004B  }
0xb4: {  	_ =	swait.ge [sflag:s29], $0x1  }
0xb5: {  	[sflag:s29] =	ssyncadd.s32 $0xFFFFFFFF  }
0xb6: {  	_ =	strace $0x9000004B  }
0xb7: {  	_ =	sfence  }
0xb8: {  	s30 =	sld [smem:$0x0];
	_ =	sdelay $0x2  }
0xb9: {  	s31 =	sshll.u32 s1, $0xD;
	s1 =	sshrl.u32 s1, $0x2  }
0xba: {  	s3 =	sand.u32 $0x4000, s31;
	s1 =	sadd.s32 s1, s30  }
0xbb: {  	s0 =	sor.u32 s3, s0;
	s1 =	sshll.u32 s1, $0x11  }
0xbc: {  	s0 =	sor.u32 s1, s0  }
0xbd: {  	s0 =	sadd.s32 $0x8F2B, s0  }
0xbe: {  	[sflag:s0] =	ssyncadd.remote.s32 $0x1  }
0xbf: {  	_ =	sfence.sel $0xFFFF  }
0xc0: {  	[dreg:$0x0] =	wrdreg $0xFFFFFFFF;
	(pc) =	sbr.abs _section_cstart, $3  }
0xc1: {  	[dreg:$0x1] =	wrdreg $0xFFFFFFFF  }
0xc2: {  	_ =	task.clear_ibuf [dreg:s7], $0x2FFFF;
	_ =	strace $0x9FFFFFFF  }
0xc3: {  	(tm) =	ssettm $0x7FFFFFFF  }
tec
execute0_lowered:
.L_overlay_start_1:
0x0: {  	(tag) =	ssettag $0x1  }
0x1: {  	s5 =	rddreg [dreg:$0x0]  }
0x2: {  	s6 =	rddreg [dreg:$0x1]  }
0x3: {  	s2 =	rddreg [dreg:$0x2]  }
0x4: {  	s0 =	rddreg [dreg:$0x3];
	s1 =	stileid.u32  }
0x5: {  	s4 =	srdreg.scid;
	s3 =	simm.s32 $0x0;
	s16 =	simm.s32 $0x4EC0  }
0x6: {  	s17 =	simm.s32 $0x9D80;
	s18 =	simm.s32 $0x12440;
	s19 =	simm.s32 $0x70  }
0x7: {  	s20 =	simm.s32 $0xEC40;
	s21 =	simm.s32 $0x10840;
	s22 =	simm.s32 $0x1  }
0x8: {  	s23 =	simm.s32 $0x2;
	s24 =	simm.s32 $0x9CA0;
	s7 =	smul.u32 $0x4EC0, s1  }
0x9: {  	s25 =	simm.s32 $0x9D10;
	s26 =	simm.s32 $0x0;
	s9 =	smul.u32 $0xA000, s1  }
0xa: {  	s8 =	sand.u32 $0x1, s4;
	[smem:$0x7FF] =	sst s3;
	s29 =	smul.u32 $0x28000, s1  }
0xb: {  	s4 =	sadd.s32 $0x17400, s5;
	s10 =	smul.u32 $0xA0000, s8;
	_ =	strace $0x8000004A  }
0xc: {  	s12 =	smul.u32 $0x4EC00, s8;
	s8 =	ssub.s32 $0x2, s8;
	s11 =	sshrl.u32 s7, $0x3  }
0xd: {  	s13 =	sshrl.u32 s8, $0x1;
	s31 =	sshrl.u32 s29, $0x2;
	s10 =	sadd.s32 s9, s10  }
0xe: {  	s11 =	sadd.s32 s11, s5;
	s7 =	sadd.s32 s7, s12;
	s15 =	ssub.s32 s8, s13  }
0xf: {  	s8 =	sadd.s32 s9, s2;
	s12 =	sadd.s32 s31, s2;
	s10 =	sshrl.u32 s10, $0x3  }
0x10: {  	s30 =	sshrl.u32 s7, $0x3;
	s7 =	sadd.s32 $0xD600, s11;
	s9 =	sadd.s32 $0x2000, s12  }
0x11: {  	s14 =	sadd.s32 s10, s5;
	s5 =	sadd.s32 s6, s30;
	s6 =	sadd.s32 $0x3800, s11  }
0x12: {  	s10 =	sadd.s32 $0x4000, s12;
	s11 =	sadd.s32 $0x6000, s12;
	s12 =	sadd.s32 $0x8000, s12  }
0x13: {  	v0 =	vimm.f32 $0.0e+00;
	s13 =	sadd.s32 $0x3F400, s14;
	s14 =	smax.u32 s15, $0x1;
	s15 =	simm.s32 $0x3  }
.LBB2_1:
0x14: {  	[tilespmem:s3], [sflag:$0x3] =	stream.linear.gather [hbm4b:s5+s3], $0x4EC0, $0x38;
	[tilespmem:$0x1E440] =	vst v63  }
0x15: {  	_ =	swait.ge [sflag:s15], $0x4EC0  }
0x16: {  	[sflag:s15] =	ssyncset.done $0x0  }
0x17: {  	[sflag:s15] =	ssyncadd.s32 $0xFFFFB140  }
0x18: {  	[tilespmem:s16], [sflag:$0x3] =	stream.linear.gather [hbm4b:s6+s3], $0x4EC0, $0x38;
	[tilespmem:$0x1E440] =	vst v63  }
0x19: {  	_ =	swait.ge [sflag:s15], $0x4EC0  }
0x1a: {  	[sflag:s15] =	ssyncset.done $0x0  }
0x1b: {  	[sflag:s15] =	ssyncadd.s32 $0xFFFFB140  }
0x1c: {  	[tilespmem:s17], [sflag:$0x3] =	stream.linear.gather [hbm4b:s7+s3], $0x4EC0, $0x38;
	[tilespmem:$0x1E440] =	vst v63  }
0x1d: {  	_ =	swait.ge [sflag:s15], $0x4EC0  }
0x1e: {  	[sflag:s15] =	ssyncset.done $0x0  }
0x1f: {  	s29 =	simm.s32 $0x100;
	s28 =	simm.s32 $0x0;
	[sflag:s15] =	ssyncadd.s32 $0xFFFFB140  }
.LBB2_2:
0x20: {  	p0 =	sne.s32 s29, $0x7F00;
	[tilespmem:s28+$0x12470] =	vst v0;
	s30 =	smov.u32 s29;
	s29 =	sadd.s32 $0x100, s29  }
.Ltmp0:
0x21: {  	[tilespmem:s28+$0x12460] =	vst v0;
	(pc) =	sbr.rel @p0 .LBB2_2-.Ltmp0, $3  }
0x22: {  	[tilespmem:s28+$0x12440] =	vst v0  }
0x23: {  	[tilespmem:s28+$0x12450] =	vst v0;
	_ =	sdelay $0x1  }
0x24: {  	s28 =	sshra.s32 s30, $0x2  }
0x25: {  	[tilespmem:s28+$0x12470] =	vst v0  }
0x26: {  	[tilespmem:s28+$0x12460] =	vst v0  }
0x27: {  	[tilespmem:s28+$0x12440] =	vst v0  }
0x28: {  	[tilespmem:s28+$0x12450] =	vst v0  }
0x29: {  	[spmem:s8] =	stream.linear.scatter [tilespmem:s18], [sflag:$0x3], $0x2000, $0x38;
	[tilespmem:$0x1E440] =	vst v63  }
0x2a: {  	_ =	swait.ge [sflag:s15], $0x2000  }
0x2b: {  	[sflag:s15] =	ssyncset.done $0x0  }
0x2c: {  	[sflag:s15] =	ssyncadd.s32 $0xFFFFE000  }
0x2d: {  	[spmem:s9] =	stream.linear.scatter [tilespmem:s18], [sflag:$0x3], $0x2000, $0x38;
	[tilespmem:$0x1E440] =	vst v63  }
0x2e: {  	_ =	swait.ge [sflag:s15], $0x2000  }
0x2f: {  	[sflag:s15] =	ssyncset.done $0x0  }
0x30: {  	[sflag:s15] =	ssyncadd.s32 $0xFFFFE000  }
0x31: {  	[spmem:s10] =	stream.linear.scatter [tilespmem:s18], [sflag:$0x3], $0x2000, $0x38;
	[tilespmem:$0x1E440] =	vst v63  }
0x32: {  	_ =	swait.ge [sflag:s15], $0x2000  }
0x33: {  	[sflag:s15] =	ssyncset.done $0x0  }
0x34: {  	[sflag:s15] =	ssyncadd.s32 $0xFFFFE000  }
0x35: {  	[spmem:s11] =	stream.linear.scatter [tilespmem:s18], [sflag:$0x3], $0x2000, $0x38;
	[tilespmem:$0x1E440] =	vst v63  }
0x36: {  	_ =	swait.ge [sflag:s15], $0x2000  }
0x37: {  	[sflag:s15] =	ssyncset.done $0x0  }
0x38: {  	[sflag:s15] =	ssyncadd.s32 $0xFFFFE000  }
0x39: {  	[spmem:s12] =	stream.linear.scatter [tilespmem:s18], [sflag:$0x3], $0x2000, $0x38;
	[tilespmem:$0x1E440] =	vst v63  }
0x3a: {  	_ =	swait.ge [sflag:s15], $0x2000  }
0x3b: {  	[sflag:s15] =	ssyncset.done $0x0  }
0x3c: {  	[sflag:s15] =	ssyncadd.s32 $0xFFFFE000  }
0x3d: {  	s28 =	simm.s32 $0x0;
	[bflag:$0x0] =	sbarrier.arrive $0xFFFF  }
0x3e: {  	[tilespmem:s20], [sflag:$0x1] =	stream.indirect.gather [hbm4b:s4+s19], $0x40, s28, s19, $0xb8;
	[tilespmem:$0x1E440] =	vst v63  }
0x3f: {  	_ = 	snop  }
0x40: {  	[tilespmem:s21], [sflag:$0x2] =	stream.indirect.gather [hbm4b:s4+s19], $0x40, s19, s19, $0xb8;
	[tilespmem:$0x1E440] =	vst v63  }
0x41: {  	_ =	swait.ge [sflag:s22], $0x1C00  }
0x42: {  	[sflag:s22] =	ssyncset.done $0x0  }
0x43: {  	s28 =	simm.s32 $0x4EC0;
	[sflag:s22] =	ssyncadd.s32 $0xFFFFE400  }
0x44: {  	[spmem:s2] =	stream.indirect.scatter.add.f32 [tilespmem:s20], [sflag:$0x3], $0x40, s28, s19, $0xb8;
	[tilespmem:$0x1E440] =	vst v63  }
0x45: {  	_ =	swait.ge [sflag:s15], $0x1C00  }
0x46: {  	[sflag:s15] =	ssyncset.done $0x0  }
0x47: {  	s28 =	simm.s32 $0xE0;
	[sflag:s15] =	ssyncadd.s32 $0xFFFFE400  }
0x48: {  	[tilespmem:s20], [sflag:$0x1] =	stream.indirect.gather [hbm4b:s4+s19], $0x40, s28, s19, $0xb8;
	[tilespmem:$0x1E440] =	vst v63  }
0x49: {  	_ =	swait.ge [sflag:s23], $0x1C00  }
0x4a: {  	[sflag:s23] =	ssyncset.done $0x0  }
0x4b: {  	s28 =	simm.s32 $0x4F30;
	[sflag:s23] =	ssyncadd.s32 $0xFFFFE400  }
0x4c: {  	[spmem:s2] =	stream.indirect.scatter.add.f32 [tilespmem:s21], [sflag:$0x3], $0x40, s28, s19, $0xb8;
	[tilespmem:$0x1E440] =	vst v63  }
0x4d: {  	_ =	swait.ge [sflag:s15], $0x1C00  }
0x4e: {  	[sflag:s15] =	ssyncset.done $0x0  }
0x4f: {  	s29 =	simm.s32 $0x150;
	s28 =	simm.s32 $0x380;
	[sflag:s15] =	ssyncadd.s32 $0xFFFFE400  }
.LBB2_4:
0x50: {  	[tilespmem:s21], [sflag:$0x2] =	stream.indirect.gather [hbm4b:s4+s19], $0x40, s29, s19, $0xb8;
	[tilespmem:$0x1E440] =	vst v63  }
0x51: {  	s29 =	smov.u32 s28  }
0x52: {  	p0 =	sne.s32 s28, $0x13400;
	s28 =	sadd.s32 $0x380, s28;
	_ =	swait.ge [sflag:s22], $0x1C00  }
0x53: {  	s29 =	sshra.s32 s29, $0x2;
	[sflag:s22] =	ssyncset.done $0x0  }
0x54: {  	s30 =	sadd.s32 $0x4EC0, s29;
	[sflag:s22] =	ssyncadd.s32 $0xFFFFE400  }
0x55: {  	[spmem:s2] =	stream.indirect.scatter.add.f32 [tilespmem:s20], [sflag:$0x3], $0x40, s30, s19, $0xb8;
	[tilespmem:$0x1E440] =	vst v63  }
0x56: {  	_ =	swait.ge [sflag:s15], $0x1C00  }
0x57: {  	[sflag:s15] =	ssyncset.done $0x0  }
0x58: {  	s30 =	sadd.s32 $0xE0, s29;
	[sflag:s15] =	ssyncadd.s32 $0xFFFFE400  }
0x59: {  	[tilespmem:s20], [sflag:$0x1] =	stream.indirect.gather [hbm4b:s4+s19], $0x40, s30, s19, $0xb8;
	[tilespmem:$0x1E440] =	vst v63  }
0x5a: {  	_ =	swait.ge [sflag:s23], $0x1C00  }
0x5b: {  	[sflag:s23] =	ssyncset.done $0x0  }
.Ltmp1:
0x5c: {  	s30 =	sadd.s32 $0x4F30, s29;
	[sflag:s23] =	ssyncadd.s32 $0xFFFFE400;
	(pc) =	sbr.rel @p0 .LBB2_4-.Ltmp1, $4  }
0x5d: {  	[spmem:s2] =	stream.indirect.scatter.add.f32 [tilespmem:s21], [sflag:$0x3], $0x40, s30, s19, $0xb8;
	[tilespmem:$0x1E440] =	vst v63  }
0x5e: {  	_ =	swait.ge [sflag:s15], $0x1C00  }
0x5f: {  	[sflag:s15] =	ssyncset.done $0x0  }
0x60: {  	s29 =	sadd.s32 $0x150, s29;
	[sflag:s15] =	ssyncadd.s32 $0xFFFFE400  }
0x61: {  	[tilespmem:s21], [sflag:$0x2] =	stream.indirect.gather [hbm4b:s4+s19], $0x40, s29, s19, $0xb8;
	[tilespmem:$0x1E440] =	vst v63  }
0x62: {  	_ =	swait.ge [sflag:s22], $0x1C00  }
0x63: {  	[sflag:s22] =	ssyncset.done $0x0  }
0x64: {  	[sflag:s22] =	ssyncadd.s32 $0xFFFFE400  }
0x65: {  	[spmem:s2] =	stream.indirect.scatter.add.f32 [tilespmem:s20], [sflag:$0x3], $0x40, s24, s19, $0xb8;
	[tilespmem:$0x1E440] =	vst v63  }
0x66: {  	_ =	swait.ge [sflag:s15], $0x1C00  }
0x67: {  	[sflag:s15] =	ssyncset.done $0x0  }
0x68: {  	[sflag:s15] =	ssyncadd.s32 $0xFFFFE400  }
0x69: {  	_ =	swait.ge [sflag:s23], $0x1C00  }
0x6a: {  	[sflag:s23] =	ssyncset.done $0x0  }
0x6b: {  	[sflag:s23] =	ssyncadd.s32 $0xFFFFE400  }
0x6c: {  	[spmem:s2] =	stream.indirect.scatter.add.f32 [tilespmem:s21], [sflag:$0x3], $0x40, s25, s19, $0xb8;
	[tilespmem:$0x1E440] =	vst v63  }
0x6d: {  	_ =	swait.ge [sflag:s15], $0x1C00  }
0x6e: {  	s28 =	sshll.u32 s1, $0x6;
	s26 =	sadd.s32 $0x1, s26;
	[sflag:s15] =	ssyncset.done $0x0  }
0x6f: {  	s31 =	sshrl.u32 s8, $0x3;
	p0 =	sne.s32 s26, s14;
	[sflag:s15] =	ssyncadd.s32 $0xFFFFE400  }
.Ltmp2:
0x70: {  	s28 =	sor.u32 $0x1C03, s28;
	[bflag:$0x0] =	sbarrier.arrive $0xFFFF;
	(pc) =	sbr.rel @p0 .LBB2_1-.Ltmp2, $4  }
0x71: {  	[hbm:s13], [sflag:s28] =	dma.local [spmem:s31], $0x1400  }
0x72: {  	_ =	swait.ge [sflag:s15], $0x1400  }
0x73: {  	[sflag:s15] =	ssyncset.done $0x0  }
0x74: {  	[sflag:s15] =	ssyncadd.s32 $0xFFFFEC00  }
0x75: {  	_ =	sfence.sel $0x180000  }
0x76: {  	[bflag:$0x0] =	sbarrier.arrive $0xFFFF  }
0x77: {  	p0 =	sne.s32 s1, $0x0;
	_ =	strace $0x9000004A  }
0x78: {  	s0 =	sadd.s32 @!p0 $0x100000, s0;
	[bflag:$0x2] =	sbarrier.arrive $0xFFFF  }
0x79: {  	[sflag:s0] =	ssyncadd.tile.s32 @!p0 $0x1;
	_ =	shalt  }
.Lfunc_end2:
_tile_overlayer_lowered:
.L_overlay_start_2:
0x7a: {  	(tag) =	ssettag $0x2  }
0x7b: {  	s0 =	rddreg [dreg:$0x0];
	s2 =	stileid.u32  }
0x7c: {  	s1 =	rddreg [dreg:$0x1];
	p0 =	sne.s32 s2, $0x0  }
0x7d: {  	s3 =	rddreg [dreg:$0x2];
	[bflag:$0x3] =	sbarrier.arrive $0xFFFF;
	s2 =	simm.s32 @!p0 $0x1C03  }
0x7e: {  	[timem:s3], [sflag:s2] =	dma.local @!p0 [hbm:s0], s1  }
0x7f: {  	s0 =	simm.s32 @!p0 $0x3  }
0x80: {  	_ =	swait.ge @!p0 [sflag:s0], s1  }
0x81: {  	s1 =	ssub.s32 @!p0 $0x0, s1;
	[sflag:s0] =	ssyncset.done @!p0 $0x0  }
0x82: {  	[sflag:s0] =	ssyncadd.s32 @!p0 s1  }
0x83: {  	[bflag:$0x3] =	sbarrier.arrive $0xFFFF  }
0x84: {  	_ =	shalt  }

// kernel: kernel.18.cloned.1.call-start
scs
__scs_entry_jumppad:
0x0: {  	(pc) =	sbr.rel $0x88, $3  }
0x1: {  	(tag) =	ssettag $0x0;
	lr =	simm.s32 $0x1  }
0x2: {  	[smem:$0x3F96] =	sst lr;
	_ =	strace $0xD0000000  }
0x3: {  	_ = 	snop  }
0x4: {  	_ = 	snop  }
0x5: {  	_ = 	snop  }
0x6: {  	_ = 	snop  }
0x7: {  	_ = 	snop  }
__scs_overlays_trampoline_lowered:
0x8: {  	[smem:$0x3FA5] =	sst s0  }
0x9: {  	[smem:$0x3FA6] =	sst s1  }
0xa: {  	[smem:$0x3FA7] =	sst s2  }
0xb: {  	[smem:$0x3FA8] =	sst s3  }
0xc: {  	[smem:$0x3FA9] =	sst s4  }
0xd: {  	[smem:$0x3FAA] =	sst s5  }
0xe: {  	[smem:$0x3FAB] =	sst s6  }
0xf: {  	[smem:$0x3FAC] =	sst s7  }
0x10: {  	[smem:$0x3FAD] =	sst s8  }
0x11: {  	[smem:$0x3FAE] =	sst s9;
	s0 =	simm.s32 @!p0 $0x0  }
0x12: {  	s1 =	sld [smem:$0x3F94];
	s0 =	simm.s32 @p0 $0x1  }
0x13: {  	[smem:$0x3FAF] =	sst s0;
	s0 =	simm.s32 @!p1 $0x0  }
0x14: {  	s2 =	sld [smem:$0x3F93];
	s0 =	simm.s32 @p1 $0x1  }
0x15: {  	[smem:$0x3FB0] =	sst s0;
	s0 =	simm.s32 @!p2 $0x0  }
0x16: {  	s3 =	sld [smem:$0x3FDB];
	s0 =	simm.s32 @p2 $0x1  }
0x17: {  	s4 =	simm.s32 $0x1BF5;
	[smem:$0x3FB2] =	sst s0  }
0x18: {  	s0 =	sld [smem:$0x3F95];
	_ =	swait.ge [sflag:s4], $0x0  }
0x19: {  	s7 =	sld [smem:$0x3F96]  }
0x1a: {  	s8 =	sadd.s32 $0xFFFFE003, lr  }
0x1b: {  	s9 =	sadd.s32 $0xFFFFFEF7, lr;
	s5 =	simm.s32 $0xFFFFFFFF;
	p2 =	slt.u32 s8, $0xFFFFF086  }
0x1c: {  	p1 =	slt.u32 s9, $0xF7A;
	s5 =	simm.s32 @!p2 $0x0  }
0x1d: {  	s5 =	simm.s32 @p1 $0x1;
	p0 =	seq.s32 s7, s2  }
0x1e: {  	s7 =	smul.u32 @!p0 $0xF7A, s2;
	p2 =	seq.s32 @!p0 s5, $0x0  }
0x1f: {  	s9 =	smul.u32 $0xF7A, s1;
	s8 =	simm.s32 @!p0 $0x1BF5;
	p2 =	por !p2, p0  }
0x20: {  	[sflag:s8] =	ssyncset.s32 @!p0 $0xFFFFF086;
	s6 =	sadd.s32 @!p0 s3, s7;
	s7 =	simm.s32 @!p0 $0x108  }
0x21: {  	s3 =	sadd.s32 s3, s9;
	s6 =	sadd.s32 @!p0 $0x88, s6;
	s7 =	simm.s32 @p2 $0x1082  }
0x22: {  	[simem:s7], [sflag:s8] =	dma.local @!p0 [hbm:s6], $0xF7A  }
0x23: {  	s9 =	sor.u32 $0xD0000000, s2;
	s6 =	simm.s32 $0x108;
	_ =	swait.ge @!p0 [sflag:s8], $0x0  }
0x24: {  	s3 =	sadd.s32 $0x88, s3;
	s6 =	simm.s32 @!p1 $0x1082;
	[sflag:s4] =	ssyncset.s32 $0xFFFFF086  }
0x25: {  	[simem:s6], [sflag:s4] =	dma.local [hbm:s3], $0xF7A  }
0x26: {  	[smem:$0x3F96] =	sst s1;
	(tag) =	ssettag s2;
	_ =	strace s9  }
0x27: {  	s1 =	sld [smem:$0x3FA6]  }
0x28: {  	s2 =	sld [smem:$0x3FA7]  }
0x29: {  	s4 =	sld [smem:$0x3FA9]  }
0x2a: {  	p0 =	seq.s32 s5, $0x0;
	s5 =	sld [smem:$0x3FAA]  }
0x2b: {  	s6 =	sld [smem:$0x3FAB]  }
0x2c: {  	s7 =	sld [smem:$0x3FAC]  }
0x2d: {  	s3 =	simm.s32 $0x108;
	s8 =	sld [smem:$0x3FAD]  }
0x2e: {  	s3 =	simm.s32 @!p0 $0x1082;
	s9 =	sld [smem:$0x3FAE]  }
0x2f: {  	lr =	sadd.s32 s0, s3;
	s0 =	sld [smem:$0x3FA5]  }
0x30: {  	s3 =	sld [smem:$0x3FA8]  }
0x31: {  	[smem:$0x3FB1] =	sst s10  }
0x32: {  	s10 =	sld [smem:$0x3FAF];
	_ =	sdelay $0x3  }
0x33: {  	p0 =	seq.s32 s10, $0x1;
	s10 =	sld [smem:$0x3FB1];
	_ =	sdelay $0x3  }
0x34: {  	[smem:$0x3FB1] =	sst s10  }
0x35: {  	s10 =	sld [smem:$0x3FB0];
	_ =	sdelay $0x3  }
0x36: {  	p1 =	seq.s32 s10, $0x1;
	s10 =	sld [smem:$0x3FB1];
	_ =	sdelay $0x3  }
0x37: {  	[smem:$0x3FB1] =	sst s10  }
0x38: {  	s10 =	sld [smem:$0x3FB2]  }
0x39: {  	_ = 	snop;
	(pc) =	sbr.ind lr, $3  }
0x3a: {  	_ = 	snop  }
0x3b: {  	_ = 	snop  }
0x3c: {  	p2 =	seq.s32 s10, $0x1;
	s10 =	sld [smem:$0x3FB1]  }
0x3d: {  	_ =	shalt  }
0x3e: {  	_ =	shalt  }
0x3f: {  	_ =	shalt  }
0x40: {  	_ =	shalt  }
0x41: {  	_ =	shalt  }
0x42: {  	_ =	shalt  }
0x43: {  	_ =	shalt  }
0x44: {  	_ =	shalt  }
0x45: {  	_ =	shalt  }
0x46: {  	_ =	shalt  }
0x47: {  	_ =	shalt  }
0x48: {  	_ =	shalt  }
0x49: {  	_ =	shalt  }
0x4a: {  	_ =	shalt  }
0x4b: {  	_ =	shalt  }
0x4c: {  	_ =	shalt  }
0x4d: {  	_ =	shalt  }
0x4e: {  	_ =	shalt  }
0x4f: {  	_ =	shalt  }
0x50: {  	_ =	shalt  }
0x51: {  	_ =	shalt  }
0x52: {  	_ =	shalt  }
0x53: {  	_ =	shalt  }
0x54: {  	_ =	shalt  }
0x55: {  	_ =	shalt  }
0x56: {  	_ =	shalt  }
0x57: {  	_ =	shalt  }
0x58: {  	_ =	shalt  }
0x59: {  	_ =	shalt  }
0x5a: {  	_ =	shalt  }
0x5b: {  	_ =	shalt  }
0x5c: {  	_ =	shalt  }
0x5d: {  	_ =	shalt  }
0x5e: {  	_ =	shalt  }
0x5f: {  	_ =	shalt  }
0x60: {  	_ =	shalt  }
0x61: {  	_ =	shalt  }
0x62: {  	_ =	shalt  }
0x63: {  	_ =	shalt  }
0x64: {  	_ =	shalt  }
0x65: {  	_ =	shalt  }
0x66: {  	_ =	shalt  }
0x67: {  	_ =	shalt  }
0x68: {  	_ =	shalt  }
0x69: {  	_ =	shalt  }
0x6a: {  	_ =	shalt  }
0x6b: {  	_ =	shalt  }
0x6c: {  	_ =	shalt  }
0x6d: {  	_ =	shalt  }
0x6e: {  	_ =	shalt  }
0x6f: {  	_ =	shalt  }
0x70: {  	_ =	shalt  }
0x71: {  	_ =	shalt  }
0x72: {  	_ =	shalt  }
0x73: {  	_ =	shalt  }
0x74: {  	_ =	shalt  }
0x75: {  	_ =	shalt  }
0x76: {  	_ =	shalt  }
0x77: {  	_ =	shalt  }
0x78: {  	_ =	shalt  }
0x79: {  	_ =	shalt  }
0x7a: {  	_ =	shalt  }
0x7b: {  	_ =	shalt  }
0x7c: {  	_ =	shalt  }
0x7d: {  	_ =	shalt  }
0x7e: {  	_ =	shalt  }
0x7f: {  	_ =	shalt  }
0x80: {  	_ =	shalt  }
0x81: {  	_ =	shalt  }
0x82: {  	_ =	shalt  }
0x83: {  	_ =	shalt  }
0x84: {  	_ =	shalt  }
0x85: {  	_ =	shalt  }
0x86: {  	_ =	shalt  }
0x87: {  	_ =	shalt  }
.Lfunc_end0:
.L_simem_size_0:
called_computation.2_lowered:
.L_overlay_start_0:
0x88: {  	s2 =	sld [smem:$0x3FD9]  }
0x89: {  	s3 =	sld [smem:$0x3FFE];
	_ =	sdelay $0x1  }
0x8a: {  	s1 =	srdreg.scid  }
0x8b: {  	s0 =	sand.u32 $0x1, s1  }
0x8c: {  	s17 =	sshll.u32 s0, $0xA;
	s2 =	sadd.s32 s3, s2  }
0x8d: {  	s2 =	sadd.s32 s2, s17  }
0x8e: {  	[smem:$0x3FBD] =	sst s2  }
0x8f: {  	_ = 	snop  }
0x90: {  	s2 =	sld [smem:$0x3FD0];
	(tm) =	ssettm $0x1  }
0x91: {  	s18 =	sld [smem:$0x3FFB];
	_ =	sdelay $0x3  }
0x92: {  	_ =	strace s18  }
0x93: {  	s3 =	sld [smem:$0x3FFC];
	_ =	sdelay $0x3  }
0x94: {  	_ =	strace s3  }
0x95: {  	s3 =	sld [smem:$0x3FFD];
	_ =	sdelay $0x3  }
0x96: {  	_ =	strace s3  }
0x97: {  	_ =	strace $0x8FFFFFFF  }
0x98: {  	s19 =	sld [smem:$0x3FDB];
	_ =	sdelay $0x1  }
0x99: {  	s4 =	simm.s32 $_scs_section_size  }
0x9a: {  	s5 =	simm.s32 $_size__tile_overlayer_lowered;
	s6 =	simm.s32 $_tile_overlayer_lowered  }
0x9b: {  	s22 =	simm.s32 $0x1BFF;
	s21 =	sshll.u32 s6, $0x1;
	s3 =	sadd.s32 s4, s19  }
0x9c: {  	s7 =	simm.s32 $0x0;
	s20 =	sshll.u32 s5, $0x1;
	s5 =	sadd.s32 s21, s3  }
0x9d: {  	[timem:s7], [sflag:s22] =	dma.local [hbm:s5], s20  }
0x9e: {  	_ =	swait.ge [sflag:s22], s20  }
0x9f: {  	s4 =	ssub.s32 $0x0, s20;
	[sflag:s22] =	ssyncset.done $0x0  }
0xa0: {  	[sflag:s22] =	ssyncadd.s32 s4;
	_ =	sdelay $0x1  }
0xa1: {  	s23 =	simm.s32 $0x1B8B  }
0xa2: {  	_ =	swait.ge [sflag:s23], $0x1  }
0xa3: {  	[sflag:s23] =	ssyncset.done $0x0  }
0xa4: {  	s25 =	simm.s32 $0x1B8E;
	s24 =	sld [smem:$0x3FFE];
	[sflag:s23] =	ssyncadd.s32 $0xFFFFFFFF  }
0xa5: {  	s26 =	simm.s32 $execute0_lowered;
	[smem:$0x3FD2] =	sst s25  }
0xa6: {  	s5 =	sshll.u32 s26, $0x1;
	_ =	strace $0x8000004C;
	[dreg:$0x1] =	wrdreg $0xFFFFFFFF  }
0xa7: {  	s28 =	simm.s32 $_size_execute0_lowered;
	s3 =	sadd.s32 s3, s5;
	[dreg:$0x0] =	wrdreg $0x0  }
0xa8: {  	s5 =	sshll.u32 s28, $0x1;
	[dreg:$0x2] =	wrdreg s3  }
0xa9: {  	[dreg:$0x3] =	wrdreg s5  }
0xaa: {  	[dreg:$0x4] =	wrdreg $0xC0  }
0xab: {  	_ =	task [dreg:s7], $0x5FFFF  }
0xac: {  	[dreg:$0x1] =	wrdreg $0xFFFFFFFF  }
0xad: {  	[dreg:$0x0] =	wrdreg $0x60  }
0xae: {  	[dreg:$0x2] =	wrdreg s24  }
0xaf: {  	[dreg:$0x3] =	wrdreg s2  }
0xb0: {  	[dreg:$0x4] =	wrdreg $0x144400  }
0xb1: {  	[dreg:$0x5] =	wrdreg $0x9  }
0xb2: {  	_ =	task.clear_ibuf [dreg:s7], $0x6FFFF;
	_ =	strace $0x9000004C  }
0xb3: {  	s29 =	simm.s32 $0x9;
	_ =	strace $0x8000004E  }
0xb4: {  	_ =	swait.ge [sflag:s29], $0x1  }
0xb5: {  	[sflag:s29] =	ssyncadd.s32 $0xFFFFFFFF  }
0xb6: {  	_ =	strace $0x9000004E  }
0xb7: {  	_ =	sfence  }
0xb8: {  	s30 =	sld [smem:$0x0];
	_ =	sdelay $0x2  }
0xb9: {  	s31 =	sshll.u32 s1, $0xD;
	s1 =	sshrl.u32 s1, $0x2  }
0xba: {  	s3 =	sand.u32 $0x4000, s31;
	s1 =	sadd.s32 s1, s30  }
0xbb: {  	s0 =	sor.u32 s3, s0;
	s1 =	sshll.u32 s1, $0x11  }
0xbc: {  	s0 =	sor.u32 s1, s0  }
0xbd: {  	s0 =	sadd.s32 $0x8F2B, s0  }
0xbe: {  	[sflag:s0] =	ssyncadd.remote.s32 $0x1  }
0xbf: {  	_ =	sfence.sel $0xFFFF  }
0xc0: {  	[dreg:$0x0] =	wrdreg $0xFFFFFFFF;
	(pc) =	sbr.abs _section_cstart, $3  }
0xc1: {  	[dreg:$0x1] =	wrdreg $0xFFFFFFFF  }
0xc2: {  	_ =	task.clear_ibuf [dreg:s7], $0x2FFFF;
	_ =	strace $0x9FFFFFFF  }
0xc3: {  	(tm) =	ssettm $0x7FFFFFFF  }
tec
execute0_lowered:
.L_overlay_start_1:
0x0: {  	(tag) =	ssettag $0x1  }
0x1: {  	s5 =	rddreg [dreg:$0x0]  }
0x2: {  	s6 =	rddreg [dreg:$0x1]  }
0x3: {  	s2 =	rddreg [dreg:$0x2]  }
0x4: {  	s0 =	rddreg [dreg:$0x3];
	s1 =	stileid.u32  }
0x5: {  	s4 =	srdreg.scid;
	s3 =	simm.s32 $0x0;
	s16 =	simm.s32 $0x4EC0  }
0x6: {  	s17 =	simm.s32 $0x9D80;
	s18 =	simm.s32 $0x12440;
	s19 =	simm.s32 $0x70  }
0x7: {  	s20 =	simm.s32 $0xEC40;
	s21 =	simm.s32 $0x10840;
	s22 =	simm.s32 $0x1  }
0x8: {  	s23 =	simm.s32 $0x2;
	s24 =	simm.s32 $0x9CA0;
	s7 =	smul.u32 $0x4EC0, s1  }
0x9: {  	s25 =	simm.s32 $0x9D10;
	s26 =	simm.s32 $0x0;
	s9 =	smul.u32 $0xA000, s1  }
0xa: {  	s8 =	sand.u32 $0x1, s4;
	[smem:$0x7FF] =	sst s3;
	s29 =	smul.u32 $0x28000, s1  }
0xb: {  	s4 =	sadd.s32 $0x17400, s5;
	s10 =	smul.u32 $0xA0000, s8;
	_ =	strace $0x8000004D  }
0xc: {  	s12 =	smul.u32 $0x4EC00, s8;
	s8 =	ssub.s32 $0x2, s8;
	s11 =	sshrl.u32 s7, $0x3  }
0xd: {  	s13 =	sshrl.u32 s8, $0x1;
	s31 =	sshrl.u32 s29, $0x2;
	s10 =	sadd.s32 s9, s10  }
0xe: {  	s11 =	sadd.s32 s11, s5;
	s7 =	sadd.s32 s7, s12;
	s15 =	ssub.s32 s8, s13  }
0xf: {  	s8 =	sadd.s32 s9, s2;
	s12 =	sadd.s32 s31, s2;
	s10 =	sshrl.u32 s10, $0x3  }
0x10: {  	s30 =	sshrl.u32 s7, $0x3;
	s7 =	sadd.s32 $0xD600, s11;
	s9 =	sadd.s32 $0x2000, s12  }
0x11: {  	s14 =	sadd.s32 s10, s5;
	s5 =	sadd.s32 s6, s30;
	s6 =	sadd.s32 $0x3800, s11  }
0x12: {  	s10 =	sadd.s32 $0x4000, s12;
	s11 =	sadd.s32 $0x6000, s12;
	s12 =	sadd.s32 $0x8000, s12  }
0x13: {  	v0 =	vimm.f32 $0.0e+00;
	s13 =	sadd.s32 $0x3F400, s14;
	s14 =	smax.u32 s15, $0x1;
	s15 =	simm.s32 $0x3  }
.LBB2_1:
0x14: {  	[tilespmem:s3], [sflag:$0x3] =	stream.linear.gather [hbm4b:s5+s3], $0x4EC0, $0x38;
	[tilespmem:$0x1E440] =	vst v63  }
0x15: {  	_ =	swait.ge [sflag:s15], $0x4EC0  }
0x16: {  	[sflag:s15] =	ssyncset.done $0x0  }
0x17: {  	[sflag:s15] =	ssyncadd.s32 $0xFFFFB140  }
0x18: {  	[tilespmem:s16], [sflag:$0x3] =	stream.linear.gather [hbm4b:s6+s3], $0x4EC0, $0x38;
	[tilespmem:$0x1E440] =	vst v63  }
0x19: {  	_ =	swait.ge [sflag:s15], $0x4EC0  }
0x1a: {  	[sflag:s15] =	ssyncset.done $0x0  }
0x1b: {  	[sflag:s15] =	ssyncadd.s32 $0xFFFFB140  }
0x1c: {  	[tilespmem:s17], [sflag:$0x3] =	stream.linear.gather [hbm4b:s7+s3], $0x4EC0, $0x38;
	[tilespmem:$0x1E440] =	vst v63  }
0x1d: {  	_ =	swait.ge [sflag:s15], $0x4EC0  }
0x1e: {  	[sflag:s15] =	ssyncset.done $0x0  }
0x1f: {  	s29 =	simm.s32 $0x100;
	s28 =	simm.s32 $0x0;
	[sflag:s15] =	ssyncadd.s32 $0xFFFFB140  }
.LBB2_2:
0x20: {  	p0 =	sne.s32 s29, $0x7F00;
	[tilespmem:s28+$0x12470] =	vst v0;
	s30 =	smov.u32 s29;
	s29 =	sadd.s32 $0x100, s29  }
.Ltmp0:
0x21: {  	[tilespmem:s28+$0x12460] =	vst v0;
	(pc) =	sbr.rel @p0 .LBB2_2-.Ltmp0, $3  }
0x22: {  	[tilespmem:s28+$0x12440] =	vst v0  }
0x23: {  	[tilespmem:s28+$0x12450] =	vst v0;
	_ =	sdelay $0x1  }
0x24: {  	s28 =	sshra.s32 s30, $0x2  }
0x25: {  	[tilespmem:s28+$0x12470] =	vst v0  }
0x26: {  	[tilespmem:s28+$0x12460] =	vst v0  }
0x27: {  	[tilespmem:s28+$0x12440] =	vst v0  }
0x28: {  	[tilespmem:s28+$0x12450] =	vst v0  }
0x29: {  	[spmem:s8] =	stream.linear.scatter [tilespmem:s18], [sflag:$0x3], $0x2000, $0x38;
	[tilespmem:$0x1E440] =	vst v63  }
0x2a: {  	_ =	swait.ge [sflag:s15], $0x2000  }
0x2b: {  	[sflag:s15] =	ssyncset.done $0x0  }
0x2c: {  	[sflag:s15] =	ssyncadd.s32 $0xFFFFE000  }
0x2d: {  	[spmem:s9] =	stream.linear.scatter [tilespmem:s18], [sflag:$0x3], $0x2000, $0x38;
	[tilespmem:$0x1E440] =	vst v63  }
0x2e: {  	_ =	swait.ge [sflag:s15], $0x2000  }
0x2f: {  	[sflag:s15] =	ssyncset.done $0x0  }
0x30: {  	[sflag:s15] =	ssyncadd.s32 $0xFFFFE000  }
0x31: {  	[spmem:s10] =	stream.linear.scatter [tilespmem:s18], [sflag:$0x3], $0x2000, $0x38;
	[tilespmem:$0x1E440] =	vst v63  }
0x32: {  	_ =	swait.ge [sflag:s15], $0x2000  }
0x33: {  	[sflag:s15] =	ssyncset.done $0x0  }
0x34: {  	[sflag:s15] =	ssyncadd.s32 $0xFFFFE000  }
0x35: {  	[spmem:s11] =	stream.linear.scatter [tilespmem:s18], [sflag:$0x3], $0x2000, $0x38;
	[tilespmem:$0x1E440] =	vst v63  }
0x36: {  	_ =	swait.ge [sflag:s15], $0x2000  }
0x37: {  	[sflag:s15] =	ssyncset.done $0x0  }
0x38: {  	[sflag:s15] =	ssyncadd.s32 $0xFFFFE000  }
0x39: {  	[spmem:s12] =	stream.linear.scatter [tilespmem:s18], [sflag:$0x3], $0x2000, $0x38;
	[tilespmem:$0x1E440] =	vst v63  }
0x3a: {  	_ =	swait.ge [sflag:s15], $0x2000  }
0x3b: {  	[sflag:s15] =	ssyncset.done $0x0  }
0x3c: {  	[sflag:s15] =	ssyncadd.s32 $0xFFFFE000  }
0x3d: {  	s28 =	simm.s32 $0x0;
	[bflag:$0x0] =	sbarrier.arrive $0xFFFF  }
0x3e: {  	[tilespmem:s20], [sflag:$0x1] =	stream.indirect.gather [hbm4b:s4+s19], $0x40, s28, s19, $0xb8;
	[tilespmem:$0x1E440] =	vst v63  }
0x3f: {  	_ = 	snop  }
0x40: {  	[tilespmem:s21], [sflag:$0x2] =	stream.indirect.gather [hbm4b:s4+s19], $0x40, s19, s19, $0xb8;
	[tilespmem:$0x1E440] =	vst v63  }
0x41: {  	_ =	swait.ge [sflag:s22], $0x1C00  }
0x42: {  	[sflag:s22] =	ssyncset.done $0x0  }
0x43: {  	s28 =	simm.s32 $0x4EC0;
	[sflag:s22] =	ssyncadd.s32 $0xFFFFE400  }
0x44: {  	[spmem:s2] =	stream.indirect.scatter.add.f32 [tilespmem:s20], [sflag:$0x3], $0x40, s28, s19, $0xb8;
	[tilespmem:$0x1E440] =	vst v63  }
0x45: {  	_ =	swait.ge [sflag:s15], $0x1C00  }
0x46: {  	[sflag:s15] =	ssyncset.done $0x0  }
0x47: {  	s28 =	simm.s32 $0xE0;
	[sflag:s15] =	ssyncadd.s32 $0xFFFFE400  }
0x48: {  	[tilespmem:s20], [sflag:$0x1] =	stream.indirect.gather [hbm4b:s4+s19], $0x40, s28, s19, $0xb8;
	[tilespmem:$0x1E440] =	vst v63  }
0x49: {  	_ =	swait.ge [sflag:s23], $0x1C00  }
0x4a: {  	[sflag:s23] =	ssyncset.done $0x0  }
0x4b: {  	s28 =	simm.s32 $0x4F30;
	[sflag:s23] =	ssyncadd.s32 $0xFFFFE400  }
0x4c: {  	[spmem:s2] =	stream.indirect.scatter.add.f32 [tilespmem:s21], [sflag:$0x3], $0x40, s28, s19, $0xb8;
	[tilespmem:$0x1E440] =	vst v63  }
0x4d: {  	_ =	swait.ge [sflag:s15], $0x1C00  }
0x4e: {  	[sflag:s15] =	ssyncset.done $0x0  }
0x4f: {  	s29 =	simm.s32 $0x150;
	s28 =	simm.s32 $0x380;
	[sflag:s15] =	ssyncadd.s32 $0xFFFFE400  }
.LBB2_4:
0x50: {  	[tilespmem:s21], [sflag:$0x2] =	stream.indirect.gather [hbm4b:s4+s19], $0x40, s29, s19, $0xb8;
	[tilespmem:$0x1E440] =	vst v63  }
0x51: {  	s29 =	smov.u32 s28  }
0x52: {  	p0 =	sne.s32 s28, $0x13400;
	s28 =	sadd.s32 $0x380, s28;
	_ =	swait.ge [sflag:s22], $0x1C00  }
0x53: {  	s29 =	sshra.s32 s29, $0x2;
	[sflag:s22] =	ssyncset.done $0x0  }
0x54: {  	s30 =	sadd.s32 $0x4EC0, s29;
	[sflag:s22] =	ssyncadd.s32 $0xFFFFE400  }
0x55: {  	[spmem:s2] =	stream.indirect.scatter.add.f32 [tilespmem:s20], [sflag:$0x3], $0x40, s30, s19, $0xb8;
	[tilespmem:$0x1E440] =	vst v63  }
0x56: {  	_ =	swait.ge [sflag:s15], $0x1C00  }
0x57: {  	[sflag:s15] =	ssyncset.done $0x0  }
0x58: {  	s30 =	sadd.s32 $0xE0, s29;
	[sflag:s15] =	ssyncadd.s32 $0xFFFFE400  }
0x59: {  	[tilespmem:s20], [sflag:$0x1] =	stream.indirect.gather [hbm4b:s4+s19], $0x40, s30, s19, $0xb8;
	[tilespmem:$0x1E440] =	vst v63  }
0x5a: {  	_ =	swait.ge [sflag:s23], $0x1C00  }
0x5b: {  	[sflag:s23] =	ssyncset.done $0x0  }
.Ltmp1:
0x5c: {  	s30 =	sadd.s32 $0x4F30, s29;
	[sflag:s23] =	ssyncadd.s32 $0xFFFFE400;
	(pc) =	sbr.rel @p0 .LBB2_4-.Ltmp1, $4  }
0x5d: {  	[spmem:s2] =	stream.indirect.scatter.add.f32 [tilespmem:s21], [sflag:$0x3], $0x40, s30, s19, $0xb8;
	[tilespmem:$0x1E440] =	vst v63  }
0x5e: {  	_ =	swait.ge [sflag:s15], $0x1C00  }
0x5f: {  	[sflag:s15] =	ssyncset.done $0x0  }
0x60: {  	s29 =	sadd.s32 $0x150, s29;
	[sflag:s15] =	ssyncadd.s32 $0xFFFFE400  }
0x61: {  	[tilespmem:s21], [sflag:$0x2] =	stream.indirect.gather [hbm4b:s4+s19], $0x40, s29, s19, $0xb8;
	[tilespmem:$0x1E440] =	vst v63  }
0x62: {  	_ =	swait.ge [sflag:s22], $0x1C00  }
0x63: {  	[sflag:s22] =	ssyncset.done $0x0  }
0x64: {  	[sflag:s22] =	ssyncadd.s32 $0xFFFFE400  }
0x65: {  	[spmem:s2] =	stream.indirect.scatter.add.f32 [tilespmem:s20], [sflag:$0x3], $0x40, s24, s19, $0xb8;
	[tilespmem:$0x1E440] =	vst v63  }
0x66: {  	_ =	swait.ge [sflag:s15], $0x1C00  }
0x67: {  	[sflag:s15] =	ssyncset.done $0x0  }
0x68: {  	[sflag:s15] =	ssyncadd.s32 $0xFFFFE400  }
0x69: {  	_ =	swait.ge [sflag:s23], $0x1C00  }
0x6a: {  	[sflag:s23] =	ssyncset.done $0x0  }
0x6b: {  	[sflag:s23] =	ssyncadd.s32 $0xFFFFE400  }
0x6c: {  	[spmem:s2] =	stream.indirect.scatter.add.f32 [tilespmem:s21], [sflag:$0x3], $0x40, s25, s19, $0xb8;
	[tilespmem:$0x1E440] =	vst v63  }
0x6d: {  	_ =	swait.ge [sflag:s15], $0x1C00  }
0x6e: {  	s28 =	sshll.u32 s1, $0x6;
	s26 =	sadd.s32 $0x1, s26;
	[sflag:s15] =	ssyncset.done $0x0  }
0x6f: {  	s31 =	sshrl.u32 s8, $0x3;
	p0 =	sne.s32 s26, s14;
	[sflag:s15] =	ssyncadd.s32 $0xFFFFE400  }
.Ltmp2:
0x70: {  	s28 =	sor.u32 $0x1C03, s28;
	[bflag:$0x0] =	sbarrier.arrive $0xFFFF;
	(pc) =	sbr.rel @p0 .LBB2_1-.Ltmp2, $4  }
0x71: {  	[hbm:s13], [sflag:s28] =	dma.local [spmem:s31], $0x1400  }
0x72: {  	_ =	swait.ge [sflag:s15], $0x1400  }
0x73: {  	[sflag:s15] =	ssyncset.done $0x0  }
0x74: {  	[sflag:s15] =	ssyncadd.s32 $0xFFFFEC00  }
0x75: {  	_ =	sfence.sel $0x180000  }
0x76: {  	[bflag:$0x0] =	sbarrier.arrive $0xFFFF  }
0x77: {  	p0 =	sne.s32 s1, $0x0;
	_ =	strace $0x9000004D  }
0x78: {  	s0 =	sadd.s32 @!p0 $0x100000, s0;
	[bflag:$0x2] =	sbarrier.arrive $0xFFFF  }
0x79: {  	[sflag:s0] =	ssyncadd.tile.s32 @!p0 $0x1;
	_ =	shalt  }
.Lfunc_end2:
_tile_overlayer_lowered:
.L_overlay_start_2:
0x7a: {  	(tag) =	ssettag $0x2  }
0x7b: {  	s0 =	rddreg [dreg:$0x0];
	s2 =	stileid.u32  }
0x7c: {  	s1 =	rddreg [dreg:$0x1];
	p0 =	sne.s32 s2, $0x0  }
0x7d: {  	s3 =	rddreg [dreg:$0x2];
	[bflag:$0x3] =	sbarrier.arrive $0xFFFF;
	s2 =	simm.s32 @!p0 $0x1C03  }
0x7e: {  	[timem:s3], [sflag:s2] =	dma.local @!p0 [hbm:s0], s1  }
0x7f: {  	s0 =	simm.s32 @!p0 $0x3  }
0x80: {  	_ =	swait.ge @!p0 [sflag:s0], s1  }
0x81: {  	s1 =	ssub.s32 @!p0 $0x0, s1;
	[sflag:s0] =	ssyncset.done @!p0 $0x0  }
0x82: {  	[sflag:s0] =	ssyncadd.s32 @!p0 s1  }
0x83: {  	[bflag:$0x3] =	sbarrier.arrive $0xFFFF  }
0x84: {  	_ =	shalt  }

// kernel: kernel.21.cloned.1.call-start
scs
__scs_entry_jumppad:
0x0: {  	(pc) =	sbr.rel $0x88, $3  }
0x1: {  	(tag) =	ssettag $0x0;
	lr =	simm.s32 $0x1  }
0x2: {  	[smem:$0x3F96] =	sst lr;
	_ =	strace $0xD0000000  }
0x3: {  	_ = 	snop  }
0x4: {  	_ = 	snop  }
0x5: {  	_ = 	snop  }
0x6: {  	_ = 	snop  }
0x7: {  	_ = 	snop  }
__scs_overlays_trampoline_lowered:
0x8: {  	[smem:$0x3FA5] =	sst s0  }
0x9: {  	[smem:$0x3FA6] =	sst s1  }
0xa: {  	[smem:$0x3FA7] =	sst s2  }
0xb: {  	[smem:$0x3FA8] =	sst s3  }
0xc: {  	[smem:$0x3FA9] =	sst s4  }
0xd: {  	[smem:$0x3FAA] =	sst s5  }
0xe: {  	[smem:$0x3FAB] =	sst s6  }
0xf: {  	[smem:$0x3FAC] =	sst s7  }
0x10: {  	[smem:$0x3FAD] =	sst s8  }
0x11: {  	[smem:$0x3FAE] =	sst s9;
	s0 =	simm.s32 @!p0 $0x0  }
0x12: {  	s1 =	sld [smem:$0x3F94];
	s0 =	simm.s32 @p0 $0x1  }
0x13: {  	[smem:$0x3FAF] =	sst s0;
	s0 =	simm.s32 @!p1 $0x0  }
0x14: {  	s2 =	sld [smem:$0x3F93];
	s0 =	simm.s32 @p1 $0x1  }
0x15: {  	[smem:$0x3FB0] =	sst s0;
	s0 =	simm.s32 @!p2 $0x0  }
0x16: {  	s3 =	sld [smem:$0x3FDB];
	s0 =	simm.s32 @p2 $0x1  }
0x17: {  	s4 =	simm.s32 $0x1BF5;
	[smem:$0x3FB2] =	sst s0  }
0x18: {  	s0 =	sld [smem:$0x3F95];
	_ =	swait.ge [sflag:s4], $0x0  }
0x19: {  	s7 =	sld [smem:$0x3F96]  }
0x1a: {  	s8 =	sadd.s32 $0xFFFFE003, lr  }
0x1b: {  	s9 =	sadd.s32 $0xFFFFFEF7, lr;
	s5 =	simm.s32 $0xFFFFFFFF;
	p2 =	slt.u32 s8, $0xFFFFF086  }
0x1c: {  	p1 =	slt.u32 s9, $0xF7A;
	s5 =	simm.s32 @!p2 $0x0  }
0x1d: {  	s5 =	simm.s32 @p1 $0x1;
	p0 =	seq.s32 s7, s2  }
0x1e: {  	s7 =	smul.u32 @!p0 $0xF7A, s2;
	p2 =	seq.s32 @!p0 s5, $0x0  }
0x1f: {  	s9 =	smul.u32 $0xF7A, s1;
	s8 =	simm.s32 @!p0 $0x1BF5;
	p2 =	por !p2, p0  }
0x20: {  	[sflag:s8] =	ssyncset.s32 @!p0 $0xFFFFF086;
	s6 =	sadd.s32 @!p0 s3, s7;
	s7 =	simm.s32 @!p0 $0x108  }
0x21: {  	s3 =	sadd.s32 s3, s9;
	s6 =	sadd.s32 @!p0 $0x88, s6;
	s7 =	simm.s32 @p2 $0x1082  }
0x22: {  	[simem:s7], [sflag:s8] =	dma.local @!p0 [hbm:s6], $0xF7A  }
0x23: {  	s9 =	sor.u32 $0xD0000000, s2;
	s6 =	simm.s32 $0x108;
	_ =	swait.ge @!p0 [sflag:s8], $0x0  }
0x24: {  	s3 =	sadd.s32 $0x88, s3;
	s6 =	simm.s32 @!p1 $0x1082;
	[sflag:s4] =	ssyncset.s32 $0xFFFFF086  }
0x25: {  	[simem:s6], [sflag:s4] =	dma.local [hbm:s3], $0xF7A  }
0x26: {  	[smem:$0x3F96] =	sst s1;
	(tag) =	ssettag s2;
	_ =	strace s9  }
0x27: {  	s1 =	sld [smem:$0x3FA6]  }
0x28: {  	s2 =	sld [smem:$0x3FA7]  }
0x29: {  	s4 =	sld [smem:$0x3FA9]  }
0x2a: {  	p0 =	seq.s32 s5, $0x0;
	s5 =	sld [smem:$0x3FAA]  }
0x2b: {  	s6 =	sld [smem:$0x3FAB]  }
0x2c: {  	s7 =	sld [smem:$0x3FAC]  }
0x2d: {  	s3 =	simm.s32 $0x108;
	s8 =	sld [smem:$0x3FAD]  }
0x2e: {  	s3 =	simm.s32 @!p0 $0x1082;
	s9 =	sld [smem:$0x3FAE]  }
0x2f: {  	lr =	sadd.s32 s0, s3;
	s0 =	sld [smem:$0x3FA5]  }
0x30: {  	s3 =	sld [smem:$0x3FA8]  }
0x31: {  	[smem:$0x3FB1] =	sst s10  }
0x32: {  	s10 =	sld [smem:$0x3FAF];
	_ =	sdelay $0x3  }
0x33: {  	p0 =	seq.s32 s10, $0x1;
	s10 =	sld [smem:$0x3FB1];
	_ =	sdelay $0x3  }
0x34: {  	[smem:$0x3FB1] =	sst s10  }
0x35: {  	s10 =	sld [smem:$0x3FB0];
	_ =	sdelay $0x3  }
0x36: {  	p1 =	seq.s32 s10, $0x1;
	s10 =	sld [smem:$0x3FB1];
	_ =	sdelay $0x3  }
0x37: {  	[smem:$0x3FB1] =	sst s10  }
0x38: {  	s10 =	sld [smem:$0x3FB2]  }
0x39: {  	_ = 	snop;
	(pc) =	sbr.ind lr, $3  }
0x3a: {  	_ = 	snop  }
0x3b: {  	_ = 	snop  }
0x3c: {  	p2 =	seq.s32 s10, $0x1;
	s10 =	sld [smem:$0x3FB1]  }
0x3d: {  	_ =	shalt  }
0x3e: {  	_ =	shalt  }
0x3f: {  	_ =	shalt  }
0x40: {  	_ =	shalt  }
0x41: {  	_ =	shalt  }
0x42: {  	_ =	shalt  }
0x43: {  	_ =	shalt  }
0x44: {  	_ =	shalt  }
0x45: {  	_ =	shalt  }
0x46: {  	_ =	shalt  }
0x47: {  	_ =	shalt  }
0x48: {  	_ =	shalt  }
0x49: {  	_ =	shalt  }
0x4a: {  	_ =	shalt  }
0x4b: {  	_ =	shalt  }
0x4c: {  	_ =	shalt  }
0x4d: {  	_ =	shalt  }
0x4e: {  	_ =	shalt  }
0x4f: {  	_ =	shalt  }
0x50: {  	_ =	shalt  }
0x51: {  	_ =	shalt  }
0x52: {  	_ =	shalt  }
0x53: {  	_ =	shalt  }
0x54: {  	_ =	shalt  }
0x55: {  	_ =	shalt  }
0x56: {  	_ =	shalt  }
0x57: {  	_ =	shalt  }
0x58: {  	_ =	shalt  }
0x59: {  	_ =	shalt  }
0x5a: {  	_ =	shalt  }
0x5b: {  	_ =	shalt  }
0x5c: {  	_ =	shalt  }
0x5d: {  	_ =	shalt  }
0x5e: {  	_ =	shalt  }
0x5f: {  	_ =	shalt  }
0x60: {  	_ =	shalt  }
0x61: {  	_ =	shalt  }
0x62: {  	_ =	shalt  }
0x63: {  	_ =	shalt  }
0x64: {  	_ =	shalt  }
0x65: {  	_ =	shalt  }
0x66: {  	_ =	shalt  }
0x67: {  	_ =	shalt  }
0x68: {  	_ =	shalt  }
0x69: {  	_ =	shalt  }
0x6a: {  	_ =	shalt  }
0x6b: {  	_ =	shalt  }
0x6c: {  	_ =	shalt  }
0x6d: {  	_ =	shalt  }
0x6e: {  	_ =	shalt  }
0x6f: {  	_ =	shalt  }
0x70: {  	_ =	shalt  }
0x71: {  	_ =	shalt  }
0x72: {  	_ =	shalt  }
0x73: {  	_ =	shalt  }
0x74: {  	_ =	shalt  }
0x75: {  	_ =	shalt  }
0x76: {  	_ =	shalt  }
0x77: {  	_ =	shalt  }
0x78: {  	_ =	shalt  }
0x79: {  	_ =	shalt  }
0x7a: {  	_ =	shalt  }
0x7b: {  	_ =	shalt  }
0x7c: {  	_ =	shalt  }
0x7d: {  	_ =	shalt  }
0x7e: {  	_ =	shalt  }
0x7f: {  	_ =	shalt  }
0x80: {  	_ =	shalt  }
0x81: {  	_ =	shalt  }
0x82: {  	_ =	shalt  }
0x83: {  	_ =	shalt  }
0x84: {  	_ =	shalt  }
0x85: {  	_ =	shalt  }
0x86: {  	_ =	shalt  }
0x87: {  	_ =	shalt  }
.Lfunc_end0:
.L_simem_size_0:
called_computation.3_lowered:
.L_overlay_start_0:
0x88: {  	s2 =	sld [smem:$0x3FD9]  }
0x89: {  	s3 =	sld [smem:$0x3FFE];
	_ =	sdelay $0x1  }
0x8a: {  	s1 =	srdreg.scid  }
0x8b: {  	s0 =	sand.u32 $0x1, s1  }
0x8c: {  	s17 =	sshll.u32 s0, $0xA;
	s2 =	sadd.s32 s3, s2  }
0x8d: {  	s2 =	sadd.s32 s2, s17  }
0x8e: {  	[smem:$0x3FBD] =	sst s2  }
0x8f: {  	_ = 	snop  }
0x90: {  	s2 =	sld [smem:$0x3FD0];
	(tm) =	ssettm $0x1  }
0x91: {  	s18 =	sld [smem:$0x3FFB];
	_ =	sdelay $0x3  }
0x92: {  	_ =	strace s18  }
0x93: {  	s3 =	sld [smem:$0x3FFC];
	_ =	sdelay $0x3  }
0x94: {  	_ =	strace s3  }
0x95: {  	s3 =	sld [smem:$0x3FFD];
	_ =	sdelay $0x3  }
0x96: {  	_ =	strace s3  }
0x97: {  	_ =	strace $0x8FFFFFFF  }
0x98: {  	s19 =	sld [smem:$0x3FDB];
	_ =	sdelay $0x1  }
0x99: {  	s4 =	simm.s32 $_scs_section_size  }
0x9a: {  	s5 =	simm.s32 $_size__tile_overlayer_lowered;
	s6 =	simm.s32 $_tile_overlayer_lowered  }
0x9b: {  	s22 =	simm.s32 $0x1BFF;
	s21 =	sshll.u32 s6, $0x1;
	s3 =	sadd.s32 s4, s19  }
0x9c: {  	s7 =	simm.s32 $0x0;
	s20 =	sshll.u32 s5, $0x1;
	s5 =	sadd.s32 s21, s3  }
0x9d: {  	[timem:s7], [sflag:s22] =	dma.local [hbm:s5], s20  }
0x9e: {  	_ =	swait.ge [sflag:s22], s20  }
0x9f: {  	s4 =	ssub.s32 $0x0, s20;
	[sflag:s22] =	ssyncset.done $0x0  }
0xa0: {  	[sflag:s22] =	ssyncadd.s32 s4;
	_ =	sdelay $0x1  }
0xa1: {  	s23 =	simm.s32 $0x1B8B  }
0xa2: {  	_ =	swait.ge [sflag:s23], $0x1  }
0xa3: {  	[sflag:s23] =	ssyncset.done $0x0  }
0xa4: {  	s25 =	simm.s32 $0x1B8E;
	s24 =	sld [smem:$0x3FFE];
	[sflag:s23] =	ssyncadd.s32 $0xFFFFFFFF  }
0xa5: {  	s26 =	simm.s32 $execute0_lowered;
	[smem:$0x3FD2] =	sst s25  }
0xa6: {  	s5 =	sshll.u32 s26, $0x1;
	_ =	strace $0x8000004F;
	[dreg:$0x1] =	wrdreg $0xFFFFFFFF  }
0xa7: {  	s28 =	simm.s32 $_size_execute0_lowered;
	s3 =	sadd.s32 s3, s5;
	[dreg:$0x0] =	wrdreg $0x0  }
0xa8: {  	s5 =	sshll.u32 s28, $0x1;
	[dreg:$0x2] =	wrdreg s3  }
0xa9: {  	[dreg:$0x3] =	wrdreg s5  }
0xaa: {  	[dreg:$0x4] =	wrdreg $0xC0  }
0xab: {  	_ =	task [dreg:s7], $0x5FFFF  }
0xac: {  	[dreg:$0x1] =	wrdreg $0xFFFFFFFF  }
0xad: {  	[dreg:$0x0] =	wrdreg $0x60  }
0xae: {  	[dreg:$0x2] =	wrdreg s24  }
0xaf: {  	[dreg:$0x3] =	wrdreg s2  }
0xb0: {  	[dreg:$0x4] =	wrdreg $0x144400  }
0xb1: {  	[dreg:$0x5] =	wrdreg $0x9  }
0xb2: {  	_ =	task.clear_ibuf [dreg:s7], $0x6FFFF;
	_ =	strace $0x9000004F  }
0xb3: {  	s29 =	simm.s32 $0x9;
	_ =	strace $0x80000051  }
0xb4: {  	_ =	swait.ge [sflag:s29], $0x1  }
0xb5: {  	[sflag:s29] =	ssyncadd.s32 $0xFFFFFFFF  }
0xb6: {  	_ =	strace $0x90000051  }
0xb7: {  	_ =	sfence  }
0xb8: {  	s30 =	sld [smem:$0x0];
	_ =	sdelay $0x2  }
0xb9: {  	s31 =	sshll.u32 s1, $0xD;
	s1 =	sshrl.u32 s1, $0x2  }
0xba: {  	s3 =	sand.u32 $0x4000, s31;
	s1 =	sadd.s32 s1, s30  }
0xbb: {  	s0 =	sor.u32 s3, s0;
	s1 =	sshll.u32 s1, $0x11  }
0xbc: {  	s0 =	sor.u32 s1, s0  }
0xbd: {  	s0 =	sadd.s32 $0x8F2B, s0  }
0xbe: {  	[sflag:s0] =	ssyncadd.remote.s32 $0x1  }
0xbf: {  	_ =	sfence.sel $0xFFFF  }
0xc0: {  	[dreg:$0x0] =	wrdreg $0xFFFFFFFF;
	(pc) =	sbr.abs _section_cstart, $3  }
0xc1: {  	[dreg:$0x1] =	wrdreg $0xFFFFFFFF  }
0xc2: {  	_ =	task.clear_ibuf [dreg:s7], $0x2FFFF;
	_ =	strace $0x9FFFFFFF  }
0xc3: {  	(tm) =	ssettm $0x7FFFFFFF  }
tec
execute0_lowered:
.L_overlay_start_1:
0x0: {  	(tag) =	ssettag $0x1  }
0x1: {  	s5 =	rddreg [dreg:$0x0]  }
0x2: {  	s6 =	rddreg [dreg:$0x1]  }
0x3: {  	s2 =	rddreg [dreg:$0x2]  }
0x4: {  	s0 =	rddreg [dreg:$0x3];
	s1 =	stileid.u32  }
0x5: {  	s4 =	srdreg.scid;
	s3 =	simm.s32 $0x0;
	s16 =	simm.s32 $0x4EC0  }
0x6: {  	s17 =	simm.s32 $0x9D80;
	s18 =	simm.s32 $0x12440;
	s19 =	simm.s32 $0x70  }
0x7: {  	s20 =	simm.s32 $0xEC40;
	s21 =	simm.s32 $0x10840;
	s22 =	simm.s32 $0x1  }
0x8: {  	s23 =	simm.s32 $0x2;
	s24 =	simm.s32 $0x9CA0;
	s7 =	smul.u32 $0x4EC0, s1  }
0x9: {  	s25 =	simm.s32 $0x9D10;
	s26 =	simm.s32 $0x0;
	s9 =	smul.u32 $0xA000, s1  }
0xa: {  	s8 =	sand.u32 $0x1, s4;
	[smem:$0x7FF] =	sst s3;
	s29 =	smul.u32 $0x28000, s1  }
0xb: {  	s4 =	sadd.s32 $0x17400, s5;
	s10 =	smul.u32 $0xA0000, s8;
	_ =	strace $0x80000050  }
0xc: {  	s12 =	smul.u32 $0x4EC00, s8;
	s8 =	ssub.s32 $0x2, s8;
	s11 =	sshrl.u32 s7, $0x3  }
0xd: {  	s13 =	sshrl.u32 s8, $0x1;
	s31 =	sshrl.u32 s29, $0x2;
	s10 =	sadd.s32 s9, s10  }
0xe: {  	s11 =	sadd.s32 s11, s5;
	s7 =	sadd.s32 s7, s12;
	s15 =	ssub.s32 s8, s13  }
0xf: {  	s8 =	sadd.s32 s9, s2;
	s12 =	sadd.s32 s31, s2;
	s10 =	sshrl.u32 s10, $0x3  }
0x10: {  	s30 =	sshrl.u32 s7, $0x3;
	s7 =	sadd.s32 $0xD600, s11;
	s9 =	sadd.s32 $0x2000, s12  }
0x11: {  	s14 =	sadd.s32 s10, s5;
	s5 =	sadd.s32 s6, s30;
	s6 =	sadd.s32 $0x3800, s11  }
0x12: {  	s10 =	sadd.s32 $0x4000, s12;
	s11 =	sadd.s32 $0x6000, s12;
	s12 =	sadd.s32 $0x8000, s12  }
0x13: {  	v0 =	vimm.f32 $0.0e+00;
	s13 =	sadd.s32 $0x3F400, s14;
	s14 =	smax.u32 s15, $0x1;
	s15 =	simm.s32 $0x3  }
.LBB2_1:
0x14: {  	[tilespmem:s3], [sflag:$0x3] =	stream.linear.gather [hbm4b:s5+s3], $0x4EC0, $0x38;
	[tilespmem:$0x1E440] =	vst v63  }
0x15: {  	_ =	swait.ge [sflag:s15], $0x4EC0  }
0x16: {  	[sflag:s15] =	ssyncset.done $0x0  }
0x17: {  	[sflag:s15] =	ssyncadd.s32 $0xFFFFB140  }
0x18: {  	[tilespmem:s16], [sflag:$0x3] =	stream.linear.gather [hbm4b:s6+s3], $0x4EC0, $0x38;
	[tilespmem:$0x1E440] =	vst v63  }
0x19: {  	_ =	swait.ge [sflag:s15], $0x4EC0  }
0x1a: {  	[sflag:s15] =	ssyncset.done $0x0  }
0x1b: {  	[sflag:s15] =	ssyncadd.s32 $0xFFFFB140  }
0x1c: {  	[tilespmem:s17], [sflag:$0x3] =	stream.linear.gather [hbm4b:s7+s3], $0x4EC0, $0x38;
	[tilespmem:$0x1E440] =	vst v63  }
0x1d: {  	_ =	swait.ge [sflag:s15], $0x4EC0  }
0x1e: {  	[sflag:s15] =	ssyncset.done $0x0  }
0x1f: {  	s29 =	simm.s32 $0x100;
	s28 =	simm.s32 $0x0;
	[sflag:s15] =	ssyncadd.s32 $0xFFFFB140  }
.LBB2_2:
0x20: {  	p0 =	sne.s32 s29, $0x7F00;
	[tilespmem:s28+$0x12470] =	vst v0;
	s30 =	smov.u32 s29;
	s29 =	sadd.s32 $0x100, s29  }
.Ltmp0:
0x21: {  	[tilespmem:s28+$0x12460] =	vst v0;
	(pc) =	sbr.rel @p0 .LBB2_2-.Ltmp0, $3  }
0x22: {  	[tilespmem:s28+$0x12440] =	vst v0  }
0x23: {  	[tilespmem:s28+$0x12450] =	vst v0;
	_ =	sdelay $0x1  }
0x24: {  	s28 =	sshra.s32 s30, $0x2  }
0x25: {  	[tilespmem:s28+$0x12470] =	vst v0  }
0x26: {  	[tilespmem:s28+$0x12460] =	vst v0  }
0x27: {  	[tilespmem:s28+$0x12440] =	vst v0  }
0x28: {  	[tilespmem:s28+$0x12450] =	vst v0  }
0x29: {  	[spmem:s8] =	stream.linear.scatter [tilespmem:s18], [sflag:$0x3], $0x2000, $0x38;
	[tilespmem:$0x1E440] =	vst v63  }
0x2a: {  	_ =	swait.ge [sflag:s15], $0x2000  }
0x2b: {  	[sflag:s15] =	ssyncset.done $0x0  }
0x2c: {  	[sflag:s15] =	ssyncadd.s32 $0xFFFFE000  }
0x2d: {  	[spmem:s9] =	stream.linear.scatter [tilespmem:s18], [sflag:$0x3], $0x2000, $0x38;
	[tilespmem:$0x1E440] =	vst v63  }
0x2e: {  	_ =	swait.ge [sflag:s15], $0x2000  }
0x2f: {  	[sflag:s15] =	ssyncset.done $0x0  }
0x30: {  	[sflag:s15] =	ssyncadd.s32 $0xFFFFE000  }
0x31: {  	[spmem:s10] =	stream.linear.scatter [tilespmem:s18], [sflag:$0x3], $0x2000, $0x38;
	[tilespmem:$0x1E440] =	vst v63  }
0x32: {  	_ =	swait.ge [sflag:s15], $0x2000  }
0x33: {  	[sflag:s15] =	ssyncset.done $0x0  }
0x34: {  	[sflag:s15] =	ssyncadd.s32 $0xFFFFE000  }
0x35: {  	[spmem:s11] =	stream.linear.scatter [tilespmem:s18], [sflag:$0x3], $0x2000, $0x38;
	[tilespmem:$0x1E440] =	vst v63  }
0x36: {  	_ =	swait.ge [sflag:s15], $0x2000  }
0x37: {  	[sflag:s15] =	ssyncset.done $0x0  }
0x38: {  	[sflag:s15] =	ssyncadd.s32 $0xFFFFE000  }
0x39: {  	[spmem:s12] =	stream.linear.scatter [tilespmem:s18], [sflag:$0x3], $0x2000, $0x38;
	[tilespmem:$0x1E440] =	vst v63  }
0x3a: {  	_ =	swait.ge [sflag:s15], $0x2000  }
0x3b: {  	[sflag:s15] =	ssyncset.done $0x0  }
0x3c: {  	[sflag:s15] =	ssyncadd.s32 $0xFFFFE000  }
0x3d: {  	s28 =	simm.s32 $0x0;
	[bflag:$0x0] =	sbarrier.arrive $0xFFFF  }
0x3e: {  	[tilespmem:s20], [sflag:$0x1] =	stream.indirect.gather [hbm4b:s4+s19], $0x40, s28, s19, $0xb8;
	[tilespmem:$0x1E440] =	vst v63  }
0x3f: {  	_ = 	snop  }
0x40: {  	[tilespmem:s21], [sflag:$0x2] =	stream.indirect.gather [hbm4b:s4+s19], $0x40, s19, s19, $0xb8;
	[tilespmem:$0x1E440] =	vst v63  }
0x41: {  	_ =	swait.ge [sflag:s22], $0x1C00  }
0x42: {  	[sflag:s22] =	ssyncset.done $0x0  }
0x43: {  	s28 =	simm.s32 $0x4EC0;
	[sflag:s22] =	ssyncadd.s32 $0xFFFFE400  }
0x44: {  	[spmem:s2] =	stream.indirect.scatter.add.f32 [tilespmem:s20], [sflag:$0x3], $0x40, s28, s19, $0xb8;
	[tilespmem:$0x1E440] =	vst v63  }
0x45: {  	_ =	swait.ge [sflag:s15], $0x1C00  }
0x46: {  	[sflag:s15] =	ssyncset.done $0x0  }
0x47: {  	s28 =	simm.s32 $0xE0;
	[sflag:s15] =	ssyncadd.s32 $0xFFFFE400  }
0x48: {  	[tilespmem:s20], [sflag:$0x1] =	stream.indirect.gather [hbm4b:s4+s19], $0x40, s28, s19, $0xb8;
	[tilespmem:$0x1E440] =	vst v63  }
0x49: {  	_ =	swait.ge [sflag:s23], $0x1C00  }
0x4a: {  	[sflag:s23] =	ssyncset.done $0x0  }
0x4b: {  	s28 =	simm.s32 $0x4F30;
	[sflag:s23] =	ssyncadd.s32 $0xFFFFE400  }
0x4c: {  	[spmem:s2] =	stream.indirect.scatter.add.f32 [tilespmem:s21], [sflag:$0x3], $0x40, s28, s19, $0xb8;
	[tilespmem:$0x1E440] =	vst v63  }
0x4d: {  	_ =	swait.ge [sflag:s15], $0x1C00  }
0x4e: {  	[sflag:s15] =	ssyncset.done $0x0  }
0x4f: {  	s29 =	simm.s32 $0x150;
	s28 =	simm.s32 $0x380;
	[sflag:s15] =	ssyncadd.s32 $0xFFFFE400  }
.LBB2_4:
0x50: {  	[tilespmem:s21], [sflag:$0x2] =	stream.indirect.gather [hbm4b:s4+s19], $0x40, s29, s19, $0xb8;
	[tilespmem:$0x1E440] =	vst v63  }
0x51: {  	s29 =	smov.u32 s28  }
0x52: {  	p0 =	sne.s32 s28, $0x13400;
	s28 =	sadd.s32 $0x380, s28;
	_ =	swait.ge [sflag:s22], $0x1C00  }
0x53: {  	s29 =	sshra.s32 s29, $0x2;
	[sflag:s22] =	ssyncset.done $0x0  }
0x54: {  	s30 =	sadd.s32 $0x4EC0, s29;
	[sflag:s22] =	ssyncadd.s32 $0xFFFFE400  }
0x55: {  	[spmem:s2] =	stream.indirect.scatter.add.f32 [tilespmem:s20], [sflag:$0x3], $0x40, s30, s19, $0xb8;
	[tilespmem:$0x1E440] =	vst v63  }
0x56: {  	_ =	swait.ge [sflag:s15], $0x1C00  }
0x57: {  	[sflag:s15] =	ssyncset.done $0x0  }
0x58: {  	s30 =	sadd.s32 $0xE0, s29;
	[sflag:s15] =	ssyncadd.s32 $0xFFFFE400  }
0x59: {  	[tilespmem:s20], [sflag:$0x1] =	stream.indirect.gather [hbm4b:s4+s19], $0x40, s30, s19, $0xb8;
	[tilespmem:$0x1E440] =	vst v63  }
0x5a: {  	_ =	swait.ge [sflag:s23], $0x1C00  }
0x5b: {  	[sflag:s23] =	ssyncset.done $0x0  }
.Ltmp1:
0x5c: {  	s30 =	sadd.s32 $0x4F30, s29;
	[sflag:s23] =	ssyncadd.s32 $0xFFFFE400;
	(pc) =	sbr.rel @p0 .LBB2_4-.Ltmp1, $4  }
0x5d: {  	[spmem:s2] =	stream.indirect.scatter.add.f32 [tilespmem:s21], [sflag:$0x3], $0x40, s30, s19, $0xb8;
	[tilespmem:$0x1E440] =	vst v63  }
0x5e: {  	_ =	swait.ge [sflag:s15], $0x1C00  }
0x5f: {  	[sflag:s15] =	ssyncset.done $0x0  }
0x60: {  	s29 =	sadd.s32 $0x150, s29;
	[sflag:s15] =	ssyncadd.s32 $0xFFFFE400  }
0x61: {  	[tilespmem:s21], [sflag:$0x2] =	stream.indirect.gather [hbm4b:s4+s19], $0x40, s29, s19, $0xb8;
	[tilespmem:$0x1E440] =	vst v63  }
0x62: {  	_ =	swait.ge [sflag:s22], $0x1C00  }
0x63: {  	[sflag:s22] =	ssyncset.done $0x0  }
0x64: {  	[sflag:s22] =	ssyncadd.s32 $0xFFFFE400  }
0x65: {  	[spmem:s2] =	stream.indirect.scatter.add.f32 [tilespmem:s20], [sflag:$0x3], $0x40, s24, s19, $0xb8;
	[tilespmem:$0x1E440] =	vst v63  }
0x66: {  	_ =	swait.ge [sflag:s15], $0x1C00  }
0x67: {  	[sflag:s15] =	ssyncset.done $0x0  }
0x68: {  	[sflag:s15] =	ssyncadd.s32 $0xFFFFE400  }
0x69: {  	_ =	swait.ge [sflag:s23], $0x1C00  }
0x6a: {  	[sflag:s23] =	ssyncset.done $0x0  }
0x6b: {  	[sflag:s23] =	ssyncadd.s32 $0xFFFFE400  }
0x6c: {  	[spmem:s2] =	stream.indirect.scatter.add.f32 [tilespmem:s21], [sflag:$0x3], $0x40, s25, s19, $0xb8;
	[tilespmem:$0x1E440] =	vst v63  }
0x6d: {  	_ =	swait.ge [sflag:s15], $0x1C00  }
0x6e: {  	s28 =	sshll.u32 s1, $0x6;
	s26 =	sadd.s32 $0x1, s26;
	[sflag:s15] =	ssyncset.done $0x0  }
0x6f: {  	s31 =	sshrl.u32 s8, $0x3;
	p0 =	sne.s32 s26, s14;
	[sflag:s15] =	ssyncadd.s32 $0xFFFFE400  }
.Ltmp2:
0x70: {  	s28 =	sor.u32 $0x1C03, s28;
	[bflag:$0x0] =	sbarrier.arrive $0xFFFF;
	(pc) =	sbr.rel @p0 .LBB2_1-.Ltmp2, $4  }
0x71: {  	[hbm:s13], [sflag:s28] =	dma.local [spmem:s31], $0x1400  }
0x72: {  	_ =	swait.ge [sflag:s15], $0x1400  }
0x73: {  	[sflag:s15] =	ssyncset.done $0x0  }
0x74: {  	[sflag:s15] =	ssyncadd.s32 $0xFFFFEC00  }
0x75: {  	_ =	sfence.sel $0x180000  }
0x76: {  	[bflag:$0x0] =	sbarrier.arrive $0xFFFF  }
0x77: {  	p0 =	sne.s32 s1, $0x0;
	_ =	strace $0x90000050  }
0x78: {  	s0 =	sadd.s32 @!p0 $0x100000, s0;
	[bflag:$0x2] =	sbarrier.arrive $0xFFFF  }
0x79: {  	[sflag:s0] =	ssyncadd.tile.s32 @!p0 $0x1;
	_ =	shalt  }
.Lfunc_end2:
_tile_overlayer_lowered:
.L_overlay_start_2:
0x7a: {  	(tag) =	ssettag $0x2  }
0x7b: {  	s0 =	rddreg [dreg:$0x0];
	s2 =	stileid.u32  }
0x7c: {  	s1 =	rddreg [dreg:$0x1];
	p0 =	sne.s32 s2, $0x0  }
0x7d: {  	s3 =	rddreg [dreg:$0x2];
	[bflag:$0x3] =	sbarrier.arrive $0xFFFF;
	s2 =	simm.s32 @!p0 $0x1C03  }
0x7e: {  	[timem:s3], [sflag:s2] =	dma.local @!p0 [hbm:s0], s1  }
0x7f: {  	s0 =	simm.s32 @!p0 $0x3  }
0x80: {  	_ =	swait.ge @!p0 [sflag:s0], s1  }
0x81: {  	s1 =	ssub.s32 @!p0 $0x0, s1;
	[sflag:s0] =	ssyncset.done @!p0 $0x0  }
0x82: {  	[sflag:s0] =	ssyncadd.s32 @!p0 s1  }
0x83: {  	[bflag:$0x3] =	sbarrier.arrive $0xFFFF  }
0x84: {  	_ =	shalt  }

// kernel: kernel.24.cloned.1.call-start
scs
__scs_entry_jumppad:
0x0: {  	(pc) =	sbr.rel $0x88, $3  }
0x1: {  	(tag) =	ssettag $0x0;
	lr =	simm.s32 $0x1  }
0x2: {  	[smem:$0x3F96] =	sst lr;
	_ =	strace $0xD0000000  }
0x3: {  	_ = 	snop  }
0x4: {  	_ = 	snop  }
0x5: {  	_ = 	snop  }
0x6: {  	_ = 	snop  }
0x7: {  	_ = 	snop  }
__scs_overlays_trampoline_lowered:
0x8: {  	[smem:$0x3FA5] =	sst s0  }
0x9: {  	[smem:$0x3FA6] =	sst s1  }
0xa: {  	[smem:$0x3FA7] =	sst s2  }
0xb: {  	[smem:$0x3FA8] =	sst s3  }
0xc: {  	[smem:$0x3FA9] =	sst s4  }
0xd: {  	[smem:$0x3FAA] =	sst s5  }
0xe: {  	[smem:$0x3FAB] =	sst s6  }
0xf: {  	[smem:$0x3FAC] =	sst s7  }
0x10: {  	[smem:$0x3FAD] =	sst s8  }
0x11: {  	[smem:$0x3FAE] =	sst s9;
	s0 =	simm.s32 @!p0 $0x0  }
0x12: {  	s1 =	sld [smem:$0x3F94];
	s0 =	simm.s32 @p0 $0x1  }
0x13: {  	[smem:$0x3FAF] =	sst s0;
	s0 =	simm.s32 @!p1 $0x0  }
0x14: {  	s2 =	sld [smem:$0x3F93];
	s0 =	simm.s32 @p1 $0x1  }
0x15: {  	[smem:$0x3FB0] =	sst s0;
	s0 =	simm.s32 @!p2 $0x0  }
0x16: {  	s3 =	sld [smem:$0x3FDB];
	s0 =	simm.s32 @p2 $0x1  }
0x17: {  	s4 =	simm.s32 $0x1BF5;
	[smem:$0x3FB2] =	sst s0  }
0x18: {  	s0 =	sld [smem:$0x3F95];
	_ =	swait.ge [sflag:s4], $0x0  }
0x19: {  	s7 =	sld [smem:$0x3F96]  }
0x1a: {  	s8 =	sadd.s32 $0xFFFFE003, lr  }
0x1b: {  	s9 =	sadd.s32 $0xFFFFFEF7, lr;
	s5 =	simm.s32 $0xFFFFFFFF;
	p2 =	slt.u32 s8, $0xFFFFF086  }
0x1c: {  	p1 =	slt.u32 s9, $0xF7A;
	s5 =	simm.s32 @!p2 $0x0  }
0x1d: {  	s5 =	simm.s32 @p1 $0x1;
	p0 =	seq.s32 s7, s2  }
0x1e: {  	s7 =	smul.u32 @!p0 $0xF7A, s2;
	p2 =	seq.s32 @!p0 s5, $0x0  }
0x1f: {  	s9 =	smul.u32 $0xF7A, s1;
	s8 =	simm.s32 @!p0 $0x1BF5;
	p2 =	por !p2, p0  }
0x20: {  	[sflag:s8] =	ssyncset.s32 @!p0 $0xFFFFF086;
	s6 =	sadd.s32 @!p0 s3, s7;
	s7 =	simm.s32 @!p0 $0x108  }
0x21: {  	s3 =	sadd.s32 s3, s9;
	s6 =	sadd.s32 @!p0 $0x88, s6;
	s7 =	simm.s32 @p2 $0x1082  }
0x22: {  	[simem:s7], [sflag:s8] =	dma.local @!p0 [hbm:s6], $0xF7A  }
0x23: {  	s9 =	sor.u32 $0xD0000000, s2;
	s6 =	simm.s32 $0x108;
	_ =	swait.ge @!p0 [sflag:s8], $0x0  }
0x24: {  	s3 =	sadd.s32 $0x88, s3;
	s6 =	simm.s32 @!p1 $0x1082;
	[sflag:s4] =	ssyncset.s32 $0xFFFFF086  }
0x25: {  	[simem:s6], [sflag:s4] =	dma.local [hbm:s3], $0xF7A  }
0x26: {  	[smem:$0x3F96] =	sst s1;
	(tag) =	ssettag s2;
	_ =	strace s9  }
0x27: {  	s1 =	sld [smem:$0x3FA6]  }
0x28: {  	s2 =	sld [smem:$0x3FA7]  }
0x29: {  	s4 =	sld [smem:$0x3FA9]  }
0x2a: {  	p0 =	seq.s32 s5, $0x0;
	s5 =	sld [smem:$0x3FAA]  }
0x2b: {  	s6 =	sld [smem:$0x3FAB]  }
0x2c: {  	s7 =	sld [smem:$0x3FAC]  }
0x2d: {  	s3 =	simm.s32 $0x108;
	s8 =	sld [smem:$0x3FAD]  }
0x2e: {  	s3 =	simm.s32 @!p0 $0x1082;
	s9 =	sld [smem:$0x3FAE]  }
0x2f: {  	lr =	sadd.s32 s0, s3;
	s0 =	sld [smem:$0x3FA5]  }
0x30: {  	s3 =	sld [smem:$0x3FA8]  }
0x31: {  	[smem:$0x3FB1] =	sst s10  }
0x32: {  	s10 =	sld [smem:$0x3FAF];
	_ =	sdelay $0x3  }
0x33: {  	p0 =	seq.s32 s10, $0x1;
	s10 =	sld [smem:$0x3FB1];
	_ =	sdelay $0x3  }
0x34: {  	[smem:$0x3FB1] =	sst s10  }
0x35: {  	s10 =	sld [smem:$0x3FB0];
	_ =	sdelay $0x3  }
0x36: {  	p1 =	seq.s32 s10, $0x1;
	s10 =	sld [smem:$0x3FB1];
	_ =	sdelay $0x3  }
0x37: {  	[smem:$0x3FB1] =	sst s10  }
0x38: {  	s10 =	sld [smem:$0x3FB2]  }
0x39: {  	_ = 	snop;
	(pc) =	sbr.ind lr, $3  }
0x3a: {  	_ = 	snop  }
0x3b: {  	_ = 	snop  }
0x3c: {  	p2 =	seq.s32 s10, $0x1;
	s10 =	sld [smem:$0x3FB1]  }
0x3d: {  	_ =	shalt  }
0x3e: {  	_ =	shalt  }
0x3f: {  	_ =	shalt  }
0x40: {  	_ =	shalt  }
0x41: {  	_ =	shalt  }
0x42: {  	_ =	shalt  }
0x43: {  	_ =	shalt  }
0x44: {  	_ =	shalt  }
0x45: {  	_ =	shalt  }
0x46: {  	_ =	shalt  }
0x47: {  	_ =	shalt  }
0x48: {  	_ =	shalt  }
0x49: {  	_ =	shalt  }
0x4a: {  	_ =	shalt  }
0x4b: {  	_ =	shalt  }
0x4c: {  	_ =	shalt  }
0x4d: {  	_ =	shalt  }
0x4e: {  	_ =	shalt  }
0x4f: {  	_ =	shalt  }
0x50: {  	_ =	shalt  }
0x51: {  	_ =	shalt  }
0x52: {  	_ =	shalt  }
0x53: {  	_ =	shalt  }
0x54: {  	_ =	shalt  }
0x55: {  	_ =	shalt  }
0x56: {  	_ =	shalt  }
0x57: {  	_ =	shalt  }
0x58: {  	_ =	shalt  }
0x59: {  	_ =	shalt  }
0x5a: {  	_ =	shalt  }
0x5b: {  	_ =	shalt  }
0x5c: {  	_ =	shalt  }
0x5d: {  	_ =	shalt  }
0x5e: {  	_ =	shalt  }
0x5f: {  	_ =	shalt  }
0x60: {  	_ =	shalt  }
0x61: {  	_ =	shalt  }
0x62: {  	_ =	shalt  }
0x63: {  	_ =	shalt  }
0x64: {  	_ =	shalt  }
0x65: {  	_ =	shalt  }
0x66: {  	_ =	shalt  }
0x67: {  	_ =	shalt  }
0x68: {  	_ =	shalt  }
0x69: {  	_ =	shalt  }
0x6a: {  	_ =	shalt  }
0x6b: {  	_ =	shalt  }
0x6c: {  	_ =	shalt  }
0x6d: {  	_ =	shalt  }
0x6e: {  	_ =	shalt  }
0x6f: {  	_ =	shalt  }
0x70: {  	_ =	shalt  }
0x71: {  	_ =	shalt  }
0x72: {  	_ =	shalt  }
0x73: {  	_ =	shalt  }
0x74: {  	_ =	shalt  }
0x75: {  	_ =	shalt  }
0x76: {  	_ =	shalt  }
0x77: {  	_ =	shalt  }
0x78: {  	_ =	shalt  }
0x79: {  	_ =	shalt  }
0x7a: {  	_ =	shalt  }
0x7b: {  	_ =	shalt  }
0x7c: {  	_ =	shalt  }
0x7d: {  	_ =	shalt  }
0x7e: {  	_ =	shalt  }
0x7f: {  	_ =	shalt  }
0x80: {  	_ =	shalt  }
0x81: {  	_ =	shalt  }
0x82: {  	_ =	shalt  }
0x83: {  	_ =	shalt  }
0x84: {  	_ =	shalt  }
0x85: {  	_ =	shalt  }
0x86: {  	_ =	shalt  }
0x87: {  	_ =	shalt  }
.Lfunc_end0:
.L_simem_size_0:
called_computation.4_lowered:
.L_overlay_start_0:
0x88: {  	s2 =	sld [smem:$0x3FD9]  }
0x89: {  	s3 =	sld [smem:$0x3FFE];
	_ =	sdelay $0x1  }
0x8a: {  	s1 =	srdreg.scid  }
0x8b: {  	s0 =	sand.u32 $0x1, s1  }
0x8c: {  	s17 =	sshll.u32 s0, $0xA;
	s2 =	sadd.s32 s3, s2  }
0x8d: {  	s2 =	sadd.s32 s2, s17  }
0x8e: {  	[smem:$0x3FBD] =	sst s2  }
0x8f: {  	_ = 	snop  }
0x90: {  	s2 =	sld [smem:$0x3FD0];
	(tm) =	ssettm $0x1  }
0x91: {  	s18 =	sld [smem:$0x3FFB];
	_ =	sdelay $0x3  }
0x92: {  	_ =	strace s18  }
0x93: {  	s3 =	sld [smem:$0x3FFC];
	_ =	sdelay $0x3  }
0x94: {  	_ =	strace s3  }
0x95: {  	s3 =	sld [smem:$0x3FFD];
	_ =	sdelay $0x3  }
0x96: {  	_ =	strace s3  }
0x97: {  	_ =	strace $0x8FFFFFFF  }
0x98: {  	s19 =	sld [smem:$0x3FDB];
	_ =	sdelay $0x1  }
0x99: {  	s4 =	simm.s32 $_scs_section_size  }
0x9a: {  	s5 =	simm.s32 $_size__tile_overlayer_lowered;
	s6 =	simm.s32 $_tile_overlayer_lowered  }
0x9b: {  	s22 =	simm.s32 $0x1BFF;
	s21 =	sshll.u32 s6, $0x1;
	s3 =	sadd.s32 s4, s19  }
0x9c: {  	s7 =	simm.s32 $0x0;
	s20 =	sshll.u32 s5, $0x1;
	s5 =	sadd.s32 s21, s3  }
0x9d: {  	[timem:s7], [sflag:s22] =	dma.local [hbm:s5], s20  }
0x9e: {  	_ =	swait.ge [sflag:s22], s20  }
0x9f: {  	s4 =	ssub.s32 $0x0, s20;
	[sflag:s22] =	ssyncset.done $0x0  }
0xa0: {  	[sflag:s22] =	ssyncadd.s32 s4;
	_ =	sdelay $0x1  }
0xa1: {  	s23 =	simm.s32 $0x1B8B  }
0xa2: {  	_ =	swait.ge [sflag:s23], $0x1  }
0xa3: {  	[sflag:s23] =	ssyncset.done $0x0  }
0xa4: {  	s25 =	simm.s32 $0x1B8E;
	s24 =	sld [smem:$0x3FFE];
	[sflag:s23] =	ssyncadd.s32 $0xFFFFFFFF  }
0xa5: {  	s26 =	simm.s32 $execute0_lowered;
	[smem:$0x3FD2] =	sst s25  }
0xa6: {  	s5 =	sshll.u32 s26, $0x1;
	_ =	strace $0x80000052;
	[dreg:$0x1] =	wrdreg $0xFFFFFFFF  }
0xa7: {  	s28 =	simm.s32 $_size_execute0_lowered;
	s3 =	sadd.s32 s3, s5;
	[dreg:$0x0] =	wrdreg $0x0  }
0xa8: {  	s5 =	sshll.u32 s28, $0x1;
	[dreg:$0x2] =	wrdreg s3  }
0xa9: {  	[dreg:$0x3] =	wrdreg s5  }
0xaa: {  	[dreg:$0x4] =	wrdreg $0xC0  }
0xab: {  	_ =	task [dreg:s7], $0x5FFFF  }
0xac: {  	[dreg:$0x1] =	wrdreg $0xFFFFFFFF  }
0xad: {  	[dreg:$0x0] =	wrdreg $0x60  }
0xae: {  	[dreg:$0x2] =	wrdreg s24  }
0xaf: {  	[dreg:$0x3] =	wrdreg s2  }
0xb0: {  	[dreg:$0x4] =	wrdreg $0x144400  }
0xb1: {  	[dreg:$0x5] =	wrdreg $0x9  }
0xb2: {  	_ =	task.clear_ibuf [dreg:s7], $0x6FFFF;
	_ =	strace $0x90000052  }
0xb3: {  	s29 =	simm.s32 $0x9;
	_ =	strace $0x80000054  }
0xb4: {  	_ =	swait.ge [sflag:s29], $0x1  }
0xb5: {  	[sflag:s29] =	ssyncadd.s32 $0xFFFFFFFF  }
0xb6: {  	_ =	strace $0x90000054  }
0xb7: {  	_ =	sfence  }
0xb8: {  	s30 =	sld [smem:$0x0];
	_ =	sdelay $0x2  }
0xb9: {  	s31 =	sshll.u32 s1, $0xD;
	s1 =	sshrl.u32 s1, $0x2  }
0xba: {  	s3 =	sand.u32 $0x4000, s31;
	s1 =	sadd.s32 s1, s30  }
0xbb: {  	s0 =	sor.u32 s3, s0;
	s1 =	sshll.u32 s1, $0x11  }
0xbc: {  	s0 =	sor.u32 s1, s0  }
0xbd: {  	s0 =	sadd.s32 $0x8F2B, s0  }
0xbe: {  	[sflag:s0] =	ssyncadd.remote.s32 $0x1  }
0xbf: {  	_ =	sfence.sel $0xFFFF  }
0xc0: {  	[dreg:$0x0] =	wrdreg $0xFFFFFFFF;
	(pc) =	sbr.abs _section_cstart, $3  }
0xc1: {  	[dreg:$0x1] =	wrdreg $0xFFFFFFFF  }
0xc2: {  	_ =	task.clear_ibuf [dreg:s7], $0x2FFFF;
	_ =	strace $0x9FFFFFFF  }
0xc3: {  	(tm) =	ssettm $0x7FFFFFFF  }
tec
execute0_lowered:
.L_overlay_start_1:
0x0: {  	(tag) =	ssettag $0x1  }
0x1: {  	s5 =	rddreg [dreg:$0x0]  }
0x2: {  	s6 =	rddreg [dreg:$0x1]  }
0x3: {  	s2 =	rddreg [dreg:$0x2]  }
0x4: {  	s0 =	rddreg [dreg:$0x3];
	s1 =	stileid.u32  }
0x5: {  	s4 =	srdreg.scid;
	s3 =	simm.s32 $0x0;
	s16 =	simm.s32 $0x4EC0  }
0x6: {  	s17 =	simm.s32 $0x9D80;
	s18 =	simm.s32 $0x12440;
	s19 =	simm.s32 $0x70  }
0x7: {  	s20 =	simm.s32 $0xEC40;
	s21 =	simm.s32 $0x10840;
	s22 =	simm.s32 $0x1  }
0x8: {  	s23 =	simm.s32 $0x2;
	s24 =	simm.s32 $0x9CA0;
	s7 =	smul.u32 $0x4EC0, s1  }
0x9: {  	s25 =	simm.s32 $0x9D10;
	s26 =	simm.s32 $0x0;
	s9 =	smul.u32 $0xA000, s1  }
0xa: {  	s8 =	sand.u32 $0x1, s4;
	[smem:$0x7FF] =	sst s3;
	s29 =	smul.u32 $0x28000, s1  }
0xb: {  	s4 =	sadd.s32 $0x17400, s5;
	s10 =	smul.u32 $0xA0000, s8;
	_ =	strace $0x80000053  }
0xc: {  	s12 =	smul.u32 $0x4EC00, s8;
	s8 =	ssub.s32 $0x2, s8;
	s11 =	sshrl.u32 s7, $0x3  }
0xd: {  	s13 =	sshrl.u32 s8, $0x1;
	s31 =	sshrl.u32 s29, $0x2;
	s10 =	sadd.s32 s9, s10  }
0xe: {  	s11 =	sadd.s32 s11, s5;
	s7 =	sadd.s32 s7, s12;
	s15 =	ssub.s32 s8, s13  }
0xf: {  	s8 =	sadd.s32 s9, s2;
	s12 =	sadd.s32 s31, s2;
	s10 =	sshrl.u32 s10, $0x3  }
0x10: {  	s30 =	sshrl.u32 s7, $0x3;
	s7 =	sadd.s32 $0xD600, s11;
	s9 =	sadd.s32 $0x2000, s12  }
0x11: {  	s14 =	sadd.s32 s10, s5;
	s5 =	sadd.s32 s6, s30;
	s6 =	sadd.s32 $0x3800, s11  }
0x12: {  	s10 =	sadd.s32 $0x4000, s12;
	s11 =	sadd.s32 $0x6000, s12;
	s12 =	sadd.s32 $0x8000, s12  }
0x13: {  	v0 =	vimm.f32 $0.0e+00;
	s13 =	sadd.s32 $0x3F400, s14;
	s14 =	smax.u32 s15, $0x1;
	s15 =	simm.s32 $0x3  }
.LBB2_1:
0x14: {  	[tilespmem:s3], [sflag:$0x3] =	stream.linear.gather [hbm4b:s5+s3], $0x4EC0, $0x38;
	[tilespmem:$0x1E440] =	vst v63  }
0x15: {  	_ =	swait.ge [sflag:s15], $0x4EC0  }
0x16: {  	[sflag:s15] =	ssyncset.done $0x0  }
0x17: {  	[sflag:s15] =	ssyncadd.s32 $0xFFFFB140  }
0x18: {  	[tilespmem:s16], [sflag:$0x3] =	stream.linear.gather [hbm4b:s6+s3], $0x4EC0, $0x38;
	[tilespmem:$0x1E440] =	vst v63  }
0x19: {  	_ =	swait.ge [sflag:s15], $0x4EC0  }
0x1a: {  	[sflag:s15] =	ssyncset.done $0x0  }
0x1b: {  	[sflag:s15] =	ssyncadd.s32 $0xFFFFB140  }
0x1c: {  	[tilespmem:s17], [sflag:$0x3] =	stream.linear.gather [hbm4b:s7+s3], $0x4EC0, $0x38;
	[tilespmem:$0x1E440] =	vst v63  }
0x1d: {  	_ =	swait.ge [sflag:s15], $0x4EC0  }
0x1e: {  	[sflag:s15] =	ssyncset.done $0x0  }
0x1f: {  	s29 =	simm.s32 $0x100;
	s28 =	simm.s32 $0x0;
	[sflag:s15] =	ssyncadd.s32 $0xFFFFB140  }
.LBB2_2:
0x20: {  	p0 =	sne.s32 s29, $0x7F00;
	[tilespmem:s28+$0x12470] =	vst v0;
	s30 =	smov.u32 s29;
	s29 =	sadd.s32 $0x100, s29  }
.Ltmp0:
0x21: {  	[tilespmem:s28+$0x12460] =	vst v0;
	(pc) =	sbr.rel @p0 .LBB2_2-.Ltmp0, $3  }
0x22: {  	[tilespmem:s28+$0x12440] =	vst v0  }
0x23: {  	[tilespmem:s28+$0x12450] =	vst v0;
	_ =	sdelay $0x1  }
0x24: {  	s28 =	sshra.s32 s30, $0x2  }
0x25: {  	[tilespmem:s28+$0x12470] =	vst v0  }
0x26: {  	[tilespmem:s28+$0x12460] =	vst v0  }
0x27: {  	[tilespmem:s28+$0x12440] =	vst v0  }
0x28: {  	[tilespmem:s28+$0x12450] =	vst v0  }
0x29: {  	[spmem:s8] =	stream.linear.scatter [tilespmem:s18], [sflag:$0x3], $0x2000, $0x38;
	[tilespmem:$0x1E440] =	vst v63  }
0x2a: {  	_ =	swait.ge [sflag:s15], $0x2000  }
0x2b: {  	[sflag:s15] =	ssyncset.done $0x0  }
0x2c: {  	[sflag:s15] =	ssyncadd.s32 $0xFFFFE000  }
0x2d: {  	[spmem:s9] =	stream.linear.scatter [tilespmem:s18], [sflag:$0x3], $0x2000, $0x38;
	[tilespmem:$0x1E440] =	vst v63  }
0x2e: {  	_ =	swait.ge [sflag:s15], $0x2000  }
0x2f: {  	[sflag:s15] =	ssyncset.done $0x0  }
0x30: {  	[sflag:s15] =	ssyncadd.s32 $0xFFFFE000  }
0x31: {  	[spmem:s10] =	stream.linear.scatter [tilespmem:s18], [sflag:$0x3], $0x2000, $0x38;
	[tilespmem:$0x1E440] =	vst v63  }
0x32: {  	_ =	swait.ge [sflag:s15], $0x2000  }
0x33: {  	[sflag:s15] =	ssyncset.done $0x0  }
0x34: {  	[sflag:s15] =	ssyncadd.s32 $0xFFFFE000  }
0x35: {  	[spmem:s11] =	stream.linear.scatter [tilespmem:s18], [sflag:$0x3], $0x2000, $0x38;
	[tilespmem:$0x1E440] =	vst v63  }
0x36: {  	_ =	swait.ge [sflag:s15], $0x2000  }
0x37: {  	[sflag:s15] =	ssyncset.done $0x0  }
0x38: {  	[sflag:s15] =	ssyncadd.s32 $0xFFFFE000  }
0x39: {  	[spmem:s12] =	stream.linear.scatter [tilespmem:s18], [sflag:$0x3], $0x2000, $0x38;
	[tilespmem:$0x1E440] =	vst v63  }
0x3a: {  	_ =	swait.ge [sflag:s15], $0x2000  }
0x3b: {  	[sflag:s15] =	ssyncset.done $0x0  }
0x3c: {  	[sflag:s15] =	ssyncadd.s32 $0xFFFFE000  }
0x3d: {  	s28 =	simm.s32 $0x0;
	[bflag:$0x0] =	sbarrier.arrive $0xFFFF  }
0x3e: {  	[tilespmem:s20], [sflag:$0x1] =	stream.indirect.gather [hbm4b:s4+s19], $0x40, s28, s19, $0xb8;
	[tilespmem:$0x1E440] =	vst v63  }
0x3f: {  	_ = 	snop  }
0x40: {  	[tilespmem:s21], [sflag:$0x2] =	stream.indirect.gather [hbm4b:s4+s19], $0x40, s19, s19, $0xb8;
	[tilespmem:$0x1E440] =	vst v63  }
0x41: {  	_ =	swait.ge [sflag:s22], $0x1C00  }
0x42: {  	[sflag:s22] =	ssyncset.done $0x0  }
0x43: {  	s28 =	simm.s32 $0x4EC0;
	[sflag:s22] =	ssyncadd.s32 $0xFFFFE400  }
0x44: {  	[spmem:s2] =	stream.indirect.scatter.add.f32 [tilespmem:s20], [sflag:$0x3], $0x40, s28, s19, $0xb8;
	[tilespmem:$0x1E440] =	vst v63  }
0x45: {  	_ =	swait.ge [sflag:s15], $0x1C00  }
0x46: {  	[sflag:s15] =	ssyncset.done $0x0  }
0x47: {  	s28 =	simm.s32 $0xE0;
	[sflag:s15] =	ssyncadd.s32 $0xFFFFE400  }
0x48: {  	[tilespmem:s20], [sflag:$0x1] =	stream.indirect.gather [hbm4b:s4+s19], $0x40, s28, s19, $0xb8;
	[tilespmem:$0x1E440] =	vst v63  }
0x49: {  	_ =	swait.ge [sflag:s23], $0x1C00  }
0x4a: {  	[sflag:s23] =	ssyncset.done $0x0  }
0x4b: {  	s28 =	simm.s32 $0x4F30;
	[sflag:s23] =	ssyncadd.s32 $0xFFFFE400  }
0x4c: {  	[spmem:s2] =	stream.indirect.scatter.add.f32 [tilespmem:s21], [sflag:$0x3], $0x40, s28, s19, $0xb8;
	[tilespmem:$0x1E440] =	vst v63  }
0x4d: {  	_ =	swait.ge [sflag:s15], $0x1C00  }
0x4e: {  	[sflag:s15] =	ssyncset.done $0x0  }
0x4f: {  	s29 =	simm.s32 $0x150;
	s28 =	simm.s32 $0x380;
	[sflag:s15] =	ssyncadd.s32 $0xFFFFE400  }
.LBB2_4:
0x50: {  	[tilespmem:s21], [sflag:$0x2] =	stream.indirect.gather [hbm4b:s4+s19], $0x40, s29, s19, $0xb8;
	[tilespmem:$0x1E440] =	vst v63  }
0x51: {  	s29 =	smov.u32 s28  }
0x52: {  	p0 =	sne.s32 s28, $0x13400;
	s28 =	sadd.s32 $0x380, s28;
	_ =	swait.ge [sflag:s22], $0x1C00  }
0x53: {  	s29 =	sshra.s32 s29, $0x2;
	[sflag:s22] =	ssyncset.done $0x0  }
0x54: {  	s30 =	sadd.s32 $0x4EC0, s29;
	[sflag:s22] =	ssyncadd.s32 $0xFFFFE400  }
0x55: {  	[spmem:s2] =	stream.indirect.scatter.add.f32 [tilespmem:s20], [sflag:$0x3], $0x40, s30, s19, $0xb8;
	[tilespmem:$0x1E440] =	vst v63  }
0x56: {  	_ =	swait.ge [sflag:s15], $0x1C00  }
0x57: {  	[sflag:s15] =	ssyncset.done $0x0  }
0x58: {  	s30 =	sadd.s32 $0xE0, s29;
	[sflag:s15] =	ssyncadd.s32 $0xFFFFE400  }
0x59: {  	[tilespmem:s20], [sflag:$0x1] =	stream.indirect.gather [hbm4b:s4+s19], $0x40, s30, s19, $0xb8;
	[tilespmem:$0x1E440] =	vst v63  }
0x5a: {  	_ =	swait.ge [sflag:s23], $0x1C00  }
0x5b: {  	[sflag:s23] =	ssyncset.done $0x0  }
.Ltmp1:
0x5c: {  	s30 =	sadd.s32 $0x4F30, s29;
	[sflag:s23] =	ssyncadd.s32 $0xFFFFE400;
	(pc) =	sbr.rel @p0 .LBB2_4-.Ltmp1, $4  }
0x5d: {  	[spmem:s2] =	stream.indirect.scatter.add.f32 [tilespmem:s21], [sflag:$0x3], $0x40, s30, s19, $0xb8;
	[tilespmem:$0x1E440] =	vst v63  }
0x5e: {  	_ =	swait.ge [sflag:s15], $0x1C00  }
0x5f: {  	[sflag:s15] =	ssyncset.done $0x0  }
0x60: {  	s29 =	sadd.s32 $0x150, s29;
	[sflag:s15] =	ssyncadd.s32 $0xFFFFE400  }
0x61: {  	[tilespmem:s21], [sflag:$0x2] =	stream.indirect.gather [hbm4b:s4+s19], $0x40, s29, s19, $0xb8;
	[tilespmem:$0x1E440] =	vst v63  }
0x62: {  	_ =	swait.ge [sflag:s22], $0x1C00  }
0x63: {  	[sflag:s22] =	ssyncset.done $0x0  }
0x64: {  	[sflag:s22] =	ssyncadd.s32 $0xFFFFE400  }
0x65: {  	[spmem:s2] =	stream.indirect.scatter.add.f32 [tilespmem:s20], [sflag:$0x3], $0x40, s24, s19, $0xb8;
	[tilespmem:$0x1E440] =	vst v63  }
0x66: {  	_ =	swait.ge [sflag:s15], $0x1C00  }
0x67: {  	[sflag:s15] =	ssyncset.done $0x0  }
0x68: {  	[sflag:s15] =	ssyncadd.s32 $0xFFFFE400  }
0x69: {  	_ =	swait.ge [sflag:s23], $0x1C00  }
0x6a: {  	[sflag:s23] =	ssyncset.done $0x0  }
0x6b: {  	[sflag:s23] =	ssyncadd.s32 $0xFFFFE400  }
0x6c: {  	[spmem:s2] =	stream.indirect.scatter.add.f32 [tilespmem:s21], [sflag:$0x3], $0x40, s25, s19, $0xb8;
	[tilespmem:$0x1E440] =	vst v63  }
0x6d: {  	_ =	swait.ge [sflag:s15], $0x1C00  }
0x6e: {  	s28 =	sshll.u32 s1, $0x6;
	s26 =	sadd.s32 $0x1, s26;
	[sflag:s15] =	ssyncset.done $0x0  }
0x6f: {  	s31 =	sshrl.u32 s8, $0x3;
	p0 =	sne.s32 s26, s14;
	[sflag:s15] =	ssyncadd.s32 $0xFFFFE400  }
.Ltmp2:
0x70: {  	s28 =	sor.u32 $0x1C03, s28;
	[bflag:$0x0] =	sbarrier.arrive $0xFFFF;
	(pc) =	sbr.rel @p0 .LBB2_1-.Ltmp2, $4  }
0x71: {  	[hbm:s13], [sflag:s28] =	dma.local [spmem:s31], $0x1400  }
0x72: {  	_ =	swait.ge [sflag:s15], $0x1400  }
0x73: {  	[sflag:s15] =	ssyncset.done $0x0  }
0x74: {  	[sflag:s15] =	ssyncadd.s32 $0xFFFFEC00  }
0x75: {  	_ =	sfence.sel $0x180000  }
0x76: {  	[bflag:$0x0] =	sbarrier.arrive $0xFFFF  }
0x77: {  	p0 =	sne.s32 s1, $0x0;
	_ =	strace $0x90000053  }
0x78: {  	s0 =	sadd.s32 @!p0 $0x100000, s0;
	[bflag:$0x2] =	sbarrier.arrive $0xFFFF  }
0x79: {  	[sflag:s0] =	ssyncadd.tile.s32 @!p0 $0x1;
	_ =	shalt  }
.Lfunc_end2:
_tile_overlayer_lowered:
.L_overlay_start_2:
0x7a: {  	(tag) =	ssettag $0x2  }
0x7b: {  	s0 =	rddreg [dreg:$0x0];
	s2 =	stileid.u32  }
0x7c: {  	s1 =	rddreg [dreg:$0x1];
	p0 =	sne.s32 s2, $0x0  }
0x7d: {  	s3 =	rddreg [dreg:$0x2];
	[bflag:$0x3] =	sbarrier.arrive $0xFFFF;
	s2 =	simm.s32 @!p0 $0x1C03  }
0x7e: {  	[timem:s3], [sflag:s2] =	dma.local @!p0 [hbm:s0], s1  }
0x7f: {  	s0 =	simm.s32 @!p0 $0x3  }
0x80: {  	_ =	swait.ge @!p0 [sflag:s0], s1  }
0x81: {  	s1 =	ssub.s32 @!p0 $0x0, s1;
	[sflag:s0] =	ssyncset.done @!p0 $0x0  }
0x82: {  	[sflag:s0] =	ssyncadd.s32 @!p0 s1  }
0x83: {  	[bflag:$0x3] =	sbarrier.arrive $0xFFFF  }
0x84: {  	_ =	shalt  }

</sc_bundles>
